<compile_context>
chip_gen: v7x
topology: tpu7x:2x2x1
jax: 0.10.2.dev20260603
libtpu: 0.0.44.dev20260713+nightly
codegen_flags: <defaults>
</compile_context>

<pallas_src>
import functools

import jax
import jax.numpy as jnp
from jax import lax
from jax.experimental import pallas as pl
from jax.experimental.pallas import tpu as pltpu, tpu_sc as plsc

N = 50000
E = 800000
HID = 64

NCORE = 2
NSUB = 16
NP = 50176
HALF = NP // 2
AGG_ROWS = HALF + 16
DUMMY = HALF
KBLK = 128
NBLK = 392
NPAIR = NBLK // 2
E_TILE = KBLK * NBLK
EPAD = E_TILE * NSUB
ZROWS = 112

RB = 1024
GRID = NP // RB


def _sc_scatter_add(m, sd, zeros):
    mesh = plsc.VectorSubcoreMesh(core_axis_name="c", subcore_axis_name="s")

    @functools.partial(
        pl.kernel,
        out_type=jax.ShapeDtypeStruct((NP, HID), jnp.float32),
        mesh=mesh,
        scratch_types=[
            pltpu.VMEM((2, 128), jnp.int32),
            pltpu.VMEM((2, 128), jnp.int32),
            pltpu.VMEM((1, 128), jnp.int32),
            pltpu.VMEM((1, 128), jnp.int32),
            pltpu.VMEM((KBLK, HID), jnp.float32),
            pltpu.VMEM((KBLK, HID), jnp.float32),
            pltpu.VMEM_SHARED((AGG_ROWS, HID), jnp.float32),
            pltpu.SemaphoreType.DMA,
            pltpu.SemaphoreType.DMA,
            pltpu.SemaphoreType.DMA,
            pltpu.SemaphoreType.DMA,
            pltpu.SemaphoreType.DMA,
            pltpu.SemaphoreType.DMA,
        ],
        compiler_params=pltpu.CompilerParams(use_tc_tiling_on_sc=False),
    )
    def k(m_hbm, sd_hbm, z_hbm, out_hbm, sd0, sd1, ib0, ib1,
          rb0, rb1, agg, si0, si1, sg0, sg1, ss0, ss1):
        c = lax.axis_index("c")
        s = lax.axis_index("s")
        lo = c * HALF
        hi = lo + HALF
        sdb = (sd0, sd1)
        ibb = (ib0, ib1)
        rbb = (rb0, rb1)
        semi = (si0, si1)
        semg = (sg0, sg1)
        sems = (ss0, ss1)

        pltpu.sync_copy(z_hbm, rb0.at[pl.ds(0, ZROWS)])
        zchunk = HALF // NSUB
        for r in range(14):
            pltpu.sync_copy(
                rb0.at[pl.ds(0, ZROWS)],
                agg.at[pl.ds(s * zchunk + r * ZROWS, ZROWS)],
            )
        plsc.subcore_barrier()

        base = s * (2 * NBLK)

        def fire_idx(g, p):
            pltpu.async_copy(sd_hbm.at[pl.ds(base + 2 * g, 2)], sdb[p], semi[p])

        def wait_idx(p):
            pltpu.make_async_copy(sd_hbm.at[pl.ds(base, 2)], sdb[p], semi[p]).wait()

        def compute_local(p):
            for t in range(8):
                d = sdb[p][1, pl.ds(t * 16, 16)]
                inr = (d >= lo) & (d < hi)
                ibb[p][0, pl.ds(t * 16, 16)] = jnp.where(inr, d - lo, DUMMY)

        def fire_gather(p):
            pltpu.async_copy(m_hbm.at[sdb[p].at[0]], rbb[p], semg[p])

        def wait_gather(p):
            pltpu.make_async_copy(m_hbm.at[sdb[p].at[0]], rbb[p], semg[p]).wait()

        def fire_scatter(p):
            pltpu.async_copy(rbb[p], agg.at[ibb[p].at[0]], sems[p], add=True)

        def wait_scatter(p):
            pltpu.make_async_copy(rbb[p], agg.at[ibb[p].at[0]], sems[p]).wait()

        fire_idx(0, 0)
        wait_idx(0)
        compute_local(0)
        fire_gather(0)
        fire_idx(1, 1)

        def body(t, carry):
            B = 2 * t
            wait_gather(0)
            fire_scatter(0)

            @pl.when(B + 2 < NBLK)
            def _():
                fire_idx(B + 2, 0)

            wait_idx(1)

            @pl.when(t > 0)
            def _():
                wait_scatter(1)

            compute_local(1)
            fire_gather(1)
            wait_gather(1)
            fire_scatter(1)

            @pl.when(B + 3 < NBLK)
            def _():
                fire_idx(B + 3, 1)

            wait_scatter(0)

            @pl.when(B + 2 < NBLK)
            def _():
                wait_idx(0)
                compute_local(0)
                fire_gather(0)

            return carry

        lax.fori_loop(0, NPAIR, body, 0)
        wait_scatter(1)
        plsc.subcore_barrier()

        ch = HALF // NSUB
        pltpu.sync_copy(
            agg.at[pl.ds(pl.multiple_of(s * ch, 8), ch)],
            out_hbm.at[pl.ds(pl.multiple_of(lo + s * ch, 8), ch)],
        )

    return k(m, sd, zeros)


def _row_spec(block_cols):
    return pl.BlockSpec((RB, block_cols), lambda i: (i, 0))


def _w_spec(r, cols):
    return pl.BlockSpec((r, cols), lambda i: (0, 0))


def _tc0(at2, coords8, Tc, bi2, Wm1, bm1):

    def body(at_ref, co_ref, t_ref, bi_ref, wm_ref, bm_ref, h_ref, m_ref):
        a = at_ref[...]
        oh = (a == lax.broadcasted_iota(jnp.int32, (RB, 4), 1)).astype(jnp.float32)
        x = jnp.concatenate([oh, co_ref[...]], axis=-1)
        h = jnp.dot(x, t_ref[...], preferred_element_type=jnp.float32)
        h = jnp.maximum(h + bi_ref[...], 0.0)
        h_ref[...] = h
        m_ref[...] = jnp.maximum(
            jnp.dot(h, wm_ref[...], preferred_element_type=jnp.float32) + bm_ref[...],
            0.0,
        )

    return pl.pallas_call(
        body,
        grid=(GRID,),
        in_specs=[
            _row_spec(1), _row_spec(8), _w_spec(12, HID),
            _w_spec(1, HID), _w_spec(HID, HID), _w_spec(1, HID),
        ],
        out_specs=[_row_spec(HID), _row_spec(HID)],
        out_shape=[
            jax.ShapeDtypeStruct((NP, HID), jnp.float32),
            jax.ShapeDtypeStruct((NP, HID), jnp.float32),
        ],
    )(at2, coords8, Tc, bi2, Wm1, bm1)


def _tc_mid(h0, agg1, Wsa1, ba1, Wm2, bm2):

    def body(h_ref, a_ref, ws_ref, ba_ref, wm_ref, bm_ref, h1_ref, m2_ref):
        x = jnp.concatenate([h_ref[...], a_ref[...]], axis=-1)
        h1 = jnp.dot(x, ws_ref[...], preferred_element_type=jnp.float32)
        h1 = jnp.maximum(h1 + ba_ref[...], 0.0)
        h1_ref[...] = h1
        m2_ref[...] = jnp.maximum(
            jnp.dot(h1, wm_ref[...], preferred_element_type=jnp.float32) + bm_ref[...],
            0.0,
        )

    return pl.pallas_call(
        body,
        grid=(GRID,),
        in_specs=[
            _row_spec(HID), _row_spec(HID), _w_spec(2 * HID, HID),
            _w_spec(1, HID), _w_spec(HID, HID), _w_spec(1, HID),
        ],
        out_specs=[_row_spec(HID), _row_spec(HID)],
        out_shape=[
            jax.ShapeDtypeStruct((NP, HID), jnp.float32),
            jax.ShapeDtypeStruct((NP, HID), jnp.float32),
        ],
    )(h0, agg1, Wsa1, ba1, Wm2, bm2)


def _tc_final(h1, agg2, coords8, at2, Wsa2, ba2, Wo, bo2,
              W1hc, b1, W2, b2, W3, b3, W4p, b4p):

    def body(h_ref, a_ref, co_ref, at_ref, ws_ref, ba_ref, wo_ref, bo_ref,
             w1_ref, b1_ref, w2_ref, b2_ref, w3_ref, b3_ref,
             w4_ref, b4_ref, out_ref):
        xh = jnp.concatenate([h_ref[...], a_ref[...]], axis=-1)
        h2 = jnp.dot(xh, ws_ref[...], preferred_element_type=jnp.float32)
        h2 = jnp.maximum(h2 + ba_ref[...], 0.0)
        nf = jnp.dot(h2, wo_ref[...], preferred_element_type=jnp.float32) + bo_ref[...]
        a = at_ref[...]
        co = co_ref[...]
        cond = co * (a == 0).astype(jnp.float32)
        x = jnp.concatenate([nf, cond], axis=-1)
        x = jnp.dot(x, w1_ref[...], preferred_element_type=jnp.float32)
        x = jnp.maximum(x + b1_ref[...], 0.0)
        x = jnp.maximum(
            jnp.dot(x, w2_ref[...], preferred_element_type=jnp.float32) + b2_ref[...],
            0.0,
        )
        x = jnp.maximum(
            jnp.dot(x, w3_ref[...], preferred_element_type=jnp.float32) + b3_ref[...],
            0.0,
        )
        shift = jnp.dot(x, w4_ref[...], preferred_element_type=jnp.float32) + b4_ref[...]
        mask = (a > 0).astype(jnp.float32)
        out_ref[...] = co + shift * mask

    return pl.pallas_call(
        body,
        grid=(GRID,),
        in_specs=[
            _row_spec(HID), _row_spec(HID), _row_spec(8), _row_spec(1),
            _w_spec(2 * HID, HID), _w_spec(1, HID),
            _w_spec(HID, HID), _w_spec(1, HID),
            _w_spec(HID + 8, HID), _w_spec(1, HID),
            _w_spec(HID, HID), _w_spec(1, HID),
            _w_spec(HID, 32), _w_spec(1, 32),
            _w_spec(32, 8), _w_spec(1, 8),
        ],
        out_specs=[_row_spec(8)],
        out_shape=[jax.ShapeDtypeStruct((NP, 8), jnp.float32)],
    )(h1, agg2, coords8, at2, Wsa2, ba2, Wo, bo2,
      W1hc, b1, W2, b2, W3, b3, W4p, b4p)


def kernel(coordinates, atom_types, adj_list, edge_batch_idx, masked_elements, params):
    del edge_batch_idx, masked_elements
    coords = coordinates.reshape(N, 3)
    coords8 = jnp.pad(coords, ((0, NP - N), (0, 5)))
    at2 = jnp.pad(atom_types.reshape(N, 1).astype(jnp.int32), ((0, NP - N), (0, 0)))

    src = adj_list[:, 0].astype(jnp.int32)
    dst = adj_list[:, 1].astype(jnp.int32)
    pad = EPAD - E
    src2 = jnp.concatenate([src, jnp.zeros((pad,), jnp.int32)]).reshape(-1, 128)
    dst2 = jnp.concatenate([dst, jnp.full((pad,), NP, jnp.int32)]).reshape(-1, 128)
    sd = jnp.stack([src2, dst2], axis=1).reshape(-1, 128)
    zeros = jnp.zeros((ZROWS, HID), jnp.float32)

    Wi, bi = params['in_proj']
    T = params['embed'] @ Wi[:64]
    Wc = jnp.pad(Wi[64:67], ((0, 5), (0, 0)))
    Tc = jnp.concatenate([T, Wc], axis=0)
    bi2 = bi.reshape(1, HID)
    (Wm1, bm1), (Ws1, _), (Wa1, ba1) = (params['mp_layers'][0][k]
                                        for k in ('msg', 'self', 'agg'))
    (Wm2, bm2), (Ws2, _), (Wa2, ba2) = (params['mp_layers'][1][k]
                                        for k in ('msg', 'self', 'agg'))
    Wsa1 = jnp.concatenate([Ws1, Wa1], axis=0)
    Wsa2 = jnp.concatenate([Ws2, Wa2], axis=0)
    Wo, bo = params['out_proj']
    (W1, b1), (W2, b2), (W3, b3), (W4, b4) = params['shift_net']
    W1c = jnp.pad(W1[64:67], ((0, 5), (0, 0)))
    W1hc = jnp.concatenate([W1[:64], W1c], axis=0)
    W4p = jnp.pad(W4, ((0, 0), (0, 5)))
    b4p = jnp.pad(b4, (0, 5)).reshape(1, 8)

    h0, m1 = _tc0(at2, coords8, Tc, bi2, Wm1, bm1.reshape(1, HID))
    agg1 = _sc_scatter_add(m1, sd, zeros)
    h1, m2 = _tc_mid(h0, agg1, Wsa1, ba1.reshape(1, HID),
                     Wm2, bm2.reshape(1, HID))
    agg2 = _sc_scatter_add(m2, sd, zeros)
    out8 = _tc_final(h1, agg2, coords8, at2, Wsa2, ba2.reshape(1, HID),
                     Wo, bo.reshape(1, HID),
                     W1hc, b1.reshape(1, HID), W2, b2.reshape(1, HID),
                     W3, b3.reshape(1, 32), W4p, b4p)

    output_coords = out8[0][:N, :3].reshape(1, N, 3)
    log_det = jnp.zeros((1,), jnp.float32)
    return (output_coords, log_det)

# --- scband reference (transcript-rebuilt; emitter-appended) ---
"""Pipeline reference for scband-message-passing-coupling-layer-26998164422861 (READ-ONLY COPY).

The authoritative reference and input builder live on the scoring server;
editing this copy changes nothing except your own understanding.
"""

import jax, jax.numpy as jnp
import numpy as np

B = 1
N = 50000
E = 800000
VOCAB = 4
EMBED = 64
HIDDEN = 64
NUM_MP_LAYERS = 2
OUT_DIM = 64
SCALE_RANGE = 0.5
MLP_HIDDEN = [64, 64, 32]


def _linear_params(key, din, dout, zero=False):
    if zero:
        return (jnp.zeros((din, dout), jnp.float32), jnp.zeros((dout,), jnp.float32))
    k1, k2 = jax.random.split(key)
    lim = 1.0 / np.sqrt(din)
    W = jax.random.uniform(k1, (din, dout), jnp.float32, -lim, lim)
    b = jax.random.uniform(k2, (dout,), jnp.float32, -lim, lim)
    return (W, b)


def _mlp_params(key, din, hidden, dout, zero_final=False):
    dims = [din] + hidden + [dout]
    layers = []
    for i in range(len(dims) - 1):
        key, sub = jax.random.split(key)
        zero = zero_final and (i == len(dims) - 2)
        layers.append(_linear_params(sub, dims[i], dims[i + 1], zero=zero))
    return layers


def setup_inputs(seed: int = 0):
    key = jax.random.key(seed)
    ks = jax.random.split(key, 12)
    coordinates = jax.random.normal(ks[0], (B, N, 3), jnp.float32)
    atom_types = jax.random.randint(ks[1], (B, N), 0, VOCAB)
    adj_list = jax.random.randint(ks[2], (E, 2), 0, N)
    edge_batch_idx = jnp.zeros((E,), jnp.int32)
    masked_elements = jnp.zeros((B, N), dtype=bool)
    params = {
        'embed': jax.random.normal(ks[3], (VOCAB, EMBED), jnp.float32),
        'in_proj': _linear_params(ks[4], EMBED + 3, HIDDEN),
        'mp_layers': [
            {
                'msg': _linear_params(jax.random.fold_in(ks[5], i), HIDDEN, HIDDEN),
                'self': _linear_params(jax.random.fold_in(ks[6], i), HIDDEN, HIDDEN),
                'agg': _linear_params(jax.random.fold_in(ks[7], i), HIDDEN, HIDDEN),
            }
            for i in range(NUM_MP_LAYERS)
        ],
        'out_proj': _linear_params(ks[8], HIDDEN, OUT_DIM),
        'scale_net': _mlp_params(ks[9], OUT_DIM + 3, MLP_HIDDEN, 3, zero_final=True),
        'shift_net': _mlp_params(ks[10], OUT_DIM + 3, MLP_HIDDEN, 3),
    }
    return {
        'coordinates': coordinates,
        'atom_types': atom_types,
        'adj_list': adj_list,
        'edge_batch_idx': edge_batch_idx,
        'masked_elements': masked_elements,
        'params': params,
    }


def _mlp_apply(x, layers):
    for W, b in layers[:-1]:
        x = jax.nn.relu(x @ W + b)
    W, b = layers[-1]
    return x @ W + b


def _message_passing(params, atom_types, coordinates, adj_list, edge_batch_idx, valid):
    emb = jnp.take(params['embed'], atom_types, axis=0)
    x = jnp.concatenate([emb, coordinates], axis=-1)
    Wi, bi = params['in_proj']
    h = jax.nn.relu(x @ Wi + bi) * valid
    src = adj_list[:, 0]
    dst = adj_list[:, 1]
    for layer in params['mp_layers']:
        Wm, bm = layer['msg']
        Ws, _bs = layer['self']
        Wa, ba = layer['agg']
        h_src = h[edge_batch_idx, src]
        msg = jax.nn.relu(h_src @ Wm + bm)
        agg = jnp.zeros_like(h).at[edge_batch_idx, dst].add(msg)
        h = jax.nn.relu(h @ Ws + agg @ Wa + ba) * valid
    Wo, bo = params['out_proj']
    return h @ Wo + bo


def reference(coordinates, atom_types, adj_list, edge_batch_idx, masked_elements, params):
    valid = (~masked_elements)[..., None].astype(jnp.float32)
    # phase == 0 coupling mask: atoms with type > 0 are transformed
    coupling_mask = (atom_types > 0) & (~masked_elements)
    unchanged = ~coupling_mask
    node_features = _message_passing(params, atom_types, coordinates, adj_list, edge_batch_idx, valid)
    cond_coords = coordinates * unchanged[..., None].astype(jnp.float32)
    combined = jnp.concatenate([node_features, cond_coords], axis=-1)
    raw_scales = _mlp_apply(combined, params['scale_net'])
    shifts = _mlp_apply(combined, params['shift_net'])
    log_scales = jnp.tanh(raw_scales) * SCALE_RANGE
    mask3d = coupling_mask[..., None].astype(jnp.float32)
    log_scales = log_scales * mask3d
    shifts = shifts * mask3d
    log_scales = log_scales * valid
    log_det = log_scales.sum(axis=(1, 2))
    scales = jnp.exp(log_scales)
    output_coords = scales * coordinates + shifts
    output_coords = output_coords * mask3d + coordinates * (1.0 - mask3d)
    return (output_coords, log_det)

if __name__ == "__main__":
    import jax
    _d = setup_inputs()
    print(jax.jit(kernel)(*tuple(_d.values())))

</pallas_src>

<mosaic_0001>
#map = affine_map<(d0, d1) -> (0, 0)>
module attributes {stable_mosaic.version = 14 : i64} {
  func.func @k(%arg0: i32, %arg1: i32, %arg2: memref<50176x64xf32, #tpu.memory_space<hbm>>, %arg3: memref<12544x128xi32, #tpu.memory_space<hbm>>, %arg4: memref<112x64xf32, #tpu.memory_space<hbm>>, %arg5: memref<50176x64xf32, #tpu.memory_space<hbm>>, %arg6: memref<2x128xi32, #tpu.memory_space<vmem>>, %arg7: memref<2x128xi32, #tpu.memory_space<vmem>>, %arg8: memref<1x128xi32, #tpu.memory_space<vmem>>, %arg9: memref<1x128xi32, #tpu.memory_space<vmem>>, %arg10: memref<128x64xf32, #tpu.memory_space<vmem>>, %arg11: memref<128x64xf32, #tpu.memory_space<vmem>>, %arg12: memref<25104x64xf32, #tpu.memory_space<vmem_shared>>, %arg13: memref<!tpu.dma_semaphore, #tpu.memory_space<semaphore_mem>>, %arg14: memref<!tpu.dma_semaphore, #tpu.memory_space<semaphore_mem>>, %arg15: memref<!tpu.dma_semaphore, #tpu.memory_space<semaphore_mem>>, %arg16: memref<!tpu.dma_semaphore, #tpu.memory_space<semaphore_mem>>, %arg17: memref<!tpu.dma_semaphore, #tpu.memory_space<semaphore_mem>>, %arg18: memref<!tpu.dma_semaphore, #tpu.memory_space<semaphore_mem>>) attributes {dimension_semantics = [#tpu.dimension_semantics<core_parallel>, #tpu.dimension_semantics<subcore_parallel>], iteration_bounds = array<i64: 2, 16>, scalar_prefetch = 0 : i64, scratch_operands = 13 : i64, tpu.core_type = #tpu.core_type<sc_vector_subcore>, window_params = [{transform_indices = #map}, {transform_indices = #map}, {transform_indices = #map}, {transform_indices = #map}]} {
    %mul3A = arith.constant 25088 : i32
    %mul3A_0 = arith.muli %arg0, %mul3A : i32
    %add3A = arith.constant 25088 : i32
    %add3A_1 = arith.addi %mul3A_0, %add3A : i32
    "tpu.region"() ({
      %run_scoped3A = tpu.sem_alloc : memref<!tpu.dma_semaphore, #tpu.memory_space<semaphore_mem>>
      %dma_start3A_259 = arith.constant 0 : i32
      %dma_start3A_260 = arith.constant 0 : i32
      %dma_start3A_261 = tpu.memref_slice %arg10[%dma_start3A_259, %dma_start3A_260] : memref<128x64xf32, #tpu.memory_space<vmem>> -> memref<112x64xf32, #tpu.memory_space<vmem>>
      %dma_start3A_262 = arith.constant 0 : i32
      %dma_start3A_263 = arith.constant 0 : i32
      %dma_start3A_264 = tpu.memref_slice %arg10[%dma_start3A_262, %dma_start3A_263] : memref<128x64xf32, #tpu.memory_space<vmem>> -> memref<112x64xf32, #tpu.memory_space<vmem>>
      tpu.enqueue_dma source(%arg4 : memref<112x64xf32, #tpu.memory_space<hbm>>) target(%dma_start3A_264 : memref<112x64xf32, #tpu.memory_space<vmem>>) target_semaphore(%run_scoped3A : memref<!tpu.dma_semaphore, #tpu.memory_space<semaphore_mem>>)
      %dma_wait3A_265 = arith.constant 0 : i32
      %dma_wait3A_266 = arith.constant 0 : i32
      %dma_wait3A_267 = tpu.memref_slice %arg10[%dma_wait3A_265, %dma_wait3A_266] : memref<128x64xf32, #tpu.memory_space<vmem>> -> memref<112x64xf32, #tpu.memory_space<vmem>>
      %dma_wait3A_268 = arith.constant 0 : i32
      %dma_wait3A_269 = arith.constant 0 : i32
      %dma_wait3A_270 = tpu.memref_slice %arg10[%dma_wait3A_268, %dma_wait3A_269] : memref<128x64xf32, #tpu.memory_space<vmem>> -> memref<112x64xf32, #tpu.memory_space<vmem>>
      tpu.wait_dma2 semaphore(%run_scoped3A : memref<!tpu.dma_semaphore, #tpu.memory_space<semaphore_mem>>) src(%arg4 : memref<112x64xf32, #tpu.memory_space<hbm>>) dst(%dma_wait3A_270 : memref<112x64xf32, #tpu.memory_space<vmem>>)
      tpu.yield
    }) : () -> ()
    %mul3A_2 = arith.constant 1568 : i32
    %mul3A_3 = arith.muli %arg1, %mul3A_2 : i32
    %add3A_4 = arith.constant 0 : i32
    %add3A_5 = arith.addi %mul3A_3, %add3A_4 : i32
    "tpu.region"() ({
      %run_scoped3A = tpu.sem_alloc : memref<!tpu.dma_semaphore, #tpu.memory_space<semaphore_mem>>
      %dma_start3A_259 = arith.constant 0 : i32
      %dma_start3A_260 = arith.constant 0 : i32
      %dma_start3A_261 = tpu.memref_slice %arg10[%dma_start3A_259, %dma_start3A_260] : memref<128x64xf32, #tpu.memory_space<vmem>> -> memref<112x64xf32, #tpu.memory_space<vmem>>
      %dma_start3A_262 = arith.constant 0 : i32
      %dma_start3A_263 = tpu.memref_slice %arg12[%add3A_5, %dma_start3A_262] : memref<25104x64xf32, #tpu.memory_space<vmem_shared>> -> memref<112x64xf32, #tpu.memory_space<vmem_shared>>
      %dma_start3A_264 = arith.constant 0 : i32
      %dma_start3A_265 = tpu.memref_slice %arg12[%add3A_5, %dma_start3A_264] : memref<25104x64xf32, #tpu.memory_space<vmem_shared>> -> memref<112x64xf32, #tpu.memory_space<vmem_shared>>
      %dma_start3A_266 = arith.constant 0 : i32
      %dma_start3A_267 = arith.constant 0 : i32
      %dma_start3A_268 = tpu.memref_slice %arg10[%dma_start3A_266, %dma_start3A_267] : memref<128x64xf32, #tpu.memory_space<vmem>> -> memref<112x64xf32, #tpu.memory_space<vmem>>
      tpu.enqueue_dma source(%dma_start3A_268 : memref<112x64xf32, #tpu.memory_space<vmem>>) target(%dma_start3A_265 : memref<112x64xf32, #tpu.memory_space<vmem_shared>>) target_semaphore(%run_scoped3A : memref<!tpu.dma_semaphore, #tpu.memory_space<semaphore_mem>>)
      %dma_wait3A_269 = arith.constant 0 : i32
      %dma_wait3A_270 = arith.constant 0 : i32
      %dma_wait3A_271 = tpu.memref_slice %arg10[%dma_wait3A_269, %dma_wait3A_270] : memref<128x64xf32, #tpu.memory_space<vmem>> -> memref<112x64xf32, #tpu.memory_space<vmem>>
      %dma_wait3A_272 = arith.constant 0 : i32
      %dma_wait3A_273 = tpu.memref_slice %arg12[%add3A_5, %dma_wait3A_272] : memref<25104x64xf32, #tpu.memory_space<vmem_shared>> -> memref<112x64xf32, #tpu.memory_space<vmem_shared>>
      %dma_wait3A_274 = arith.constant 0 : i32
      %dma_wait3A_275 = tpu.memref_slice %arg12[%add3A_5, %dma_wait3A_274] : memref<25104x64xf32, #tpu.memory_space<vmem_shared>> -> memref<112x64xf32, #tpu.memory_space<vmem_shared>>
      %dma_wait3A_276 = arith.constant 0 : i32
      %dma_wait3A_277 = arith.constant 0 : i32
      %dma_wait3A_278 = tpu.memref_slice %arg10[%dma_wait3A_276, %dma_wait3A_277] : memref<128x64xf32, #tpu.memory_space<vmem>> -> memref<112x64xf32, #tpu.memory_space<vmem>>
      tpu.wait_dma2 semaphore(%run_scoped3A : memref<!tpu.dma_semaphore, #tpu.memory_space<semaphore_mem>>) src(%dma_wait3A_278 : memref<112x64xf32, #tpu.memory_space<vmem>>) dst(%dma_wait3A_275 : memref<112x64xf32, #tpu.memory_space<vmem_shared>>)
      tpu.yield
    }) : () -> ()
    %mul3A_6 = arith.constant 1568 : i32
    %mul3A_7 = arith.muli %arg1, %mul3A_6 : i32
    %add3A_8 = arith.constant 112 : i32
    %add3A_9 = arith.addi %mul3A_7, %add3A_8 : i32
    "tpu.region"() ({
      %run_scoped3A = tpu.sem_alloc : memref<!tpu.dma_semaphore, #tpu.memory_space<semaphore_mem>>
      %dma_start3A_259 = arith.constant 0 : i32
      %dma_start3A_260 = arith.constant 0 : i32
      %dma_start3A_261 = tpu.memref_slice %arg10[%dma_start3A_259, %dma_start3A_260] : memref<128x64xf32, #tpu.memory_space<vmem>> -> memref<112x64xf32, #tpu.memory_space<vmem>>
      %dma_start3A_262 = arith.constant 0 : i32
      %dma_start3A_263 = tpu.memref_slice %arg12[%add3A_9, %dma_start3A_262] : memref<25104x64xf32, #tpu.memory_space<vmem_shared>> -> memref<112x64xf32, #tpu.memory_space<vmem_shared>>
      %dma_start3A_264 = arith.constant 0 : i32
      %dma_start3A_265 = tpu.memref_slice %arg12[%add3A_9, %dma_start3A_264] : memref<25104x64xf32, #tpu.memory_space<vmem_shared>> -> memref<112x64xf32, #tpu.memory_space<vmem_shared>>
      %dma_start3A_266 = arith.constant 0 : i32
      %dma_start3A_267 = arith.constant 0 : i32
      %dma_start3A_268 = tpu.memref_slice %arg10[%dma_start3A_266, %dma_start3A_267] : memref<128x64xf32, #tpu.memory_space<vmem>> -> memref<112x64xf32, #tpu.memory_space<vmem>>
      tpu.enqueue_dma source(%dma_start3A_268 : memref<112x64xf32, #tpu.memory_space<vmem>>) target(%dma_start3A_265 : memref<112x64xf32, #tpu.memory_space<vmem_shared>>) target_semaphore(%run_scoped3A : memref<!tpu.dma_semaphore, #tpu.memory_space<semaphore_mem>>)
      %dma_wait3A_269 = arith.constant 0 : i32
      %dma_wait3A_270 = arith.constant 0 : i32
      %dma_wait3A_271 = tpu.memref_slice %arg10[%dma_wait3A_269, %dma_wait3A_270] : memref<128x64xf32, #tpu.memory_space<vmem>> -> memref<112x64xf32, #tpu.memory_space<vmem>>
      %dma_wait3A_272 = arith.constant 0 : i32
      %dma_wait3A_273 = tpu.memref_slice %arg12[%add3A_9, %dma_wait3A_272] : memref<25104x64xf32, #tpu.memory_space<vmem_shared>> -> memref<112x64xf32, #tpu.memory_space<vmem_shared>>
      %dma_wait3A_274 = arith.constant 0 : i32
      %dma_wait3A_275 = tpu.memref_slice %arg12[%add3A_9, %dma_wait3A_274] : memref<25104x64xf32, #tpu.memory_space<vmem_shared>> -> memref<112x64xf32, #tpu.memory_space<vmem_shared>>
      %dma_wait3A_276 = arith.constant 0 : i32
      %dma_wait3A_277 = arith.constant 0 : i32
      %dma_wait3A_278 = tpu.memref_slice %arg10[%dma_wait3A_276, %dma_wait3A_277] : memref<128x64xf32, #tpu.memory_space<vmem>> -> memref<112x64xf32, #tpu.memory_space<vmem>>
      tpu.wait_dma2 semaphore(%run_scoped3A : memref<!tpu.dma_semaphore, #tpu.memory_space<semaphore_mem>>) src(%dma_wait3A_278 : memref<112x64xf32, #tpu.memory_space<vmem>>) dst(%dma_wait3A_275 : memref<112x64xf32, #tpu.memory_space<vmem_shared>>)
      tpu.yield
    }) : () -> ()
    %mul3A_10 = arith.constant 1568 : i32
    %mul3A_11 = arith.muli %arg1, %mul3A_10 : i32
    %add3A_12 = arith.constant 224 : i32
    %add3A_13 = arith.addi %mul3A_11, %add3A_12 : i32
    "tpu.region"() ({
      %run_scoped3A = tpu.sem_alloc : memref<!tpu.dma_semaphore, #tpu.memory_space<semaphore_mem>>
      %dma_start3A_259 = arith.constant 0 : i32
      %dma_start3A_260 = arith.constant 0 : i32
      %dma_start3A_261 = tpu.memref_slice %arg10[%dma_start3A_259, %dma_start3A_260] : memref<128x64xf32, #tpu.memory_space<vmem>> -> memref<112x64xf32, #tpu.memory_space<vmem>>
      %dma_start3A_262 = arith.constant 0 : i32
      %dma_start3A_263 = tpu.memref_slice %arg12[%add3A_13, %dma_start3A_262] : memref<25104x64xf32, #tpu.memory_space<vmem_shared>> -> memref<112x64xf32, #tpu.memory_space<vmem_shared>>
      %dma_start3A_264 = arith.constant 0 : i32
      %dma_start3A_265 = tpu.memref_slice %arg12[%add3A_13, %dma_start3A_264] : memref<25104x64xf32, #tpu.memory_space<vmem_shared>> -> memref<112x64xf32, #tpu.memory_space<vmem_shared>>
      %dma_start3A_266 = arith.constant 0 : i32
      %dma_start3A_267 = arith.constant 0 : i32
      %dma_start3A_268 = tpu.memref_slice %arg10[%dma_start3A_266, %dma_start3A_267] : memref<128x64xf32, #tpu.memory_space<vmem>> -> memref<112x64xf32, #tpu.memory_space<vmem>>
      tpu.enqueue_dma source(%dma_start3A_268 : memref<112x64xf32, #tpu.memory_space<vmem>>) target(%dma_start3A_265 : memref<112x64xf32, #tpu.memory_space<vmem_shared>>) target_semaphore(%run_scoped3A : memref<!tpu.dma_semaphore, #tpu.memory_space<semaphore_mem>>)
      %dma_wait3A_269 = arith.constant 0 : i32
      %dma_wait3A_270 = arith.constant 0 : i32
      %dma_wait3A_271 = tpu.memref_slice %arg10[%dma_wait3A_269, %dma_wait3A_270] : memref<128x64xf32, #tpu.memory_space<vmem>> -> memref<112x64xf32, #tpu.memory_space<vmem>>
      %dma_wait3A_272 = arith.constant 0 : i32
      %dma_wait3A_273 = tpu.memref_slice %arg12[%add3A_13, %dma_wait3A_272] : memref<25104x64xf32, #tpu.memory_space<vmem_shared>> -> memref<112x64xf32, #tpu.memory_space<vmem_shared>>
      %dma_wait3A_274 = arith.constant 0 : i32
      %dma_wait3A_275 = tpu.memref_slice %arg12[%add3A_13, %dma_wait3A_274] : memref<25104x64xf32, #tpu.memory_space<vmem_shared>> -> memref<112x64xf32, #tpu.memory_space<vmem_shared>>
      %dma_wait3A_276 = arith.constant 0 : i32
      %dma_wait3A_277 = arith.constant 0 : i32
      %dma_wait3A_278 = tpu.memref_slice %arg10[%dma_wait3A_276, %dma_wait3A_277] : memref<128x64xf32, #tpu.memory_space<vmem>> -> memref<112x64xf32, #tpu.memory_space<vmem>>
      tpu.wait_dma2 semaphore(%run_scoped3A : memref<!tpu.dma_semaphore, #tpu.memory_space<semaphore_mem>>) src(%dma_wait3A_278 : memref<112x64xf32, #tpu.memory_space<vmem>>) dst(%dma_wait3A_275 : memref<112x64xf32, #tpu.memory_space<vmem_shared>>)
      tpu.yield
    }) : () -> ()
    %mul3A_14 = arith.constant 1568 : i32
    %mul3A_15 = arith.muli %arg1, %mul3A_14 : i32
    %add3A_16 = arith.constant 336 : i32
    %add3A_17 = arith.addi %mul3A_15, %add3A_16 : i32
    "tpu.region"() ({
      %run_scoped3A = tpu.sem_alloc : memref<!tpu.dma_semaphore, #tpu.memory_space<semaphore_mem>>
      %dma_start3A_259 = arith.constant 0 : i32
      %dma_start3A_260 = arith.constant 0 : i32
      %dma_start3A_261 = tpu.memref_slice %arg10[%dma_start3A_259, %dma_start3A_260] : memref<128x64xf32, #tpu.memory_space<vmem>> -> memref<112x64xf32, #tpu.memory_space<vmem>>
      %dma_start3A_262 = arith.constant 0 : i32
      %dma_start3A_263 = tpu.memref_slice %arg12[%add3A_17, %dma_start3A_262] : memref<25104x64xf32, #tpu.memory_space<vmem_shared>> -> memref<112x64xf32, #tpu.memory_space<vmem_shared>>
      %dma_start3A_264 = arith.constant 0 : i32
      %dma_start3A_265 = tpu.memref_slice %arg12[%add3A_17, %dma_start3A_264] : memref<25104x64xf32, #tpu.memory_space<vmem_shared>> -> memref<112x64xf32, #tpu.memory_space<vmem_shared>>
      %dma_start3A_266 = arith.constant 0 : i32
      %dma_start3A_267 = arith.constant 0 : i32
      %dma_start3A_268 = tpu.memref_slice %arg10[%dma_start3A_266, %dma_start3A_267] : memref<128x64xf32, #tpu.memory_space<vmem>> -> memref<112x64xf32, #tpu.memory_space<vmem>>
      tpu.enqueue_dma source(%dma_start3A_268 : memref<112x64xf32, #tpu.memory_space<vmem>>) target(%dma_start3A_265 : memref<112x64xf32, #tpu.memory_space<vmem_shared>>) target_semaphore(%run_scoped3A : memref<!tpu.dma_semaphore, #tpu.memory_space<semaphore_mem>>)
      %dma_wait3A_269 = arith.constant 0 : i32
      %dma_wait3A_270 = arith.constant 0 : i32
      %dma_wait3A_271 = tpu.memref_slice %arg10[%dma_wait3A_269, %dma_wait3A_270] : memref<128x64xf32, #tpu.memory_space<vmem>> -> memref<112x64xf32, #tpu.memory_space<vmem>>
      %dma_wait3A_272 = arith.constant 0 : i32
      %dma_wait3A_273 = tpu.memref_slice %arg12[%add3A_17, %dma_wait3A_272] : memref<25104x64xf32, #tpu.memory_space<vmem_shared>> -> memref<112x64xf32, #tpu.memory_space<vmem_shared>>
      %dma_wait3A_274 = arith.constant 0 : i32
      %dma_wait3A_275 = tpu.memref_slice %arg12[%add3A_17, %dma_wait3A_274] : memref<25104x64xf32, #tpu.memory_space<vmem_shared>> -> memref<112x64xf32, #tpu.memory_space<vmem_shared>>
      %dma_wait3A_276 = arith.constant 0 : i32
      %dma_wait3A_277 = arith.constant 0 : i32
      %dma_wait3A_278 = tpu.memref_slice %arg10[%dma_wait3A_276, %dma_wait3A_277] : memref<128x64xf32, #tpu.memory_space<vmem>> -> memref<112x64xf32, #tpu.memory_space<vmem>>
      tpu.wait_dma2 semaphore(%run_scoped3A : memref<!tpu.dma_semaphore, #tpu.memory_space<semaphore_mem>>) src(%dma_wait3A_278 : memref<112x64xf32, #tpu.memory_space<vmem>>) dst(%dma_wait3A_275 : memref<112x64xf32, #tpu.memory_space<vmem_shared>>)
      tpu.yield
    }) : () -> ()
    %mul3A_18 = arith.constant 1568 : i32
    %mul3A_19 = arith.muli %arg1, %mul3A_18 : i32
    %add3A_20 = arith.constant 448 : i32
    %add3A_21 = arith.addi %mul3A_19, %add3A_20 : i32
    "tpu.region"() ({
      %run_scoped3A = tpu.sem_alloc : memref<!tpu.dma_semaphore, #tpu.memory_space<semaphore_mem>>
      %dma_start3A_259 = arith.constant 0 : i32
      %dma_start3A_260 = arith.constant 0 : i32
      %dma_start3A_261 = tpu.memref_slice %arg10[%dma_start3A_259, %dma_start3A_260] : memref<128x64xf32, #tpu.memory_space<vmem>> -> memref<112x64xf32, #tpu.memory_space<vmem>>
      %dma_start3A_262 = arith.constant 0 : i32
      %dma_start3A_263 = tpu.memref_slice %arg12[%add3A_21, %dma_start3A_262] : memref<25104x64xf32, #tpu.memory_space<vmem_shared>> -> memref<112x64xf32, #tpu.memory_space<vmem_shared>>
      %dma_start3A_264 = arith.constant 0 : i32
      %dma_start3A_265 = tpu.memref_slice %arg12[%add3A_21, %dma_start3A_264] : memref<25104x64xf32, #tpu.memory_space<vmem_shared>> -> memref<112x64xf32, #tpu.memory_space<vmem_shared>>
      %dma_start3A_266 = arith.constant 0 : i32
      %dma_start3A_267 = arith.constant 0 : i32
      %dma_start3A_268 = tpu.memref_slice %arg10[%dma_start3A_266, %dma_start3A_267] : memref<128x64xf32, #tpu.memory_space<vmem>> -> memref<112x64xf32, #tpu.memory_space<vmem>>
      tpu.enqueue_dma source(%dma_start3A_268 : memref<112x64xf32, #tpu.memory_space<vmem>>) target(%dma_start3A_265 : memref<112x64xf32, #tpu.memory_space<vmem_shared>>) target_semaphore(%run_scoped3A : memref<!tpu.dma_semaphore, #tpu.memory_space<semaphore_mem>>)
      %dma_wait3A_269 = arith.constant 0 : i32
      %dma_wait3A_270 = arith.constant 0 : i32
      %dma_wait3A_271 = tpu.memref_slice %arg10[%dma_wait3A_269, %dma_wait3A_270] : memref<128x64xf32, #tpu.memory_space<vmem>> -> memref<112x64xf32, #tpu.memory_space<vmem>>
      %dma_wait3A_272 = arith.constant 0 : i32
      %dma_wait3A_273 = tpu.memref_slice %arg12[%add3A_21, %dma_wait3A_272] : memref<25104x64xf32, #tpu.memory_space<vmem_shared>> -> memref<112x64xf32, #tpu.memory_space<vmem_shared>>
      %dma_wait3A_274 = arith.constant 0 : i32
      %dma_wait3A_275 = tpu.memref_slice %arg12[%add3A_21, %dma_wait3A_274] : memref<25104x64xf32, #tpu.memory_space<vmem_shared>> -> memref<112x64xf32, #tpu.memory_space<vmem_shared>>
      %dma_wait3A_276 = arith.constant 0 : i32
      %dma_wait3A_277 = arith.constant 0 : i32
      %dma_wait3A_278 = tpu.memref_slice %arg10[%dma_wait3A_276, %dma_wait3A_277] : memref<128x64xf32, #tpu.memory_space<vmem>> -> memref<112x64xf32, #tpu.memory_space<vmem>>
      tpu.wait_dma2 semaphore(%run_scoped3A : memref<!tpu.dma_semaphore, #tpu.memory_space<semaphore_mem>>) src(%dma_wait3A_278 : memref<112x64xf32, #tpu.memory_space<vmem>>) dst(%dma_wait3A_275 : memref<112x64xf32, #tpu.memory_space<vmem_shared>>)
      tpu.yield
    }) : () -> ()
    %mul3A_22 = arith.constant 1568 : i32
    %mul3A_23 = arith.muli %arg1, %mul3A_22 : i32
    %add3A_24 = arith.constant 560 : i32
    %add3A_25 = arith.addi %mul3A_23, %add3A_24 : i32
    "tpu.region"() ({
      %run_scoped3A = tpu.sem_alloc : memref<!tpu.dma_semaphore, #tpu.memory_space<semaphore_mem>>
      %dma_start3A_259 = arith.constant 0 : i32
      %dma_start3A_260 = arith.constant 0 : i32
      %dma_start3A_261 = tpu.memref_slice %arg10[%dma_start3A_259, %dma_start3A_260] : memref<128x64xf32, #tpu.memory_space<vmem>> -> memref<112x64xf32, #tpu.memory_space<vmem>>
      %dma_start3A_262 = arith.constant 0 : i32
      %dma_start3A_263 = tpu.memref_slice %arg12[%add3A_25, %dma_start3A_262] : memref<25104x64xf32, #tpu.memory_space<vmem_shared>> -> memref<112x64xf32, #tpu.memory_space<vmem_shared>>
      %dma_start3A_264 = arith.constant 0 : i32
      %dma_start3A_265 = tpu.memref_slice %arg12[%add3A_25, %dma_start3A_264] : memref<25104x64xf32, #tpu.memory_space<vmem_shared>> -> memref<112x64xf32, #tpu.memory_space<vmem_shared>>
      %dma_start3A_266 = arith.constant 0 : i32
      %dma_start3A_267 = arith.constant 0 : i32
      %dma_start3A_268 = tpu.memref_slice %arg10[%dma_start3A_266, %dma_start3A_267] : memref<128x64xf32, #tpu.memory_space<vmem>> -> memref<112x64xf32, #tpu.memory_space<vmem>>
      tpu.enqueue_dma source(%dma_start3A_268 : memref<112x64xf32, #tpu.memory_space<vmem>>) target(%dma_start3A_265 : memref<112x64xf32, #tpu.memory_space<vmem_shared>>) target_semaphore(%run_scoped3A : memref<!tpu.dma_semaphore, #tpu.memory_space<semaphore_mem>>)
      %dma_wait3A_269 = arith.constant 0 : i32
      %dma_wait3A_270 = arith.constant 0 : i32
      %dma_wait3A_271 = tpu.memref_slice %arg10[%dma_wait3A_269, %dma_wait3A_270] : memref<128x64xf32, #tpu.memory_space<vmem>> -> memref<112x64xf32, #tpu.memory_space<vmem>>
      %dma_wait3A_272 = arith.constant 0 : i32
      %dma_wait3A_273 = tpu.memref_slice %arg12[%add3A_25, %dma_wait3A_272] : memref<25104x64xf32, #tpu.memory_space<vmem_shared>> -> memref<112x64xf32, #tpu.memory_space<vmem_shared>>
      %dma_wait3A_274 = arith.constant 0 : i32
      %dma_wait3A_275 = tpu.memref_slice %arg12[%add3A_25, %dma_wait3A_274] : memref<25104x64xf32, #tpu.memory_space<vmem_shared>> -> memref<112x64xf32, #tpu.memory_space<vmem_shared>>
      %dma_wait3A_276 = arith.constant 0 : i32
      %dma_wait3A_277 = arith.constant 0 : i32
      %dma_wait3A_278 = tpu.memref_slice %arg10[%dma_wait3A_276, %dma_wait3A_277] : memref<128x64xf32, #tpu.memory_space<vmem>> -> memref<112x64xf32, #tpu.memory_space<vmem>>
      tpu.wait_dma2 semaphore(%run_scoped3A : memref<!tpu.dma_semaphore, #tpu.memory_space<semaphore_mem>>) src(%dma_wait3A_278 : memref<112x64xf32, #tpu.memory_space<vmem>>) dst(%dma_wait3A_275 : memref<112x64xf32, #tpu.memory_space<vmem_shared>>)
      tpu.yield
    }) : () -> ()
    %mul3A_26 = arith.constant 1568 : i32
    %mul3A_27 = arith.muli %arg1, %mul3A_26 : i32
    %add3A_28 = arith.constant 672 : i32
    %add3A_29 = arith.addi %mul3A_27, %add3A_28 : i32
    "tpu.region"() ({
      %run_scoped3A = tpu.sem_alloc : memref<!tpu.dma_semaphore, #tpu.memory_space<semaphore_mem>>
      %dma_start3A_259 = arith.constant 0 : i32
      %dma_start3A_260 = arith.constant 0 : i32
      %dma_start3A_261 = tpu.memref_slice %arg10[%dma_start3A_259, %dma_start3A_260] : memref<128x64xf32, #tpu.memory_space<vmem>> -> memref<112x64xf32, #tpu.memory_space<vmem>>
      %dma_start3A_262 = arith.constant 0 : i32
      %dma_start3A_263 = tpu.memref_slice %arg12[%add3A_29, %dma_start3A_262] : memref<25104x64xf32, #tpu.memory_space<vmem_shared>> -> memref<112x64xf32, #tpu.memory_space<vmem_shared>>
      %dma_start3A_264 = arith.constant 0 : i32
      %dma_start3A_265 = tpu.memref_slice %arg12[%add3A_29, %dma_start3A_264] : memref<25104x64xf32, #tpu.memory_space<vmem_shared>> -> memref<112x64xf32, #tpu.memory_space<vmem_shared>>
      %dma_start3A_266 = arith.constant 0 : i32
      %dma_start3A_267 = arith.constant 0 : i32
      %dma_start3A_268 = tpu.memref_slice %arg10[%dma_start3A_266, %dma_start3A_267] : memref<128x64xf32, #tpu.memory_space<vmem>> -> memref<112x64xf32, #tpu.memory_space<vmem>>
      tpu.enqueue_dma source(%dma_start3A_268 : memref<112x64xf32, #tpu.memory_space<vmem>>) target(%dma_start3A_265 : memref<112x64xf32, #tpu.memory_space<vmem_shared>>) target_semaphore(%run_scoped3A : memref<!tpu.dma_semaphore, #tpu.memory_space<semaphore_mem>>)
      %dma_wait3A_269 = arith.constant 0 : i32
      %dma_wait3A_270 = arith.constant 0 : i32
      %dma_wait3A_271 = tpu.memref_slice %arg10[%dma_wait3A_269, %dma_wait3A_270] : memref<128x64xf32, #tpu.memory_space<vmem>> -> memref<112x64xf32, #tpu.memory_space<vmem>>
      %dma_wait3A_272 = arith.constant 0 : i32
      %dma_wait3A_273 = tpu.memref_slice %arg12[%add3A_29, %dma_wait3A_272] : memref<25104x64xf32, #tpu.memory_space<vmem_shared>> -> memref<112x64xf32, #tpu.memory_space<vmem_shared>>
      %dma_wait3A_274 = arith.constant 0 : i32
      %dma_wait3A_275 = tpu.memref_slice %arg12[%add3A_29, %dma_wait3A_274] : memref<25104x64xf32, #tpu.memory_space<vmem_shared>> -> memref<112x64xf32, #tpu.memory_space<vmem_shared>>
      %dma_wait3A_276 = arith.constant 0 : i32
      %dma_wait3A_277 = arith.constant 0 : i32
      %dma_wait3A_278 = tpu.memref_slice %arg10[%dma_wait3A_276, %dma_wait3A_277] : memref<128x64xf32, #tpu.memory_space<vmem>> -> memref<112x64xf32, #tpu.memory_space<vmem>>
      tpu.wait_dma2 semaphore(%run_scoped3A : memref<!tpu.dma_semaphore, #tpu.memory_space<semaphore_mem>>) src(%dma_wait3A_278 : memref<112x64xf32, #tpu.memory_space<vmem>>) dst(%dma_wait3A_275 : memref<112x64xf32, #tpu.memory_space<vmem_shared>>)
      tpu.yield
    }) : () -> ()
    %mul3A_30 = arith.constant 1568 : i32
    %mul3A_31 = arith.muli %arg1, %mul3A_30 : i32
    %add3A_32 = arith.constant 784 : i32
    %add3A_33 = arith.addi %mul3A_31, %add3A_32 : i32
    "tpu.region"() ({
      %run_scoped3A = tpu.sem_alloc : memref<!tpu.dma_semaphore, #tpu.memory_space<semaphore_mem>>
      %dma_start3A_259 = arith.constant 0 : i32
      %dma_start3A_260 = arith.constant 0 : i32
      %dma_start3A_261 = tpu.memref_slice %arg10[%dma_start3A_259, %dma_start3A_260] : memref<128x64xf32, #tpu.memory_space<vmem>> -> memref<112x64xf32, #tpu.memory_space<vmem>>
      %dma_start3A_262 = arith.constant 0 : i32
      %dma_start3A_263 = tpu.memref_slice %arg12[%add3A_33, %dma_start3A_262] : memref<25104x64xf32, #tpu.memory_space<vmem_shared>> -> memref<112x64xf32, #tpu.memory_space<vmem_shared>>
      %dma_start3A_264 = arith.constant 0 : i32
      %dma_start3A_265 = tpu.memref_slice %arg12[%add3A_33, %dma_start3A_264] : memref<25104x64xf32, #tpu.memory_space<vmem_shared>> -> memref<112x64xf32, #tpu.memory_space<vmem_shared>>
      %dma_start3A_266 = arith.constant 0 : i32
      %dma_start3A_267 = arith.constant 0 : i32
      %dma_start3A_268 = tpu.memref_slice %arg10[%dma_start3A_266, %dma_start3A_267] : memref<128x64xf32, #tpu.memory_space<vmem>> -> memref<112x64xf32, #tpu.memory_space<vmem>>
      tpu.enqueue_dma source(%dma_start3A_268 : memref<112x64xf32, #tpu.memory_space<vmem>>) target(%dma_start3A_265 : memref<112x64xf32, #tpu.memory_space<vmem_shared>>) target_semaphore(%run_scoped3A : memref<!tpu.dma_semaphore, #tpu.memory_space<semaphore_mem>>)
      %dma_wait3A_269 = arith.constant 0 : i32
      %dma_wait3A_270 = arith.constant 0 : i32
      %dma_wait3A_271 = tpu.memref_slice %arg10[%dma_wait3A_269, %dma_wait3A_270] : memref<128x64xf32, #tpu.memory_space<vmem>> -> memref<112x64xf32, #tpu.memory_space<vmem>>
      %dma_wait3A_272 = arith.constant 0 : i32
      %dma_wait3A_273 = tpu.memref_slice %arg12[%add3A_33, %dma_wait3A_272] : memref<25104x64xf32, #tpu.memory_space<vmem_shared>> -> memref<112x64xf32, #tpu.memory_space<vmem_shared>>
      %dma_wait3A_274 = arith.constant 0 : i32
      %dma_wait3A_275 = tpu.memref_slice %arg12[%add3A_33, %dma_wait3A_274] : memref<25104x64xf32, #tpu.memory_space<vmem_shared>> -> memref<112x64xf32, #tpu.memory_space<vmem_shared>>
      %dma_wait3A_276 = arith.constant 0 : i32
      %dma_wait3A_277 = arith.constant 0 : i32
      %dma_wait3A_278 = tpu.memref_slice %arg10[%dma_wait3A_276, %dma_wait3A_277] : memref<128x64xf32, #tpu.memory_space<vmem>> -> memref<112x64xf32, #tpu.memory_space<vmem>>
      tpu.wait_dma2 semaphore(%run_scoped3A : memref<!tpu.dma_semaphore, #tpu.memory_space<semaphore_mem>>) src(%dma_wait3A_278 : memref<112x64xf32, #tpu.memory_space<vmem>>) dst(%dma_wait3A_275 : memref<112x64xf32, #tpu.memory_space<vmem_shared>>)
      tpu.yield
    }) : () -> ()
    %mul3A_34 = arith.constant 1568 : i32
    %mul3A_35 = arith.muli %arg1, %mul3A_34 : i32
    %add3A_36 = arith.constant 896 : i32
    %add3A_37 = arith.addi %mul3A_35, %add3A_36 : i32
    "tpu.region"() ({
      %run_scoped3A = tpu.sem_alloc : memref<!tpu.dma_semaphore, #tpu.memory_space<semaphore_mem>>
      %dma_start3A_259 = arith.constant 0 : i32
      %dma_start3A_260 = arith.constant 0 : i32
      %dma_start3A_261 = tpu.memref_slice %arg10[%dma_start3A_259, %dma_start3A_260] : memref<128x64xf32, #tpu.memory_space<vmem>> -> memref<112x64xf32, #tpu.memory_space<vmem>>
      %dma_start3A_262 = arith.constant 0 : i32
      %dma_start3A_263 = tpu.memref_slice %arg12[%add3A_37, %dma_start3A_262] : memref<25104x64xf32, #tpu.memory_space<vmem_shared>> -> memref<112x64xf32, #tpu.memory_space<vmem_shared>>
      %dma_start3A_264 = arith.constant 0 : i32
      %dma_start3A_265 = tpu.memref_slice %arg12[%add3A_37, %dma_start3A_264] : memref<25104x64xf32, #tpu.memory_space<vmem_shared>> -> memref<112x64xf32, #tpu.memory_space<vmem_shared>>
      %dma_start3A_266 = arith.constant 0 : i32
      %dma_start3A_267 = arith.constant 0 : i32
      %dma_start3A_268 = tpu.memref_slice %arg10[%dma_start3A_266, %dma_start3A_267] : memref<128x64xf32, #tpu.memory_space<vmem>> -> memref<112x64xf32, #tpu.memory_space<vmem>>
      tpu.enqueue_dma source(%dma_start3A_268 : memref<112x64xf32, #tpu.memory_space<vmem>>) target(%dma_start3A_265 : memref<112x64xf32, #tpu.memory_space<vmem_shared>>) target_semaphore(%run_scoped3A : memref<!tpu.dma_semaphore, #tpu.memory_space<semaphore_mem>>)
      %dma_wait3A_269 = arith.constant 0 : i32
      %dma_wait3A_270 = arith.constant 0 : i32
      %dma_wait3A_271 = tpu.memref_slice %arg10[%dma_wait3A_269, %dma_wait3A_270] : memref<128x64xf32, #tpu.memory_space<vmem>> -> memref<112x64xf32, #tpu.memory_space<vmem>>
      %dma_wait3A_272 = arith.constant 0 : i32
      %dma_wait3A_273 = tpu.memref_slice %arg12[%add3A_37, %dma_wait3A_272] : memref<25104x64xf32, #tpu.memory_space<vmem_shared>> -> memref<112x64xf32, #tpu.memory_space<vmem_shared>>
      %dma_wait3A_274 = arith.constant 0 : i32
      %dma_wait3A_275 = tpu.memref_slice %arg12[%add3A_37, %dma_wait3A_274] : memref<25104x64xf32, #tpu.memory_space<vmem_shared>> -> memref<112x64xf32, #tpu.memory_space<vmem_shared>>
      %dma_wait3A_276 = arith.constant 0 : i32
      %dma_wait3A_277 = arith.constant 0 : i32
      %dma_wait3A_278 = tpu.memref_slice %arg10[%dma_wait3A_276, %dma_wait3A_277] : memref<128x64xf32, #tpu.memory_space<vmem>> -> memref<112x64xf32, #tpu.memory_space<vmem>>
      tpu.wait_dma2 semaphore(%run_scoped3A : memref<!tpu.dma_semaphore, #tpu.memory_space<semaphore_mem>>) src(%dma_wait3A_278 : memref<112x64xf32, #tpu.memory_space<vmem>>) dst(%dma_wait3A_275 : memref<112x64xf32, #tpu.memory_space<vmem_shared>>)
      tpu.yield
    }) : () -> ()
    %mul3A_38 = arith.constant 1568 : i32
    %mul3A_39 = arith.muli %arg1, %mul3A_38 : i32
    %add3A_40 = arith.constant 1008 : i32
    %add3A_41 = arith.addi %mul3A_39, %add3A_40 : i32
    "tpu.region"() ({
      %run_scoped3A = tpu.sem_alloc : memref<!tpu.dma_semaphore, #tpu.memory_space<semaphore_mem>>
      %dma_start3A_259 = arith.constant 0 : i32
      %dma_start3A_260 = arith.constant 0 : i32
      %dma_start3A_261 = tpu.memref_slice %arg10[%dma_start3A_259, %dma_start3A_260] : memref<128x64xf32, #tpu.memory_space<vmem>> -> memref<112x64xf32, #tpu.memory_space<vmem>>
      %dma_start3A_262 = arith.constant 0 : i32
      %dma_start3A_263 = tpu.memref_slice %arg12[%add3A_41, %dma_start3A_262] : memref<25104x64xf32, #tpu.memory_space<vmem_shared>> -> memref<112x64xf32, #tpu.memory_space<vmem_shared>>
      %dma_start3A_264 = arith.constant 0 : i32
      %dma_start3A_265 = tpu.memref_slice %arg12[%add3A_41, %dma_start3A_264] : memref<25104x64xf32, #tpu.memory_space<vmem_shared>> -> memref<112x64xf32, #tpu.memory_space<vmem_shared>>
      %dma_start3A_266 = arith.constant 0 : i32
      %dma_start3A_267 = arith.constant 0 : i32
      %dma_start3A_268 = tpu.memref_slice %arg10[%dma_start3A_266, %dma_start3A_267] : memref<128x64xf32, #tpu.memory_space<vmem>> -> memref<112x64xf32, #tpu.memory_space<vmem>>
      tpu.enqueue_dma source(%dma_start3A_268 : memref<112x64xf32, #tpu.memory_space<vmem>>) target(%dma_start3A_265 : memref<112x64xf32, #tpu.memory_space<vmem_shared>>) target_semaphore(%run_scoped3A : memref<!tpu.dma_semaphore, #tpu.memory_space<semaphore_mem>>)
      %dma_wait3A_269 = arith.constant 0 : i32
      %dma_wait3A_270 = arith.constant 0 : i32
      %dma_wait3A_271 = tpu.memref_slice %arg10[%dma_wait3A_269, %dma_wait3A_270] : memref<128x64xf32, #tpu.memory_space<vmem>> -> memref<112x64xf32, #tpu.memory_space<vmem>>
      %dma_wait3A_272 = arith.constant 0 : i32
      %dma_wait3A_273 = tpu.memref_slice %arg12[%add3A_41, %dma_wait3A_272] : memref<25104x64xf32, #tpu.memory_space<vmem_shared>> -> memref<112x64xf32, #tpu.memory_space<vmem_shared>>
      %dma_wait3A_274 = arith.constant 0 : i32
      %dma_wait3A_275 = tpu.memref_slice %arg12[%add3A_41, %dma_wait3A_274] : memref<25104x64xf32, #tpu.memory_space<vmem_shared>> -> memref<112x64xf32, #tpu.memory_space<vmem_shared>>
      %dma_wait3A_276 = arith.constant 0 : i32
      %dma_wait3A_277 = arith.constant 0 : i32
      %dma_wait3A_278 = tpu.memref_slice %arg10[%dma_wait3A_276, %dma_wait3A_277] : memref<128x64xf32, #tpu.memory_space<vmem>> -> memref<112x64xf32, #tpu.memory_space<vmem>>
      tpu.wait_dma2 semaphore(%run_scoped3A : memref<!tpu.dma_semaphore, #tpu.memory_space<semaphore_mem>>) src(%dma_wait3A_278 : memref<112x64xf32, #tpu.memory_space<vmem>>) dst(%dma_wait3A_275 : memref<112x64xf32, #tpu.memory_space<vmem_shared>>)
      tpu.yield
    }) : () -> ()
    %mul3A_42 = arith.constant 1568 : i32
    %mul3A_43 = arith.muli %arg1, %mul3A_42 : i32
    %add3A_44 = arith.constant 1120 : i32
    %add3A_45 = arith.addi %mul3A_43, %add3A_44 : i32
    "tpu.region"() ({
      %run_scoped3A = tpu.sem_alloc : memref<!tpu.dma_semaphore, #tpu.memory_space<semaphore_mem>>
      %dma_start3A_259 = arith.constant 0 : i32
      %dma_start3A_260 = arith.constant 0 : i32
      %dma_start3A_261 = tpu.memref_slice %arg10[%dma_start3A_259, %dma_start3A_260] : memref<128x64xf32, #tpu.memory_space<vmem>> -> memref<112x64xf32, #tpu.memory_space<vmem>>
      %dma_start3A_262 = arith.constant 0 : i32
      %dma_start3A_263 = tpu.memref_slice %arg12[%add3A_45, %dma_start3A_262] : memref<25104x64xf32, #tpu.memory_space<vmem_shared>> -> memref<112x64xf32, #tpu.memory_space<vmem_shared>>
      %dma_start3A_264 = arith.constant 0 : i32
      %dma_start3A_265 = tpu.memref_slice %arg12[%add3A_45, %dma_start3A_264] : memref<25104x64xf32, #tpu.memory_space<vmem_shared>> -> memref<112x64xf32, #tpu.memory_space<vmem_shared>>
      %dma_start3A_266 = arith.constant 0 : i32
      %dma_start3A_267 = arith.constant 0 : i32
      %dma_start3A_268 = tpu.memref_slice %arg10[%dma_start3A_266, %dma_start3A_267] : memref<128x64xf32, #tpu.memory_space<vmem>> -> memref<112x64xf32, #tpu.memory_space<vmem>>
      tpu.enqueue_dma source(%dma_start3A_268 : memref<112x64xf32, #tpu.memory_space<vmem>>) target(%dma_start3A_265 : memref<112x64xf32, #tpu.memory_space<vmem_shared>>) target_semaphore(%run_scoped3A : memref<!tpu.dma_semaphore, #tpu.memory_space<semaphore_mem>>)
      %dma_wait3A_269 = arith.constant 0 : i32
      %dma_wait3A_270 = arith.constant 0 : i32
      %dma_wait3A_271 = tpu.memref_slice %arg10[%dma_wait3A_269, %dma_wait3A_270] : memref<128x64xf32, #tpu.memory_space<vmem>> -> memref<112x64xf32, #tpu.memory_space<vmem>>
      %dma_wait3A_272 = arith.constant 0 : i32
      %dma_wait3A_273 = tpu.memref_slice %arg12[%add3A_45, %dma_wait3A_272] : memref<25104x64xf32, #tpu.memory_space<vmem_shared>> -> memref<112x64xf32, #tpu.memory_space<vmem_shared>>
      %dma_wait3A_274 = arith.constant 0 : i32
      %dma_wait3A_275 = tpu.memref_slice %arg12[%add3A_45, %dma_wait3A_274] : memref<25104x64xf32, #tpu.memory_space<vmem_shared>> -> memref<112x64xf32, #tpu.memory_space<vmem_shared>>
      %dma_wait3A_276 = arith.constant 0 : i32
      %dma_wait3A_277 = arith.constant 0 : i32
      %dma_wait3A_278 = tpu.memref_slice %arg10[%dma_wait3A_276, %dma_wait3A_277] : memref<128x64xf32, #tpu.memory_space<vmem>> -> memref<112x64xf32, #tpu.memory_space<vmem>>
      tpu.wait_dma2 semaphore(%run_scoped3A : memref<!tpu.dma_semaphore, #tpu.memory_space<semaphore_mem>>) src(%dma_wait3A_278 : memref<112x64xf32, #tpu.memory_space<vmem>>) dst(%dma_wait3A_275 : memref<112x64xf32, #tpu.memory_space<vmem_shared>>)
      tpu.yield
    }) : () -> ()
    %mul3A_46 = arith.constant 1568 : i32
    %mul3A_47 = arith.muli %arg1, %mul3A_46 : i32
    %add3A_48 = arith.constant 1232 : i32
    %add3A_49 = arith.addi %mul3A_47, %add3A_48 : i32
    "tpu.region"() ({
      %run_scoped3A = tpu.sem_alloc : memref<!tpu.dma_semaphore, #tpu.memory_space<semaphore_mem>>
      %dma_start3A_259 = arith.constant 0 : i32
      %dma_start3A_260 = arith.constant 0 : i32
      %dma_start3A_261 = tpu.memref_slice %arg10[%dma_start3A_259, %dma_start3A_260] : memref<128x64xf32, #tpu.memory_space<vmem>> -> memref<112x64xf32, #tpu.memory_space<vmem>>
      %dma_start3A_262 = arith.constant 0 : i32
      %dma_start3A_263 = tpu.memref_slice %arg12[%add3A_49, %dma_start3A_262] : memref<25104x64xf32, #tpu.memory_space<vmem_shared>> -> memref<112x64xf32, #tpu.memory_space<vmem_shared>>
      %dma_start3A_264 = arith.constant 0 : i32
      %dma_start3A_265 = tpu.memref_slice %arg12[%add3A_49, %dma_start3A_264] : memref<25104x64xf32, #tpu.memory_space<vmem_shared>> -> memref<112x64xf32, #tpu.memory_space<vmem_shared>>
      %dma_start3A_266 = arith.constant 0 : i32
      %dma_start3A_267 = arith.constant 0 : i32
      %dma_start3A_268 = tpu.memref_slice %arg10[%dma_start3A_266, %dma_start3A_267] : memref<128x64xf32, #tpu.memory_space<vmem>> -> memref<112x64xf32, #tpu.memory_space<vmem>>
      tpu.enqueue_dma source(%dma_start3A_268 : memref<112x64xf32, #tpu.memory_space<vmem>>) target(%dma_start3A_265 : memref<112x64xf32, #tpu.memory_space<vmem_shared>>) target_semaphore(%run_scoped3A : memref<!tpu.dma_semaphore, #tpu.memory_space<semaphore_mem>>)
      %dma_wait3A_269 = arith.constant 0 : i32
      %dma_wait3A_270 = arith.constant 0 : i32
      %dma_wait3A_271 = tpu.memref_slice %arg10[%dma_wait3A_269, %dma_wait3A_270] : memref<128x64xf32, #tpu.memory_space<vmem>> -> memref<112x64xf32, #tpu.memory_space<vmem>>
      %dma_wait3A_272 = arith.constant 0 : i32
      %dma_wait3A_273 = tpu.memref_slice %arg12[%add3A_49, %dma_wait3A_272] : memref<25104x64xf32, #tpu.memory_space<vmem_shared>> -> memref<112x64xf32, #tpu.memory_space<vmem_shared>>
      %dma_wait3A_274 = arith.constant 0 : i32
      %dma_wait3A_275 = tpu.memref_slice %arg12[%add3A_49, %dma_wait3A_274] : memref<25104x64xf32, #tpu.memory_space<vmem_shared>> -> memref<112x64xf32, #tpu.memory_space<vmem_shared>>
      %dma_wait3A_276 = arith.constant 0 : i32
      %dma_wait3A_277 = arith.constant 0 : i32
      %dma_wait3A_278 = tpu.memref_slice %arg10[%dma_wait3A_276, %dma_wait3A_277] : memref<128x64xf32, #tpu.memory_space<vmem>> -> memref<112x64xf32, #tpu.memory_space<vmem>>
      tpu.wait_dma2 semaphore(%run_scoped3A : memref<!tpu.dma_semaphore, #tpu.memory_space<semaphore_mem>>) src(%dma_wait3A_278 : memref<112x64xf32, #tpu.memory_space<vmem>>) dst(%dma_wait3A_275 : memref<112x64xf32, #tpu.memory_space<vmem_shared>>)
      tpu.yield
    }) : () -> ()
    %mul3A_50 = arith.constant 1568 : i32
    %mul3A_51 = arith.muli %arg1, %mul3A_50 : i32
    %add3A_52 = arith.constant 1344 : i32
    %add3A_53 = arith.addi %mul3A_51, %add3A_52 : i32
    "tpu.region"() ({
      %run_scoped3A = tpu.sem_alloc : memref<!tpu.dma_semaphore, #tpu.memory_space<semaphore_mem>>
      %dma_start3A_259 = arith.constant 0 : i32
      %dma_start3A_260 = arith.constant 0 : i32
      %dma_start3A_261 = tpu.memref_slice %arg10[%dma_start3A_259, %dma_start3A_260] : memref<128x64xf32, #tpu.memory_space<vmem>> -> memref<112x64xf32, #tpu.memory_space<vmem>>
      %dma_start3A_262 = arith.constant 0 : i32
      %dma_start3A_263 = tpu.memref_slice %arg12[%add3A_53, %dma_start3A_262] : memref<25104x64xf32, #tpu.memory_space<vmem_shared>> -> memref<112x64xf32, #tpu.memory_space<vmem_shared>>
      %dma_start3A_264 = arith.constant 0 : i32
      %dma_start3A_265 = tpu.memref_slice %arg12[%add3A_53, %dma_start3A_264] : memref<25104x64xf32, #tpu.memory_space<vmem_shared>> -> memref<112x64xf32, #tpu.memory_space<vmem_shared>>
      %dma_start3A_266 = arith.constant 0 : i32
      %dma_start3A_267 = arith.constant 0 : i32
      %dma_start3A_268 = tpu.memref_slice %arg10[%dma_start3A_266, %dma_start3A_267] : memref<128x64xf32, #tpu.memory_space<vmem>> -> memref<112x64xf32, #tpu.memory_space<vmem>>
      tpu.enqueue_dma source(%dma_start3A_268 : memref<112x64xf32, #tpu.memory_space<vmem>>) target(%dma_start3A_265 : memref<112x64xf32, #tpu.memory_space<vmem_shared>>) target_semaphore(%run_scoped3A : memref<!tpu.dma_semaphore, #tpu.memory_space<semaphore_mem>>)
      %dma_wait3A_269 = arith.constant 0 : i32
      %dma_wait3A_270 = arith.constant 0 : i32
      %dma_wait3A_271 = tpu.memref_slice %arg10[%dma_wait3A_269, %dma_wait3A_270] : memref<128x64xf32, #tpu.memory_space<vmem>> -> memref<112x64xf32, #tpu.memory_space<vmem>>
      %dma_wait3A_272 = arith.constant 0 : i32
      %dma_wait3A_273 = tpu.memref_slice %arg12[%add3A_53, %dma_wait3A_272] : memref<25104x64xf32, #tpu.memory_space<vmem_shared>> -> memref<112x64xf32, #tpu.memory_space<vmem_shared>>
      %dma_wait3A_274 = arith.constant 0 : i32
      %dma_wait3A_275 = tpu.memref_slice %arg12[%add3A_53, %dma_wait3A_274] : memref<25104x64xf32, #tpu.memory_space<vmem_shared>> -> memref<112x64xf32, #tpu.memory_space<vmem_shared>>
      %dma_wait3A_276 = arith.constant 0 : i32
      %dma_wait3A_277 = arith.constant 0 : i32
      %dma_wait3A_278 = tpu.memref_slice %arg10[%dma_wait3A_276, %dma_wait3A_277] : memref<128x64xf32, #tpu.memory_space<vmem>> -> memref<112x64xf32, #tpu.memory_space<vmem>>
      tpu.wait_dma2 semaphore(%run_scoped3A : memref<!tpu.dma_semaphore, #tpu.memory_space<semaphore_mem>>) src(%dma_wait3A_278 : memref<112x64xf32, #tpu.memory_space<vmem>>) dst(%dma_wait3A_275 : memref<112x64xf32, #tpu.memory_space<vmem_shared>>)
      tpu.yield
    }) : () -> ()
    %mul3A_54 = arith.constant 1568 : i32
    %mul3A_55 = arith.muli %arg1, %mul3A_54 : i32
    %add3A_56 = arith.constant 1456 : i32
    %add3A_57 = arith.addi %mul3A_55, %add3A_56 : i32
    "tpu.region"() ({
      %run_scoped3A = tpu.sem_alloc : memref<!tpu.dma_semaphore, #tpu.memory_space<semaphore_mem>>
      %dma_start3A_259 = arith.constant 0 : i32
      %dma_start3A_260 = arith.constant 0 : i32
      %dma_start3A_261 = tpu.memref_slice %arg10[%dma_start3A_259, %dma_start3A_260] : memref<128x64xf32, #tpu.memory_space<vmem>> -> memref<112x64xf32, #tpu.memory_space<vmem>>
      %dma_start3A_262 = arith.constant 0 : i32
      %dma_start3A_263 = tpu.memref_slice %arg12[%add3A_57, %dma_start3A_262] : memref<25104x64xf32, #tpu.memory_space<vmem_shared>> -> memref<112x64xf32, #tpu.memory_space<vmem_shared>>
      %dma_start3A_264 = arith.constant 0 : i32
      %dma_start3A_265 = tpu.memref_slice %arg12[%add3A_57, %dma_start3A_264] : memref<25104x64xf32, #tpu.memory_space<vmem_shared>> -> memref<112x64xf32, #tpu.memory_space<vmem_shared>>
      %dma_start3A_266 = arith.constant 0 : i32
      %dma_start3A_267 = arith.constant 0 : i32
      %dma_start3A_268 = tpu.memref_slice %arg10[%dma_start3A_266, %dma_start3A_267] : memref<128x64xf32, #tpu.memory_space<vmem>> -> memref<112x64xf32, #tpu.memory_space<vmem>>
      tpu.enqueue_dma source(%dma_start3A_268 : memref<112x64xf32, #tpu.memory_space<vmem>>) target(%dma_start3A_265 : memref<112x64xf32, #tpu.memory_space<vmem_shared>>) target_semaphore(%run_scoped3A : memref<!tpu.dma_semaphore, #tpu.memory_space<semaphore_mem>>)
      %dma_wait3A_269 = arith.constant 0 : i32
      %dma_wait3A_270 = arith.constant 0 : i32
      %dma_wait3A_271 = tpu.memref_slice %arg10[%dma_wait3A_269, %dma_wait3A_270] : memref<128x64xf32, #tpu.memory_space<vmem>> -> memref<112x64xf32, #tpu.memory_space<vmem>>
      %dma_wait3A_272 = arith.constant 0 : i32
      %dma_wait3A_273 = tpu.memref_slice %arg12[%add3A_57, %dma_wait3A_272] : memref<25104x64xf32, #tpu.memory_space<vmem_shared>> -> memref<112x64xf32, #tpu.memory_space<vmem_shared>>
      %dma_wait3A_274 = arith.constant 0 : i32
      %dma_wait3A_275 = tpu.memref_slice %arg12[%add3A_57, %dma_wait3A_274] : memref<25104x64xf32, #tpu.memory_space<vmem_shared>> -> memref<112x64xf32, #tpu.memory_space<vmem_shared>>
      %dma_wait3A_276 = arith.constant 0 : i32
      %dma_wait3A_277 = arith.constant 0 : i32
      %dma_wait3A_278 = tpu.memref_slice %arg10[%dma_wait3A_276, %dma_wait3A_277] : memref<128x64xf32, #tpu.memory_space<vmem>> -> memref<112x64xf32, #tpu.memory_space<vmem>>
      tpu.wait_dma2 semaphore(%run_scoped3A : memref<!tpu.dma_semaphore, #tpu.memory_space<semaphore_mem>>) src(%dma_wait3A_278 : memref<112x64xf32, #tpu.memory_space<vmem>>) dst(%dma_wait3A_275 : memref<112x64xf32, #tpu.memory_space<vmem_shared>>)
      tpu.yield
    }) : () -> ()
    %barrier3A = arith.constant 0 : index
    tpu.barrier barrier_id(%barrier3A)
    %mul3A_58 = arith.constant 784 : i32
    %mul3A_59 = arith.muli %arg1, %mul3A_58 : i32
    %add3A_60 = arith.constant 0 : i32
    %add3A_61 = arith.addi %mul3A_59, %add3A_60 : i32
    %dma_start3A = arith.constant 0 : i32
    %dma_start3A_62 = tpu.memref_slice %arg3[%add3A_61, %dma_start3A] : memref<12544x128xi32, #tpu.memory_space<hbm>> -> memref<2x128xi32, #tpu.memory_space<hbm>>
    %dma_start3A_63 = arith.constant 0 : i32
    %dma_start3A_64 = tpu.memref_slice %arg3[%add3A_61, %dma_start3A_63] : memref<12544x128xi32, #tpu.memory_space<hbm>> -> memref<2x128xi32, #tpu.memory_space<hbm>>
    tpu.enqueue_dma source(%dma_start3A_64 : memref<2x128xi32, #tpu.memory_space<hbm>>) target(%arg6 : memref<2x128xi32, #tpu.memory_space<vmem>>) target_semaphore(%arg13 : memref<!tpu.dma_semaphore, #tpu.memory_space<semaphore_mem>>)
    %dma_wait3A = arith.constant 0 : i32
    %dma_wait3A_65 = tpu.memref_slice %arg3[%mul3A_59, %dma_wait3A] : memref<12544x128xi32, #tpu.memory_space<hbm>> -> memref<2x128xi32, #tpu.memory_space<hbm>>
    %dma_wait3A_66 = arith.constant 0 : i32
    %dma_wait3A_67 = tpu.memref_slice %arg3[%mul3A_59, %dma_wait3A_66] : memref<12544x128xi32, #tpu.memory_space<hbm>> -> memref<2x128xi32, #tpu.memory_space<hbm>>
    tpu.wait_dma2 semaphore(%arg13 : memref<!tpu.dma_semaphore, #tpu.memory_space<semaphore_mem>>) src(%dma_wait3A_67 : memref<2x128xi32, #tpu.memory_space<hbm>>) dst(%arg6 : memref<2x128xi32, #tpu.memory_space<vmem>>)
    %get3A = arith.constant 1 : i32
    %get3A_68 = arith.index_cast %get3A : i32 to index
    %get3A_69 = arith.constant 0 : index
    %get3A_70 = tpu.vector_load %arg6[%get3A_68, %get3A_69] {strides = array<i32>} : memref<2x128xi32, #tpu.memory_space<vmem>>, vector<1x16xi32>,
    %get3A_71 = vector.shape_cast %get3A_70 : vector<1x16xi32> to vector<16xi32>
    %ge3A = vector.broadcast %mul3A_0 : i32 to vector<16xi32>
    %ge3A_72 = arith.cmpi sge, %get3A_71, %ge3A : vector<16xi32>
    %lt3A = vector.broadcast %add3A_1 : i32 to vector<16xi32>
    %lt3A_73 = arith.cmpi slt, %get3A_71, %lt3A : vector<16xi32>
    %and3A = arith.andi %ge3A_72, %lt3A_73 : vector<16xi1>
    %sub3A = vector.broadcast %mul3A_0 : i32 to vector<16xi32>
    %sub3A_74 = arith.subi %get3A_71, %sub3A : vector<16xi32>
    %jit3A = arith.constant 25088 : i32
    %broadcast_in_dim3A = vector.broadcast %jit3A : i32 to vector<16xi32>
    %select_n3A = arith.select %and3A, %sub3A_74, %broadcast_in_dim3A : vector<16xi1>, vector<16xi32>
    %swap3A = arith.constant 0 : i32
    %swap3A_75 = arith.index_cast %swap3A : i32 to index
    %swap3A_76 = arith.constant 0 : index
    %swap3A_77 = tpu.vector_load %arg8[%swap3A_75, %swap3A_76] {strides = array<i32>} : memref<1x128xi32, #tpu.memory_space<vmem>>, vector<1x16xi32>,
    %swap3A_78 = vector.shape_cast %swap3A_77 : vector<1x16xi32> to vector<16xi32>
    %swap3A_79 = vector.shape_cast %select_n3A : vector<16xi32> to vector<1x16xi32>
    tpu.vector_store %arg8[%swap3A_75, %swap3A_76], %swap3A_79 {strides = array<i32>} : memref<1x128xi32, #tpu.memory_space<vmem>>, vector<1x16xi32>,
    %get3A_80 = arith.constant 1 : i32
    %get3A_81 = arith.index_cast %get3A_80 : i32 to index
    %get3A_82 = arith.constant 16 : index
    %get3A_83 = tpu.vector_load %arg6[%get3A_81, %get3A_82] {strides = array<i32>} : memref<2x128xi32, #tpu.memory_space<vmem>>, vector<1x16xi32>,
    %get3A_84 = vector.shape_cast %get3A_83 : vector<1x16xi32> to vector<16xi32>
    %ge3A_85 = vector.broadcast %mul3A_0 : i32 to vector<16xi32>
    %ge3A_86 = arith.cmpi sge, %get3A_84, %ge3A_85 : vector<16xi32>
    %lt3A_87 = vector.broadcast %add3A_1 : i32 to vector<16xi32>
    %lt3A_88 = arith.cmpi slt, %get3A_84, %lt3A_87 : vector<16xi32>
    %and3A_89 = arith.andi %ge3A_86, %lt3A_88 : vector<16xi1>
    %sub3A_90 = vector.broadcast %mul3A_0 : i32 to vector<16xi32>
    %sub3A_91 = arith.subi %get3A_84, %sub3A_90 : vector<16xi32>
    %jit3A_92 = arith.constant 25088 : i32
    %broadcast_in_dim3A_93 = vector.broadcast %jit3A_92 : i32 to vector<16xi32>
    %select_n3A_94 = arith.select %and3A_89, %sub3A_91, %broadcast_in_dim3A_93 : vector<16xi1>, vector<16xi32>
    %swap3A_95 = arith.constant 0 : i32
    %swap3A_96 = arith.index_cast %swap3A_95 : i32 to index
    %swap3A_97 = arith.constant 16 : index
    %swap3A_98 = tpu.vector_load %arg8[%swap3A_96, %swap3A_97] {strides = array<i32>} : memref<1x128xi32, #tpu.memory_space<vmem>>, vector<1x16xi32>,
    %swap3A_99 = vector.shape_cast %swap3A_98 : vector<1x16xi32> to vector<16xi32>
    %swap3A_100 = vector.shape_cast %select_n3A_94 : vector<16xi32> to vector<1x16xi32>
    tpu.vector_store %arg8[%swap3A_96, %swap3A_97], %swap3A_100 {strides = array<i32>} : memref<1x128xi32, #tpu.memory_space<vmem>>, vector<1x16xi32>,
    %get3A_101 = arith.constant 1 : i32
    %get3A_102 = arith.index_cast %get3A_101 : i32 to index
    %get3A_103 = arith.constant 32 : index
    %get3A_104 = tpu.vector_load %arg6[%get3A_102, %get3A_103] {strides = array<i32>} : memref<2x128xi32, #tpu.memory_space<vmem>>, vector<1x16xi32>,
    %get3A_105 = vector.shape_cast %get3A_104 : vector<1x16xi32> to vector<16xi32>
    %ge3A_106 = vector.broadcast %mul3A_0 : i32 to vector<16xi32>
    %ge3A_107 = arith.cmpi sge, %get3A_105, %ge3A_106 : vector<16xi32>
    %lt3A_108 = vector.broadcast %add3A_1 : i32 to vector<16xi32>
    %lt3A_109 = arith.cmpi slt, %get3A_105, %lt3A_108 : vector<16xi32>
    %and3A_110 = arith.andi %ge3A_107, %lt3A_109 : vector<16xi1>
    %sub3A_111 = vector.broadcast %mul3A_0 : i32 to vector<16xi32>
    %sub3A_112 = arith.subi %get3A_105, %sub3A_111 : vector<16xi32>
    %jit3A_113 = arith.constant 25088 : i32
    %broadcast_in_dim3A_114 = vector.broadcast %jit3A_113 : i32 to vector<16xi32>
    %select_n3A_115 = arith.select %and3A_110, %sub3A_112, %broadcast_in_dim3A_114 : vector<16xi1>, vector<16xi32>
    %swap3A_116 = arith.constant 0 : i32
    %swap3A_117 = arith.index_cast %swap3A_116 : i32 to index
    %swap3A_118 = arith.constant 32 : index
    %swap3A_119 = tpu.vector_load %arg8[%swap3A_117, %swap3A_118] {strides = array<i32>} : memref<1x128xi32, #tpu.memory_space<vmem>>, vector<1x16xi32>,
    %swap3A_120 = vector.shape_cast %swap3A_119 : vector<1x16xi32> to vector<16xi32>
    %swap3A_121 = vector.shape_cast %select_n3A_115 : vector<16xi32> to vector<1x16xi32>
    tpu.vector_store %arg8[%swap3A_117, %swap3A_118], %swap3A_121 {strides = array<i32>} : memref<1x128xi32, #tpu.memory_space<vmem>>, vector<1x16xi32>,
    %get3A_122 = arith.constant 1 : i32
    %get3A_123 = arith.index_cast %get3A_122 : i32 to index
    %get3A_124 = arith.constant 48 : index
    %get3A_125 = tpu.vector_load %arg6[%get3A_123, %get3A_124] {strides = array<i32>} : memref<2x128xi32, #tpu.memory_space<vmem>>, vector<1x16xi32>,
    %get3A_126 = vector.shape_cast %get3A_125 : vector<1x16xi32> to vector<16xi32>
    %ge3A_127 = vector.broadcast %mul3A_0 : i32 to vector<16xi32>
    %ge3A_128 = arith.cmpi sge, %get3A_126, %ge3A_127 : vector<16xi32>
    %lt3A_129 = vector.broadcast %add3A_1 : i32 to vector<16xi32>
    %lt3A_130 = arith.cmpi slt, %get3A_126, %lt3A_129 : vector<16xi32>
    %and3A_131 = arith.andi %ge3A_128, %lt3A_130 : vector<16xi1>
    %sub3A_132 = vector.broadcast %mul3A_0 : i32 to vector<16xi32>
    %sub3A_133 = arith.subi %get3A_126, %sub3A_132 : vector<16xi32>
    %jit3A_134 = arith.constant 25088 : i32
    %broadcast_in_dim3A_135 = vector.broadcast %jit3A_134 : i32 to vector<16xi32>
    %select_n3A_136 = arith.select %and3A_131, %sub3A_133, %broadcast_in_dim3A_135 : vector<16xi1>, vector<16xi32>
    %swap3A_137 = arith.constant 0 : i32
    %swap3A_138 = arith.index_cast %swap3A_137 : i32 to index
    %swap3A_139 = arith.constant 48 : index
    %swap3A_140 = tpu.vector_load %arg8[%swap3A_138, %swap3A_139] {strides = array<i32>} : memref<1x128xi32, #tpu.memory_space<vmem>>, vector<1x16xi32>,
    %swap3A_141 = vector.shape_cast %swap3A_140 : vector<1x16xi32> to vector<16xi32>
    %swap3A_142 = vector.shape_cast %select_n3A_136 : vector<16xi32> to vector<1x16xi32>
    tpu.vector_store %arg8[%swap3A_138, %swap3A_139], %swap3A_142 {strides = array<i32>} : memref<1x128xi32, #tpu.memory_space<vmem>>, vector<1x16xi32>,
    %get3A_143 = arith.constant 1 : i32
    %get3A_144 = arith.index_cast %get3A_143 : i32 to index
    %get3A_145 = arith.constant 64 : index
    %get3A_146 = tpu.vector_load %arg6[%get3A_144, %get3A_145] {strides = array<i32>} : memref<2x128xi32, #tpu.memory_space<vmem>>, vector<1x16xi32>,
    %get3A_147 = vector.shape_cast %get3A_146 : vector<1x16xi32> to vector<16xi32>
    %ge3A_148 = vector.broadcast %mul3A_0 : i32 to vector<16xi32>
    %ge3A_149 = arith.cmpi sge, %get3A_147, %ge3A_148 : vector<16xi32>
    %lt3A_150 = vector.broadcast %add3A_1 : i32 to vector<16xi32>
    %lt3A_151 = arith.cmpi slt, %get3A_147, %lt3A_150 : vector<16xi32>
    %and3A_152 = arith.andi %ge3A_149, %lt3A_151 : vector<16xi1>
    %sub3A_153 = vector.broadcast %mul3A_0 : i32 to vector<16xi32>
    %sub3A_154 = arith.subi %get3A_147, %sub3A_153 : vector<16xi32>
    %jit3A_155 = arith.constant 25088 : i32
    %broadcast_in_dim3A_156 = vector.broadcast %jit3A_155 : i32 to vector<16xi32>
    %select_n3A_157 = arith.select %and3A_152, %sub3A_154, %broadcast_in_dim3A_156 : vector<16xi1>, vector<16xi32>
    %swap3A_158 = arith.constant 0 : i32
    %swap3A_159 = arith.index_cast %swap3A_158 : i32 to index
    %swap3A_160 = arith.constant 64 : index
    %swap3A_161 = tpu.vector_load %arg8[%swap3A_159, %swap3A_160] {strides = array<i32>} : memref<1x128xi32, #tpu.memory_space<vmem>>, vector<1x16xi32>,
    %swap3A_162 = vector.shape_cast %swap3A_161 : vector<1x16xi32> to vector<16xi32>
    %swap3A_163 = vector.shape_cast %select_n3A_157 : vector<16xi32> to vector<1x16xi32>
    tpu.vector_store %arg8[%swap3A_159, %swap3A_160], %swap3A_163 {strides = array<i32>} : memref<1x128xi32, #tpu.memory_space<vmem>>, vector<1x16xi32>,
    %get3A_164 = arith.constant 1 : i32
    %get3A_165 = arith.index_cast %get3A_164 : i32 to index
    %get3A_166 = arith.constant 80 : index
    %get3A_167 = tpu.vector_load %arg6[%get3A_165, %get3A_166] {strides = array<i32>} : memref<2x128xi32, #tpu.memory_space<vmem>>, vector<1x16xi32>,
    %get3A_168 = vector.shape_cast %get3A_167 : vector<1x16xi32> to vector<16xi32>
    %ge3A_169 = vector.broadcast %mul3A_0 : i32 to vector<16xi32>
    %ge3A_170 = arith.cmpi sge, %get3A_168, %ge3A_169 : vector<16xi32>
    %lt3A_171 = vector.broadcast %add3A_1 : i32 to vector<16xi32>
    %lt3A_172 = arith.cmpi slt, %get3A_168, %lt3A_171 : vector<16xi32>
    %and3A_173 = arith.andi %ge3A_170, %lt3A_172 : vector<16xi1>
    %sub3A_174 = vector.broadcast %mul3A_0 : i32 to vector<16xi32>
    %sub3A_175 = arith.subi %get3A_168, %sub3A_174 : vector<16xi32>
    %jit3A_176 = arith.constant 25088 : i32
    %broadcast_in_dim3A_177 = vector.broadcast %jit3A_176 : i32 to vector<16xi32>
    %select_n3A_178 = arith.select %and3A_173, %sub3A_175, %broadcast_in_dim3A_177 : vector<16xi1>, vector<16xi32>
    %swap3A_179 = arith.constant 0 : i32
    %swap3A_180 = arith.index_cast %swap3A_179 : i32 to index
    %swap3A_181 = arith.constant 80 : index
    %swap3A_182 = tpu.vector_load %arg8[%swap3A_180, %swap3A_181] {strides = array<i32>} : memref<1x128xi32, #tpu.memory_space<vmem>>, vector<1x16xi32>,
    %swap3A_183 = vector.shape_cast %swap3A_182 : vector<1x16xi32> to vector<16xi32>
    %swap3A_184 = vector.shape_cast %select_n3A_178 : vector<16xi32> to vector<1x16xi32>
    tpu.vector_store %arg8[%swap3A_180, %swap3A_181], %swap3A_184 {strides = array<i32>} : memref<1x128xi32, #tpu.memory_space<vmem>>, vector<1x16xi32>,
    %get3A_185 = arith.constant 1 : i32
    %get3A_186 = arith.index_cast %get3A_185 : i32 to index
    %get3A_187 = arith.constant 96 : index
    %get3A_188 = tpu.vector_load %arg6[%get3A_186, %get3A_187] {strides = array<i32>} : memref<2x128xi32, #tpu.memory_space<vmem>>, vector<1x16xi32>,
    %get3A_189 = vector.shape_cast %get3A_188 : vector<1x16xi32> to vector<16xi32>
    %ge3A_190 = vector.broadcast %mul3A_0 : i32 to vector<16xi32>
    %ge3A_191 = arith.cmpi sge, %get3A_189, %ge3A_190 : vector<16xi32>
    %lt3A_192 = vector.broadcast %add3A_1 : i32 to vector<16xi32>
    %lt3A_193 = arith.cmpi slt, %get3A_189, %lt3A_192 : vector<16xi32>
    %and3A_194 = arith.andi %ge3A_191, %lt3A_193 : vector<16xi1>
    %sub3A_195 = vector.broadcast %mul3A_0 : i32 to vector<16xi32>
    %sub3A_196 = arith.subi %get3A_189, %sub3A_195 : vector<16xi32>
    %jit3A_197 = arith.constant 25088 : i32
    %broadcast_in_dim3A_198 = vector.broadcast %jit3A_197 : i32 to vector<16xi32>
    %select_n3A_199 = arith.select %and3A_194, %sub3A_196, %broadcast_in_dim3A_198 : vector<16xi1>, vector<16xi32>
    %swap3A_200 = arith.constant 0 : i32
    %swap3A_201 = arith.index_cast %swap3A_200 : i32 to index
    %swap3A_202 = arith.constant 96 : index
    %swap3A_203 = tpu.vector_load %arg8[%swap3A_201, %swap3A_202] {strides = array<i32>} : memref<1x128xi32, #tpu.memory_space<vmem>>, vector<1x16xi32>,
    %swap3A_204 = vector.shape_cast %swap3A_203 : vector<1x16xi32> to vector<16xi32>
    %swap3A_205 = vector.shape_cast %select_n3A_199 : vector<16xi32> to vector<1x16xi32>
    tpu.vector_store %arg8[%swap3A_201, %swap3A_202], %swap3A_205 {strides = array<i32>} : memref<1x128xi32, #tpu.memory_space<vmem>>, vector<1x16xi32>,
    %get3A_206 = arith.constant 1 : i32
    %get3A_207 = arith.index_cast %get3A_206 : i32 to index
    %get3A_208 = arith.constant 112 : index
    %get3A_209 = tpu.vector_load %arg6[%get3A_207, %get3A_208] {strides = array<i32>} : memref<2x128xi32, #tpu.memory_space<vmem>>, vector<1x16xi32>,
    %get3A_210 = vector.shape_cast %get3A_209 : vector<1x16xi32> to vector<16xi32>
    %ge3A_211 = vector.broadcast %mul3A_0 : i32 to vector<16xi32>
    %ge3A_212 = arith.cmpi sge, %get3A_210, %ge3A_211 : vector<16xi32>
    %lt3A_213 = vector.broadcast %add3A_1 : i32 to vector<16xi32>
    %lt3A_214 = arith.cmpi slt, %get3A_210, %lt3A_213 : vector<16xi32>
    %and3A_215 = arith.andi %ge3A_212, %lt3A_214 : vector<16xi1>
    %sub3A_216 = vector.broadcast %mul3A_0 : i32 to vector<16xi32>
    %sub3A_217 = arith.subi %get3A_210, %sub3A_216 : vector<16xi32>
    %jit3A_218 = arith.constant 25088 : i32
    %broadcast_in_dim3A_219 = vector.broadcast %jit3A_218 : i32 to vector<16xi32>
    %select_n3A_220 = arith.select %and3A_215, %sub3A_217, %broadcast_in_dim3A_219 : vector<16xi1>, vector<16xi32>
    %swap3A_221 = arith.constant 0 : i32
    %swap3A_222 = arith.index_cast %swap3A_221 : i32 to index
    %swap3A_223 = arith.constant 112 : index
    %swap3A_224 = tpu.vector_load %arg8[%swap3A_222, %swap3A_223] {strides = array<i32>} : memref<1x128xi32, #tpu.memory_space<vmem>>, vector<1x16xi32>,
    %swap3A_225 = vector.shape_cast %swap3A_224 : vector<1x16xi32> to vector<16xi32>
    %swap3A_226 = vector.shape_cast %select_n3A_220 : vector<16xi32> to vector<1x16xi32>
    tpu.vector_store %arg8[%swap3A_222, %swap3A_223], %swap3A_226 {strides = array<i32>} : memref<1x128xi32, #tpu.memory_space<vmem>>, vector<1x16xi32>,
    %dma_start3A_227 = arith.constant 0 : i32
    %dma_start3A_228 = arith.constant 0 : i32
    %dma_start3A_229 = tpu.memref_slice %arg6[%dma_start3A_227, %dma_start3A_228] : memref<2x128xi32, #tpu.memory_space<vmem>> -> memref<1x128xi32, #tpu.memory_space<vmem>>
    %dma_start3A_230 = tpu.memref_squeeze %dma_start3A_229 : memref<1x128xi32, #tpu.memory_space<vmem>> -> memref<128xi32, #tpu.memory_space<vmem>>
    %dma_start3A_231 = arith.constant 0 : i32
    %dma_start3A_232 = arith.constant 0 : i32
    %dma_start3A_233 = tpu.memref_slice %arg2[%dma_start3A_231, %dma_start3A_232] : memref<50176x64xf32, #tpu.memory_space<hbm>> -> memref<50176x64xf32, #tpu.memory_space<hbm>>
    tpu.enqueue_indirect_dma source(%dma_start3A_233 : memref<50176x64xf32, #tpu.memory_space<hbm>>) target(%arg10 : memref<128x64xf32, #tpu.memory_space<vmem>>) offsets(%dma_start3A_230 : memref<128xi32, #tpu.memory_space<vmem>>) semaphore(%arg15 : memref<!tpu.dma_semaphore, #tpu.memory_space<semaphore_mem>>)
    %add3A_234 = arith.constant 2 : i32
    %add3A_235 = arith.addi %mul3A_59, %add3A_234 : i32
    %dma_start3A_236 = arith.constant 0 : i32
    %dma_start3A_237 = tpu.memref_slice %arg3[%add3A_235, %dma_start3A_236] : memref<12544x128xi32, #tpu.memory_space<hbm>> -> memref<2x128xi32, #tpu.memory_space<hbm>>
    %dma_start3A_238 = arith.constant 0 : i32
    %dma_start3A_239 = tpu.memref_slice %arg3[%add3A_235, %dma_start3A_238] : memref<12544x128xi32, #tpu.memory_space<hbm>> -> memref<2x128xi32, #tpu.memory_space<hbm>>
    tpu.enqueue_dma source(%dma_start3A_239 : memref<2x128xi32, #tpu.memory_space<hbm>>) target(%arg7 : memref<2x128xi32, #tpu.memory_space<vmem>>) target_semaphore(%arg14 : memref<!tpu.dma_semaphore, #tpu.memory_space<semaphore_mem>>)
    %scan3A = arith.constant 0 : i32
    %scan3A_240 = arith.constant 0 : i32
    %scan3A_241 = arith.constant 196 : i32
    %scan3A_242 = arith.addi %scan3A_240, %scan3A_241 : i32
    %scan3A_243 = arith.constant 1 : i32
    scf.for %scan3A_259 = %scan3A_240 to %scan3A_242 step %scan3A_243  : i32 {
      %mul3A_260 = arith.constant 2 : i32
      %mul3A_261 = arith.muli %mul3A_260, %scan3A_259 : i32
      %dma_wait3A_262 = arith.constant 0 : i32
      %dma_wait3A_263 = arith.constant 0 : i32
      %dma_wait3A_264 = tpu.memref_slice %arg6[%dma_wait3A_262, %dma_wait3A_263] : memref<2x128xi32, #tpu.memory_space<vmem>> -> memref<1x128xi32, #tpu.memory_space<vmem>>
      %dma_wait3A_265 = tpu.memref_squeeze %dma_wait3A_264 : memref<1x128xi32, #tpu.memory_space<vmem>> -> memref<128xi32, #tpu.memory_space<vmem>>
      %dma_wait3A_266 = arith.constant 0 : i32
      %dma_wait3A_267 = arith.constant 0 : i32
      %dma_wait3A_268 = tpu.memref_slice %arg2[%dma_wait3A_266, %dma_wait3A_267] : memref<50176x64xf32, #tpu.memory_space<hbm>> -> memref<50176x64xf32, #tpu.memory_space<hbm>>
      tpu.wait_indirect_dma semaphore(%arg15 : memref<!tpu.dma_semaphore, #tpu.memory_space<semaphore_mem>>) src(%dma_wait3A_268 : memref<50176x64xf32, #tpu.memory_space<hbm>>) dst(%arg10 : memref<128x64xf32, #tpu.memory_space<vmem>>)
      %dma_start3A_269 = arith.constant 0 : i32
      %dma_start3A_270 = arith.constant 0 : i32
      %dma_start3A_271 = tpu.memref_slice %arg8[%dma_start3A_269, %dma_start3A_270] : memref<1x128xi32, #tpu.memory_space<vmem>> -> memref<1x128xi32, #tpu.memory_space<vmem>>
      %dma_start3A_272 = tpu.memref_squeeze %dma_start3A_271 : memref<1x128xi32, #tpu.memory_space<vmem>> -> memref<128xi32, #tpu.memory_space<vmem>>
      %dma_start3A_273 = arith.constant 0 : i32
      %dma_start3A_274 = arith.constant 0 : i32
      %dma_start3A_275 = tpu.memref_slice %arg12[%dma_start3A_273, %dma_start3A_274] : memref<25104x64xf32, #tpu.memory_space<vmem_shared>> -> memref<25104x64xf32, #tpu.memory_space<vmem_shared>>
      tpu.enqueue_indirect_dma source(%arg10 : memref<128x64xf32, #tpu.memory_space<vmem>>) target(%dma_start3A_275 : memref<25104x64xf32, #tpu.memory_space<vmem_shared>>) offsets(%dma_start3A_272 : memref<128xi32, #tpu.memory_space<vmem>>) semaphore(%arg17 : memref<!tpu.dma_semaphore, #tpu.memory_space<semaphore_mem>>) {add = true}
      %add3A_276 = arith.constant 2 : i32
      %add3A_277 = arith.addi %mul3A_261, %add3A_276 : i32
      %lt3A_278 = arith.constant 392 : i32
      %lt3A_279 = arith.cmpi slt, %add3A_277, %lt3A_278 : i32
      %convert_element_type3A = arith.extui %lt3A_279 : i1 to i32
      %cond3A = arith.constant 0 : i32
      %cond3A_280 = arith.cmpi ne, %convert_element_type3A, %cond3A : i32
      scf.if %cond3A_280 {
        %add3A_499 = arith.constant 2 : i32
        %add3A_500 = arith.addi %mul3A_261, %add3A_499 : i32
        %mul3A_501 = arith.constant 2 : i32
        %mul3A_502 = arith.muli %mul3A_501, %add3A_500 : i32
        %add3A_503 = arith.addi %mul3A_59, %mul3A_502 : i32
        %dma_start3A_504 = arith.constant 0 : i32
        %dma_start3A_505 = tpu.memref_slice %arg3[%add3A_503, %dma_start3A_504] : memref<12544x128xi32, #tpu.memory_space<hbm>> -> memref<2x128xi32, #tpu.memory_space<hbm>>
        %dma_start3A_506 = arith.constant 0 : i32
        %dma_start3A_507 = tpu.memref_slice %arg3[%add3A_503, %dma_start3A_506] : memref<12544x128xi32, #tpu.memory_space<hbm>> -> memref<2x128xi32, #tpu.memory_space<hbm>>
        tpu.enqueue_dma source(%dma_start3A_507 : memref<2x128xi32, #tpu.memory_space<hbm>>) target(%arg6 : memref<2x128xi32, #tpu.memory_space<vmem>>) target_semaphore(%arg13 : memref<!tpu.dma_semaphore, #tpu.memory_space<semaphore_mem>>)
      } else {
      }
      %dma_wait3A_281 = arith.constant 0 : i32
      %dma_wait3A_282 = tpu.memref_slice %arg3[%mul3A_59, %dma_wait3A_281] : memref<12544x128xi32, #tpu.memory_space<hbm>> -> memref<2x128xi32, #tpu.memory_space<hbm>>
      %dma_wait3A_283 = arith.constant 0 : i32
      %dma_wait3A_284 = tpu.memref_slice %arg3[%mul3A_59, %dma_wait3A_283] : memref<12544x128xi32, #tpu.memory_space<hbm>> -> memref<2x128xi32, #tpu.memory_space<hbm>>
      tpu.wait_dma2 semaphore(%arg14 : memref<!tpu.dma_semaphore, #tpu.memory_space<semaphore_mem>>) src(%dma_wait3A_284 : memref<2x128xi32, #tpu.memory_space<hbm>>) dst(%arg7 : memref<2x128xi32, #tpu.memory_space<vmem>>)
      %gt3A = arith.constant 0 : i32
      %gt3A_285 = arith.cmpi sgt, %scan3A_259, %gt3A : i32
      %convert_element_type3A_286 = arith.extui %gt3A_285 : i1 to i32
      %cond3A_287 = arith.constant 0 : i32
      %cond3A_288 = arith.cmpi ne, %convert_element_type3A_286, %cond3A_287 : i32
      scf.if %cond3A_288 {
        %dma_wait3A_499 = arith.constant 0 : i32
        %dma_wait3A_500 = arith.constant 0 : i32
        %dma_wait3A_501 = tpu.memref_slice %arg9[%dma_wait3A_499, %dma_wait3A_500] : memref<1x128xi32, #tpu.memory_space<vmem>> -> memref<1x128xi32, #tpu.memory_space<vmem>>
        %dma_wait3A_502 = tpu.memref_squeeze %dma_wait3A_501 : memref<1x128xi32, #tpu.memory_space<vmem>> -> memref<128xi32, #tpu.memory_space<vmem>>
        %dma_wait3A_503 = arith.constant 0 : i32
        %dma_wait3A_504 = arith.constant 0 : i32
        %dma_wait3A_505 = tpu.memref_slice %arg12[%dma_wait3A_503, %dma_wait3A_504] : memref<25104x64xf32, #tpu.memory_space<vmem_shared>> -> memref<25104x64xf32, #tpu.memory_space<vmem_shared>>
        tpu.wait_indirect_dma semaphore(%arg18 : memref<!tpu.dma_semaphore, #tpu.memory_space<semaphore_mem>>) src(%arg11 : memref<128x64xf32, #tpu.memory_space<vmem>>) dst(%dma_wait3A_505 : memref<25104x64xf32, #tpu.memory_space<vmem_shared>>)
      } else {
      }
      %get3A_289 = arith.constant 1 : i32
      %get3A_290 = arith.index_cast %get3A_289 : i32 to index
      %get3A_291 = arith.constant 0 : index
      %get3A_292 = tpu.vector_load %arg7[%get3A_290, %get3A_291] {strides = array<i32>} : memref<2x128xi32, #tpu.memory_space<vmem>>, vector<1x16xi32>,
      %get3A_293 = vector.shape_cast %get3A_292 : vector<1x16xi32> to vector<16xi32>
      %ge3A_294 = vector.broadcast %mul3A_0 : i32 to vector<16xi32>
      %ge3A_295 = arith.cmpi sge, %get3A_293, %ge3A_294 : vector<16xi32>
      %lt3A_296 = vector.broadcast %add3A_1 : i32 to vector<16xi32>
      %lt3A_297 = arith.cmpi slt, %get3A_293, %lt3A_296 : vector<16xi32>
      %and3A_298 = arith.andi %ge3A_295, %lt3A_297 : vector<16xi1>
      %sub3A_299 = vector.broadcast %mul3A_0 : i32 to vector<16xi32>
      %sub3A_300 = arith.subi %get3A_293, %sub3A_299 : vector<16xi32>
      %jit3A_301 = arith.constant 25088 : i32
      %broadcast_in_dim3A_302 = vector.broadcast %jit3A_301 : i32 to vector<16xi32>
      %select_n3A_303 = arith.select %and3A_298, %sub3A_300, %broadcast_in_dim3A_302 : vector<16xi1>, vector<16xi32>
      %swap3A_304 = arith.constant 0 : i32
      %swap3A_305 = arith.index_cast %swap3A_304 : i32 to index
      %swap3A_306 = arith.constant 0 : index
      %swap3A_307 = tpu.vector_load %arg9[%swap3A_305, %swap3A_306] {strides = array<i32>} : memref<1x128xi32, #tpu.memory_space<vmem>>, vector<1x16xi32>,
      %swap3A_308 = vector.shape_cast %swap3A_307 : vector<1x16xi32> to vector<16xi32>
      %swap3A_309 = vector.shape_cast %select_n3A_303 : vector<16xi32> to vector<1x16xi32>
      tpu.vector_store %arg9[%swap3A_305, %swap3A_306], %swap3A_309 {strides = array<i32>} : memref<1x128xi32, #tpu.memory_space<vmem>>, vector<1x16xi32>,
      %get3A_310 = arith.constant 1 : i32
      %get3A_311 = arith.index_cast %get3A_310 : i32 to index
      %get3A_312 = arith.constant 16 : index
      %get3A_313 = tpu.vector_load %arg7[%get3A_311, %get3A_312] {strides = array<i32>} : memref<2x128xi32, #tpu.memory_space<vmem>>, vector<1x16xi32>,
      %get3A_314 = vector.shape_cast %get3A_313 : vector<1x16xi32> to vector<16xi32>
      %ge3A_315 = vector.broadcast %mul3A_0 : i32 to vector<16xi32>
      %ge3A_316 = arith.cmpi sge, %get3A_314, %ge3A_315 : vector<16xi32>
      %lt3A_317 = vector.broadcast %add3A_1 : i32 to vector<16xi32>
      %lt3A_318 = arith.cmpi slt, %get3A_314, %lt3A_317 : vector<16xi32>
      %and3A_319 = arith.andi %ge3A_316, %lt3A_318 : vector<16xi1>
      %sub3A_320 = vector.broadcast %mul3A_0 : i32 to vector<16xi32>
      %sub3A_321 = arith.subi %get3A_314, %sub3A_320 : vector<16xi32>
      %jit3A_322 = arith.constant 25088 : i32
      %broadcast_in_dim3A_323 = vector.broadcast %jit3A_322 : i32 to vector<16xi32>
      %select_n3A_324 = arith.select %and3A_319, %sub3A_321, %broadcast_in_dim3A_323 : vector<16xi1>, vector<16xi32>
      %swap3A_325 = arith.constant 0 : i32
      %swap3A_326 = arith.index_cast %swap3A_325 : i32 to index
      %swap3A_327 = arith.constant 16 : index
      %swap3A_328 = tpu.vector_load %arg9[%swap3A_326, %swap3A_327] {strides = array<i32>} : memref<1x128xi32, #tpu.memory_space<vmem>>, vector<1x16xi32>,
      %swap3A_329 = vector.shape_cast %swap3A_328 : vector<1x16xi32> to vector<16xi32>
      %swap3A_330 = vector.shape_cast %select_n3A_324 : vector<16xi32> to vector<1x16xi32>
      tpu.vector_store %arg9[%swap3A_326, %swap3A_327], %swap3A_330 {strides = array<i32>} : memref<1x128xi32, #tpu.memory_space<vmem>>, vector<1x16xi32>,
      %get3A_331 = arith.constant 1 : i32
      %get3A_332 = arith.index_cast %get3A_331 : i32 to index
      %get3A_333 = arith.constant 32 : index
      %get3A_334 = tpu.vector_load %arg7[%get3A_332, %get3A_333] {strides = array<i32>} : memref<2x128xi32, #tpu.memory_space<vmem>>, vector<1x16xi32>,
      %get3A_335 = vector.shape_cast %get3A_334 : vector<1x16xi32> to vector<16xi32>
      %ge3A_336 = vector.broadcast %mul3A_0 : i32 to vector<16xi32>
      %ge3A_337 = arith.cmpi sge, %get3A_335, %ge3A_336 : vector<16xi32>
      %lt3A_338 = vector.broadcast %add3A_1 : i32 to vector<16xi32>
      %lt3A_339 = arith.cmpi slt, %get3A_335, %lt3A_338 : vector<16xi32>
      %and3A_340 = arith.andi %ge3A_337, %lt3A_339 : vector<16xi1>
      %sub3A_341 = vector.broadcast %mul3A_0 : i32 to vector<16xi32>
      %sub3A_342 = arith.subi %get3A_335, %sub3A_341 : vector<16xi32>
      %jit3A_343 = arith.constant 25088 : i32
      %broadcast_in_dim3A_344 = vector.broadcast %jit3A_343 : i32 to vector<16xi32>
      %select_n3A_345 = arith.select %and3A_340, %sub3A_342, %broadcast_in_dim3A_344 : vector<16xi1>, vector<16xi32>
      %swap3A_346 = arith.constant 0 : i32
      %swap3A_347 = arith.index_cast %swap3A_346 : i32 to index
      %swap3A_348 = arith.constant 32 : index
      %swap3A_349 = tpu.vector_load %arg9[%swap3A_347, %swap3A_348] {strides = array<i32>} : memref<1x128xi32, #tpu.memory_space<vmem>>, vector<1x16xi32>,
      %swap3A_350 = vector.shape_cast %swap3A_349 : vector<1x16xi32> to vector<16xi32>
      %swap3A_351 = vector.shape_cast %select_n3A_345 : vector<16xi32> to vector<1x16xi32>
      tpu.vector_store %arg9[%swap3A_347, %swap3A_348], %swap3A_351 {strides = array<i32>} : memref<1x128xi32, #tpu.memory_space<vmem>>, vector<1x16xi32>,
      %get3A_352 = arith.constant 1 : i32
      %get3A_353 = arith.index_cast %get3A_352 : i32 to index
      %get3A_354 = arith.constant 48 : index
      %get3A_355 = tpu.vector_load %arg7[%get3A_353, %get3A_354] {strides = array<i32>} : memref<2x128xi32, #tpu.memory_space<vmem>>, vector<1x16xi32>,
      %get3A_356 = vector.shape_cast %get3A_355 : vector<1x16xi32> to vector<16xi32>
      %ge3A_357 = vector.broadcast %mul3A_0 : i32 to vector<16xi32>
      %ge3A_358 = arith.cmpi sge, %get3A_356, %ge3A_357 : vector<16xi32>
      %lt3A_359 = vector.broadcast %add3A_1 : i32 to vector<16xi32>
      %lt3A_360 = arith.cmpi slt, %get3A_356, %lt3A_359 : vector<16xi32>
      %and3A_361 = arith.andi %ge3A_358, %lt3A_360 : vector<16xi1>
      %sub3A_362 = vector.broadcast %mul3A_0 : i32 to vector<16xi32>
      %sub3A_363 = arith.subi %get3A_356, %sub3A_362 : vector<16xi32>
      %jit3A_364 = arith.constant 25088 : i32
      %broadcast_in_dim3A_365 = vector.broadcast %jit3A_364 : i32 to vector<16xi32>
      %select_n3A_366 = arith.select %and3A_361, %sub3A_363, %broadcast_in_dim3A_365 : vector<16xi1>, vector<16xi32>
      %swap3A_367 = arith.constant 0 : i32
      %swap3A_368 = arith.index_cast %swap3A_367 : i32 to index
      %swap3A_369 = arith.constant 48 : index
      %swap3A_370 = tpu.vector_load %arg9[%swap3A_368, %swap3A_369] {strides = array<i32>} : memref<1x128xi32, #tpu.memory_space<vmem>>, vector<1x16xi32>,
      %swap3A_371 = vector.shape_cast %swap3A_370 : vector<1x16xi32> to vector<16xi32>
      %swap3A_372 = vector.shape_cast %select_n3A_366 : vector<16xi32> to vector<1x16xi32>
      tpu.vector_store %arg9[%swap3A_368, %swap3A_369], %swap3A_372 {strides = array<i32>} : memref<1x128xi32, #tpu.memory_space<vmem>>, vector<1x16xi32>,
      %get3A_373 = arith.constant 1 : i32
      %get3A_374 = arith.index_cast %get3A_373 : i32 to index
      %get3A_375 = arith.constant 64 : index
      %get3A_376 = tpu.vector_load %arg7[%get3A_374, %get3A_375] {strides = array<i32>} : memref<2x128xi32, #tpu.memory_space<vmem>>, vector<1x16xi32>,
      %get3A_377 = vector.shape_cast %get3A_376 : vector<1x16xi32> to vector<16xi32>
      %ge3A_378 = vector.broadcast %mul3A_0 : i32 to vector<16xi32>
      %ge3A_379 = arith.cmpi sge, %get3A_377, %ge3A_378 : vector<16xi32>
      %lt3A_380 = vector.broadcast %add3A_1 : i32 to vector<16xi32>
      %lt3A_381 = arith.cmpi slt, %get3A_377, %lt3A_380 : vector<16xi32>
      %and3A_382 = arith.andi %ge3A_379, %lt3A_381 : vector<16xi1>
      %sub3A_383 = vector.broadcast %mul3A_0 : i32 to vector<16xi32>
      %sub3A_384 = arith.subi %get3A_377, %sub3A_383 : vector<16xi32>
      %jit3A_385 = arith.constant 25088 : i32
      %broadcast_in_dim3A_386 = vector.broadcast %jit3A_385 : i32 to vector<16xi32>
      %select_n3A_387 = arith.select %and3A_382, %sub3A_384, %broadcast_in_dim3A_386 : vector<16xi1>, vector<16xi32>
      %swap3A_388 = arith.constant 0 : i32
      %swap3A_389 = arith.index_cast %swap3A_388 : i32 to index
      %swap3A_390 = arith.constant 64 : index
      %swap3A_391 = tpu.vector_load %arg9[%swap3A_389, %swap3A_390] {strides = array<i32>} : memref<1x128xi32, #tpu.memory_space<vmem>>, vector<1x16xi32>,
      %swap3A_392 = vector.shape_cast %swap3A_391 : vector<1x16xi32> to vector<16xi32>
      %swap3A_393 = vector.shape_cast %select_n3A_387 : vector<16xi32> to vector<1x16xi32>
      tpu.vector_store %arg9[%swap3A_389, %swap3A_390], %swap3A_393 {strides = array<i32>} : memref<1x128xi32, #tpu.memory_space<vmem>>, vector<1x16xi32>,
      %get3A_394 = arith.constant 1 : i32
      %get3A_395 = arith.index_cast %get3A_394 : i32 to index
      %get3A_396 = arith.constant 80 : index
      %get3A_397 = tpu.vector_load %arg7[%get3A_395, %get3A_396] {strides = array<i32>} : memref<2x128xi32, #tpu.memory_space<vmem>>, vector<1x16xi32>,
      %get3A_398 = vector.shape_cast %get3A_397 : vector<1x16xi32> to vector<16xi32>
      %ge3A_399 = vector.broadcast %mul3A_0 : i32 to vector<16xi32>
      %ge3A_400 = arith.cmpi sge, %get3A_398, %ge3A_399 : vector<16xi32>
      %lt3A_401 = vector.broadcast %add3A_1 : i32 to vector<16xi32>
      %lt3A_402 = arith.cmpi slt, %get3A_398, %lt3A_401 : vector<16xi32>
      %and3A_403 = arith.andi %ge3A_400, %lt3A_402 : vector<16xi1>
      %sub3A_404 = vector.broadcast %mul3A_0 : i32 to vector<16xi32>
      %sub3A_405 = arith.subi %get3A_398, %sub3A_404 : vector<16xi32>
      %jit3A_406 = arith.constant 25088 : i32
      %broadcast_in_dim3A_407 = vector.broadcast %jit3A_406 : i32 to vector<16xi32>
      %select_n3A_408 = arith.select %and3A_403, %sub3A_405, %broadcast_in_dim3A_407 : vector<16xi1>, vector<16xi32>
      %swap3A_409 = arith.constant 0 : i32
      %swap3A_410 = arith.index_cast %swap3A_409 : i32 to index
      %swap3A_411 = arith.constant 80 : index
      %swap3A_412 = tpu.vector_load %arg9[%swap3A_410, %swap3A_411] {strides = array<i32>} : memref<1x128xi32, #tpu.memory_space<vmem>>, vector<1x16xi32>,
      %swap3A_413 = vector.shape_cast %swap3A_412 : vector<1x16xi32> to vector<16xi32>
      %swap3A_414 = vector.shape_cast %select_n3A_408 : vector<16xi32> to vector<1x16xi32>
      tpu.vector_store %arg9[%swap3A_410, %swap3A_411], %swap3A_414 {strides = array<i32>} : memref<1x128xi32, #tpu.memory_space<vmem>>, vector<1x16xi32>,
      %get3A_415 = arith.constant 1 : i32
      %get3A_416 = arith.index_cast %get3A_415 : i32 to index
      %get3A_417 = arith.constant 96 : index
      %get3A_418 = tpu.vector_load %arg7[%get3A_416, %get3A_417] {strides = array<i32>} : memref<2x128xi32, #tpu.memory_space<vmem>>, vector<1x16xi32>,
      %get3A_419 = vector.shape_cast %get3A_418 : vector<1x16xi32> to vector<16xi32>
      %ge3A_420 = vector.broadcast %mul3A_0 : i32 to vector<16xi32>
      %ge3A_421 = arith.cmpi sge, %get3A_419, %ge3A_420 : vector<16xi32>
      %lt3A_422 = vector.broadcast %add3A_1 : i32 to vector<16xi32>
      %lt3A_423 = arith.cmpi slt, %get3A_419, %lt3A_422 : vector<16xi32>
      %and3A_424 = arith.andi %ge3A_421, %lt3A_423 : vector<16xi1>
      %sub3A_425 = vector.broadcast %mul3A_0 : i32 to vector<16xi32>
      %sub3A_426 = arith.subi %get3A_419, %sub3A_425 : vector<16xi32>
      %jit3A_427 = arith.constant 25088 : i32
      %broadcast_in_dim3A_428 = vector.broadcast %jit3A_427 : i32 to vector<16xi32>
      %select_n3A_429 = arith.select %and3A_424, %sub3A_426, %broadcast_in_dim3A_428 : vector<16xi1>, vector<16xi32>
      %swap3A_430 = arith.constant 0 : i32
      %swap3A_431 = arith.index_cast %swap3A_430 : i32 to index
      %swap3A_432 = arith.constant 96 : index
      %swap3A_433 = tpu.vector_load %arg9[%swap3A_431, %swap3A_432] {strides = array<i32>} : memref<1x128xi32, #tpu.memory_space<vmem>>, vector<1x16xi32>,
      %swap3A_434 = vector.shape_cast %swap3A_433 : vector<1x16xi32> to vector<16xi32>
      %swap3A_435 = vector.shape_cast %select_n3A_429 : vector<16xi32> to vector<1x16xi32>
      tpu.vector_store %arg9[%swap3A_431, %swap3A_432], %swap3A_435 {strides = array<i32>} : memref<1x128xi32, #tpu.memory_space<vmem>>, vector<1x16xi32>,
      %get3A_436 = arith.constant 1 : i32
      %get3A_437 = arith.index_cast %get3A_436 : i32 to index
      %get3A_438 = arith.constant 112 : index
      %get3A_439 = tpu.vector_load %arg7[%get3A_437, %get3A_438] {strides = array<i32>} : memref<2x128xi32, #tpu.memory_space<vmem>>, vector<1x16xi32>,
      %get3A_440 = vector.shape_cast %get3A_439 : vector<1x16xi32> to vector<16xi32>
      %ge3A_441 = vector.broadcast %mul3A_0 : i32 to vector<16xi32>
      %ge3A_442 = arith.cmpi sge, %get3A_440, %ge3A_441 : vector<16xi32>
      %lt3A_443 = vector.broadcast %add3A_1 : i32 to vector<16xi32>
      %lt3A_444 = arith.cmpi slt, %get3A_440, %lt3A_443 : vector<16xi32>
      %and3A_445 = arith.andi %ge3A_442, %lt3A_444 : vector<16xi1>
      %sub3A_446 = vector.broadcast %mul3A_0 : i32 to vector<16xi32>
      %sub3A_447 = arith.subi %get3A_440, %sub3A_446 : vector<16xi32>
      %jit3A_448 = arith.constant 25088 : i32
      %broadcast_in_dim3A_449 = vector.broadcast %jit3A_448 : i32 to vector<16xi32>
      %select_n3A_450 = arith.select %and3A_445, %sub3A_447, %broadcast_in_dim3A_449 : vector<16xi1>, vector<16xi32>
      %swap3A_451 = arith.constant 0 : i32
      %swap3A_452 = arith.index_cast %swap3A_451 : i32 to index
      %swap3A_453 = arith.constant 112 : index
      %swap3A_454 = tpu.vector_load %arg9[%swap3A_452, %swap3A_453] {strides = array<i32>} : memref<1x128xi32, #tpu.memory_space<vmem>>, vector<1x16xi32>,
      %swap3A_455 = vector.shape_cast %swap3A_454 : vector<1x16xi32> to vector<16xi32>
      %swap3A_456 = vector.shape_cast %select_n3A_450 : vector<16xi32> to vector<1x16xi32>
      tpu.vector_store %arg9[%swap3A_452, %swap3A_453], %swap3A_456 {strides = array<i32>} : memref<1x128xi32, #tpu.memory_space<vmem>>, vector<1x16xi32>,
      %dma_start3A_457 = arith.constant 0 : i32
      %dma_start3A_458 = arith.constant 0 : i32
      %dma_start3A_459 = tpu.memref_slice %arg7[%dma_start3A_457, %dma_start3A_458] : memref<2x128xi32, #tpu.memory_space<vmem>> -> memref<1x128xi32, #tpu.memory_space<vmem>>
      %dma_start3A_460 = tpu.memref_squeeze %dma_start3A_459 : memref<1x128xi32, #tpu.memory_space<vmem>> -> memref<128xi32, #tpu.memory_space<vmem>>
      %dma_start3A_461 = arith.constant 0 : i32
      %dma_start3A_462 = arith.constant 0 : i32
      %dma_start3A_463 = tpu.memref_slice %arg2[%dma_start3A_461, %dma_start3A_462] : memref<50176x64xf32, #tpu.memory_space<hbm>> -> memref<50176x64xf32, #tpu.memory_space<hbm>>
      tpu.enqueue_indirect_dma source(%dma_start3A_463 : memref<50176x64xf32, #tpu.memory_space<hbm>>) target(%arg11 : memref<128x64xf32, #tpu.memory_space<vmem>>) offsets(%dma_start3A_460 : memref<128xi32, #tpu.memory_space<vmem>>) semaphore(%arg16 : memref<!tpu.dma_semaphore, #tpu.memory_space<semaphore_mem>>)
      %dma_wait3A_464 = arith.constant 0 : i32
      %dma_wait3A_465 = arith.constant 0 : i32
      %dma_wait3A_466 = tpu.memref_slice %arg7[%dma_wait3A_464, %dma_wait3A_465] : memref<2x128xi32, #tpu.memory_space<vmem>> -> memref<1x128xi32, #tpu.memory_space<vmem>>
      %dma_wait3A_467 = tpu.memref_squeeze %dma_wait3A_466 : memref<1x128xi32, #tpu.memory_space<vmem>> -> memref<128xi32, #tpu.memory_space<vmem>>
      %dma_wait3A_468 = arith.constant 0 : i32
      %dma_wait3A_469 = arith.constant 0 : i32
      %dma_wait3A_470 = tpu.memref_slice %arg2[%dma_wait3A_468, %dma_wait3A_469] : memref<50176x64xf32, #tpu.memory_space<hbm>> -> memref<50176x64xf32, #tpu.memory_space<hbm>>
      tpu.wait_indirect_dma semaphore(%arg16 : memref<!tpu.dma_semaphore, #tpu.memory_space<semaphore_mem>>) src(%dma_wait3A_470 : memref<50176x64xf32, #tpu.memory_space<hbm>>) dst(%arg11 : memref<128x64xf32, #tpu.memory_space<vmem>>)
      %dma_start3A_471 = arith.constant 0 : i32
      %dma_start3A_472 = arith.constant 0 : i32
      %dma_start3A_473 = tpu.memref_slice %arg9[%dma_start3A_471, %dma_start3A_472] : memref<1x128xi32, #tpu.memory_space<vmem>> -> memref<1x128xi32, #tpu.memory_space<vmem>>
      %dma_start3A_474 = tpu.memref_squeeze %dma_start3A_473 : memref<1x128xi32, #tpu.memory_space<vmem>> -> memref<128xi32, #tpu.memory_space<vmem>>
      %dma_start3A_475 = arith.constant 0 : i32
      %dma_start3A_476 = arith.constant 0 : i32
      %dma_start3A_477 = tpu.memref_slice %arg12[%dma_start3A_475, %dma_start3A_476] : memref<25104x64xf32, #tpu.memory_space<vmem_shared>> -> memref<25104x64xf32, #tpu.memory_space<vmem_shared>>
      tpu.enqueue_indirect_dma source(%arg11 : memref<128x64xf32, #tpu.memory_space<vmem>>) target(%dma_start3A_477 : memref<25104x64xf32, #tpu.memory_space<vmem_shared>>) offsets(%dma_start3A_474 : memref<128xi32, #tpu.memory_space<vmem>>) semaphore(%arg18 : memref<!tpu.dma_semaphore, #tpu.memory_space<semaphore_mem>>) {add = true}
      %add3A_478 = arith.constant 3 : i32
      %add3A_479 = arith.addi %mul3A_261, %add3A_478 : i32
      %lt3A_480 = arith.constant 392 : i32
      %lt3A_481 = arith.cmpi slt, %add3A_479, %lt3A_480 : i32
      %convert_element_type3A_482 = arith.extui %lt3A_481 : i1 to i32
      %cond3A_483 = arith.constant 0 : i32
      %cond3A_484 = arith.cmpi ne, %convert_element_type3A_482, %cond3A_483 : i32
      scf.if %cond3A_484 {
        %add3A_499 = arith.constant 3 : i32
        %add3A_500 = arith.addi %mul3A_261, %add3A_499 : i32
        %mul3A_501 = arith.constant 2 : i32
        %mul3A_502 = arith.muli %mul3A_501, %add3A_500 : i32
        %add3A_503 = arith.addi %mul3A_59, %mul3A_502 : i32
        %dma_start3A_504 = arith.constant 0 : i32
        %dma_start3A_505 = tpu.memref_slice %arg3[%add3A_503, %dma_start3A_504] : memref<12544x128xi32, #tpu.memory_space<hbm>> -> memref<2x128xi32, #tpu.memory_space<hbm>>
        %dma_start3A_506 = arith.constant 0 : i32
        %dma_start3A_507 = tpu.memref_slice %arg3[%add3A_503, %dma_start3A_506] : memref<12544x128xi32, #tpu.memory_space<hbm>> -> memref<2x128xi32, #tpu.memory_space<hbm>>
        tpu.enqueue_dma source(%dma_start3A_507 : memref<2x128xi32, #tpu.memory_space<hbm>>) target(%arg7 : memref<2x128xi32, #tpu.memory_space<vmem>>) target_semaphore(%arg14 : memref<!tpu.dma_semaphore, #tpu.memory_space<semaphore_mem>>)
      } else {
      }
      %dma_wait3A_485 = arith.constant 0 : i32
      %dma_wait3A_486 = arith.constant 0 : i32
      %dma_wait3A_487 = tpu.memref_slice %arg8[%dma_wait3A_485, %dma_wait3A_486] : memref<1x128xi32, #tpu.memory_space<vmem>> -> memref<1x128xi32, #tpu.memory_space<vmem>>
      %dma_wait3A_488 = tpu.memref_squeeze %dma_wait3A_487 : memref<1x128xi32, #tpu.memory_space<vmem>> -> memref<128xi32, #tpu.memory_space<vmem>>
      %dma_wait3A_489 = arith.constant 0 : i32
      %dma_wait3A_490 = arith.constant 0 : i32
      %dma_wait3A_491 = tpu.memref_slice %arg12[%dma_wait3A_489, %dma_wait3A_490] : memref<25104x64xf32, #tpu.memory_space<vmem_shared>> -> memref<25104x64xf32, #tpu.memory_space<vmem_shared>>
      tpu.wait_indirect_dma semaphore(%arg17 : memref<!tpu.dma_semaphore, #tpu.memory_space<semaphore_mem>>) src(%arg10 : memref<128x64xf32, #tpu.memory_space<vmem>>) dst(%dma_wait3A_491 : memref<25104x64xf32, #tpu.memory_space<vmem_shared>>)
      %add3A_492 = arith.constant 2 : i32
      %add3A_493 = arith.addi %mul3A_261, %add3A_492 : i32
      %lt3A_494 = arith.constant 392 : i32
      %lt3A_495 = arith.cmpi slt, %add3A_493, %lt3A_494 : i32
      %convert_element_type3A_496 = arith.extui %lt3A_495 : i1 to i32
      %cond3A_497 = arith.constant 0 : i32
      %cond3A_498 = arith.cmpi ne, %convert_element_type3A_496, %cond3A_497 : i32
      scf.if %cond3A_498 {
        %dma_wait3A_499 = arith.constant 0 : i32
        %dma_wait3A_500 = tpu.memref_slice %arg3[%mul3A_59, %dma_wait3A_499] : memref<12544x128xi32, #tpu.memory_space<hbm>> -> memref<2x128xi32, #tpu.memory_space<hbm>>
        %dma_wait3A_501 = arith.constant 0 : i32
        %dma_wait3A_502 = tpu.memref_slice %arg3[%mul3A_59, %dma_wait3A_501] : memref<12544x128xi32, #tpu.memory_space<hbm>> -> memref<2x128xi32, #tpu.memory_space<hbm>>
        tpu.wait_dma2 semaphore(%arg13 : memref<!tpu.dma_semaphore, #tpu.memory_space<semaphore_mem>>) src(%dma_wait3A_502 : memref<2x128xi32, #tpu.memory_space<hbm>>) dst(%arg6 : memref<2x128xi32, #tpu.memory_space<vmem>>)
        %get3A_503 = arith.constant 1 : i32
        %get3A_504 = arith.index_cast %get3A_503 : i32 to index
        %get3A_505 = arith.constant 0 : index
        %get3A_506 = tpu.vector_load %arg6[%get3A_504, %get3A_505] {strides = array<i32>} : memref<2x128xi32, #tpu.memory_space<vmem>>, vector<1x16xi32>,
        %get3A_507 = vector.shape_cast %get3A_506 : vector<1x16xi32> to vector<16xi32>
        %ge3A_508 = vector.broadcast %mul3A_0 : i32 to vector<16xi32>
        %ge3A_509 = arith.cmpi sge, %get3A_507, %ge3A_508 : vector<16xi32>
        %lt3A_510 = vector.broadcast %add3A_1 : i32 to vector<16xi32>
        %lt3A_511 = arith.cmpi slt, %get3A_507, %lt3A_510 : vector<16xi32>
        %and3A_512 = arith.andi %ge3A_509, %lt3A_511 : vector<16xi1>
        %sub3A_513 = vector.broadcast %mul3A_0 : i32 to vector<16xi32>
        %sub3A_514 = arith.subi %get3A_507, %sub3A_513 : vector<16xi32>
        %jit3A_515 = arith.constant 25088 : i32
        %broadcast_in_dim3A_516 = vector.broadcast %jit3A_515 : i32 to vector<16xi32>
        %select_n3A_517 = arith.select %and3A_512, %sub3A_514, %broadcast_in_dim3A_516 : vector<16xi1>, vector<16xi32>
        %swap3A_518 = arith.constant 0 : i32
        %swap3A_519 = arith.index_cast %swap3A_518 : i32 to index
        %swap3A_520 = arith.constant 0 : index
        %swap3A_521 = tpu.vector_load %arg8[%swap3A_519, %swap3A_520] {strides = array<i32>} : memref<1x128xi32, #tpu.memory_space<vmem>>, vector<1x16xi32>,
        %swap3A_522 = vector.shape_cast %swap3A_521 : vector<1x16xi32> to vector<16xi32>
        %swap3A_523 = vector.shape_cast %select_n3A_517 : vector<16xi32> to vector<1x16xi32>
        tpu.vector_store %arg8[%swap3A_519, %swap3A_520], %swap3A_523 {strides = array<i32>} : memref<1x128xi32, #tpu.memory_space<vmem>>, vector<1x16xi32>,
        %get3A_524 = arith.constant 1 : i32
        %get3A_525 = arith.index_cast %get3A_524 : i32 to index
        %get3A_526 = arith.constant 16 : index
        %get3A_527 = tpu.vector_load %arg6[%get3A_525, %get3A_526] {strides = array<i32>} : memref<2x128xi32, #tpu.memory_space<vmem>>, vector<1x16xi32>,
        %get3A_528 = vector.shape_cast %get3A_527 : vector<1x16xi32> to vector<16xi32>
        %ge3A_529 = vector.broadcast %mul3A_0 : i32 to vector<16xi32>
        %ge3A_530 = arith.cmpi sge, %get3A_528, %ge3A_529 : vector<16xi32>
        %lt3A_531 = vector.broadcast %add3A_1 : i32 to vector<16xi32>
        %lt3A_532 = arith.cmpi slt, %get3A_528, %lt3A_531 : vector<16xi32>
        %and3A_533 = arith.andi %ge3A_530, %lt3A_532 : vector<16xi1>
        %sub3A_534 = vector.broadcast %mul3A_0 : i32 to vector<16xi32>
        %sub3A_535 = arith.subi %get3A_528, %sub3A_534 : vector<16xi32>
        %jit3A_536 = arith.constant 25088 : i32
        %broadcast_in_dim3A_537 = vector.broadcast %jit3A_536 : i32 to vector<16xi32>
        %select_n3A_538 = arith.select %and3A_533, %sub3A_535, %broadcast_in_dim3A_537 : vector<16xi1>, vector<16xi32>
        %swap3A_539 = arith.constant 0 : i32
        %swap3A_540 = arith.index_cast %swap3A_539 : i32 to index
        %swap3A_541 = arith.constant 16 : index
        %swap3A_542 = tpu.vector_load %arg8[%swap3A_540, %swap3A_541] {strides = array<i32>} : memref<1x128xi32, #tpu.memory_space<vmem>>, vector<1x16xi32>,
        %swap3A_543 = vector.shape_cast %swap3A_542 : vector<1x16xi32> to vector<16xi32>
        %swap3A_544 = vector.shape_cast %select_n3A_538 : vector<16xi32> to vector<1x16xi32>
        tpu.vector_store %arg8[%swap3A_540, %swap3A_541], %swap3A_544 {strides = array<i32>} : memref<1x128xi32, #tpu.memory_space<vmem>>, vector<1x16xi32>,
        %get3A_545 = arith.constant 1 : i32
        %get3A_546 = arith.index_cast %get3A_545 : i32 to index
        %get3A_547 = arith.constant 32 : index
        %get3A_548 = tpu.vector_load %arg6[%get3A_546, %get3A_547] {strides = array<i32>} : memref<2x128xi32, #tpu.memory_space<vmem>>, vector<1x16xi32>,
        %get3A_549 = vector.shape_cast %get3A_548 : vector<1x16xi32> to vector<16xi32>
        %ge3A_550 = vector.broadcast %mul3A_0 : i32 to vector<16xi32>
        %ge3A_551 = arith.cmpi sge, %get3A_549, %ge3A_550 : vector<16xi32>
        %lt3A_552 = vector.broadcast %add3A_1 : i32 to vector<16xi32>
        %lt3A_553 = arith.cmpi slt, %get3A_549, %lt3A_552 : vector<16xi32>
        %and3A_554 = arith.andi %ge3A_551, %lt3A_553 : vector<16xi1>
        %sub3A_555 = vector.broadcast %mul3A_0 : i32 to vector<16xi32>
        %sub3A_556 = arith.subi %get3A_549, %sub3A_555 : vector<16xi32>
        %jit3A_557 = arith.constant 25088 : i32
        %broadcast_in_dim3A_558 = vector.broadcast %jit3A_557 : i32 to vector<16xi32>
        %select_n3A_559 = arith.select %and3A_554, %sub3A_556, %broadcast_in_dim3A_558 : vector<16xi1>, vector<16xi32>
        %swap3A_560 = arith.constant 0 : i32
        %swap3A_561 = arith.index_cast %swap3A_560 : i32 to index
        %swap3A_562 = arith.constant 32 : index
        %swap3A_563 = tpu.vector_load %arg8[%swap3A_561, %swap3A_562] {strides = array<i32>} : memref<1x128xi32, #tpu.memory_space<vmem>>, vector<1x16xi32>,
        %swap3A_564 = vector.shape_cast %swap3A_563 : vector<1x16xi32> to vector<16xi32>
        %swap3A_565 = vector.shape_cast %select_n3A_559 : vector<16xi32> to vector<1x16xi32>
        tpu.vector_store %arg8[%swap3A_561, %swap3A_562], %swap3A_565 {strides = array<i32>} : memref<1x128xi32, #tpu.memory_space<vmem>>, vector<1x16xi32>,
        %get3A_566 = arith.constant 1 : i32
        %get3A_567 = arith.index_cast %get3A_566 : i32 to index
        %get3A_568 = arith.constant 48 : index
        %get3A_569 = tpu.vector_load %arg6[%get3A_567, %get3A_568] {strides = array<i32>} : memref<2x128xi32, #tpu.memory_space<vmem>>, vector<1x16xi32>,
        %get3A_570 = vector.shape_cast %get3A_569 : vector<1x16xi32> to vector<16xi32>
        %ge3A_571 = vector.broadcast %mul3A_0 : i32 to vector<16xi32>
        %ge3A_572 = arith.cmpi sge, %get3A_570, %ge3A_571 : vector<16xi32>
        %lt3A_573 = vector.broadcast %add3A_1 : i32 to vector<16xi32>
        %lt3A_574 = arith.cmpi slt, %get3A_570, %lt3A_573 : vector<16xi32>
        %and3A_575 = arith.andi %ge3A_572, %lt3A_574 : vector<16xi1>
        %sub3A_576 = vector.broadcast %mul3A_0 : i32 to vector<16xi32>
        %sub3A_577 = arith.subi %get3A_570, %sub3A_576 : vector<16xi32>
        %jit3A_578 = arith.constant 25088 : i32
        %broadcast_in_dim3A_579 = vector.broadcast %jit3A_578 : i32 to vector<16xi32>
        %select_n3A_580 = arith.select %and3A_575, %sub3A_577, %broadcast_in_dim3A_579 : vector<16xi1>, vector<16xi32>
        %swap3A_581 = arith.constant 0 : i32
        %swap3A_582 = arith.index_cast %swap3A_581 : i32 to index
        %swap3A_583 = arith.constant 48 : index
        %swap3A_584 = tpu.vector_load %arg8[%swap3A_582, %swap3A_583] {strides = array<i32>} : memref<1x128xi32, #tpu.memory_space<vmem>>, vector<1x16xi32>,
        %swap3A_585 = vector.shape_cast %swap3A_584 : vector<1x16xi32> to vector<16xi32>
        %swap3A_586 = vector.shape_cast %select_n3A_580 : vector<16xi32> to vector<1x16xi32>
        tpu.vector_store %arg8[%swap3A_582, %swap3A_583], %swap3A_586 {strides = array<i32>} : memref<1x128xi32, #tpu.memory_space<vmem>>, vector<1x16xi32>,
        %get3A_587 = arith.constant 1 : i32
        %get3A_588 = arith.index_cast %get3A_587 : i32 to index
        %get3A_589 = arith.constant 64 : index
        %get3A_590 = tpu.vector_load %arg6[%get3A_588, %get3A_589] {strides = array<i32>} : memref<2x128xi32, #tpu.memory_space<vmem>>, vector<1x16xi32>,
        %get3A_591 = vector.shape_cast %get3A_590 : vector<1x16xi32> to vector<16xi32>
        %ge3A_592 = vector.broadcast %mul3A_0 : i32 to vector<16xi32>
        %ge3A_593 = arith.cmpi sge, %get3A_591, %ge3A_592 : vector<16xi32>
        %lt3A_594 = vector.broadcast %add3A_1 : i32 to vector<16xi32>
        %lt3A_595 = arith.cmpi slt, %get3A_591, %lt3A_594 : vector<16xi32>
        %and3A_596 = arith.andi %ge3A_593, %lt3A_595 : vector<16xi1>
        %sub3A_597 = vector.broadcast %mul3A_0 : i32 to vector<16xi32>
        %sub3A_598 = arith.subi %get3A_591, %sub3A_597 : vector<16xi32>
        %jit3A_599 = arith.constant 25088 : i32
        %broadcast_in_dim3A_600 = vector.broadcast %jit3A_599 : i32 to vector<16xi32>
        %select_n3A_601 = arith.select %and3A_596, %sub3A_598, %broadcast_in_dim3A_600 : vector<16xi1>, vector<16xi32>
        %swap3A_602 = arith.constant 0 : i32
        %swap3A_603 = arith.index_cast %swap3A_602 : i32 to index
        %swap3A_604 = arith.constant 64 : index
        %swap3A_605 = tpu.vector_load %arg8[%swap3A_603, %swap3A_604] {strides = array<i32>} : memref<1x128xi32, #tpu.memory_space<vmem>>, vector<1x16xi32>,
        %swap3A_606 = vector.shape_cast %swap3A_605 : vector<1x16xi32> to vector<16xi32>
        %swap3A_607 = vector.shape_cast %select_n3A_601 : vector<16xi32> to vector<1x16xi32>
        tpu.vector_store %arg8[%swap3A_603, %swap3A_604], %swap3A_607 {strides = array<i32>} : memref<1x128xi32, #tpu.memory_space<vmem>>, vector<1x16xi32>,
        %get3A_608 = arith.constant 1 : i32
        %get3A_609 = arith.index_cast %get3A_608 : i32 to index
        %get3A_610 = arith.constant 80 : index
        %get3A_611 = tpu.vector_load %arg6[%get3A_609, %get3A_610] {strides = array<i32>} : memref<2x128xi32, #tpu.memory_space<vmem>>, vector<1x16xi32>,
        %get3A_612 = vector.shape_cast %get3A_611 : vector<1x16xi32> to vector<16xi32>
        %ge3A_613 = vector.broadcast %mul3A_0 : i32 to vector<16xi32>
        %ge3A_614 = arith.cmpi sge, %get3A_612, %ge3A_613 : vector<16xi32>
        %lt3A_615 = vector.broadcast %add3A_1 : i32 to vector<16xi32>
        %lt3A_616 = arith.cmpi slt, %get3A_612, %lt3A_615 : vector<16xi32>
        %and3A_617 = arith.andi %ge3A_614, %lt3A_616 : vector<16xi1>
        %sub3A_618 = vector.broadcast %mul3A_0 : i32 to vector<16xi32>
        %sub3A_619 = arith.subi %get3A_612, %sub3A_618 : vector<16xi32>
        %jit3A_620 = arith.constant 25088 : i32
        %broadcast_in_dim3A_621 = vector.broadcast %jit3A_620 : i32 to vector<16xi32>
        %select_n3A_622 = arith.select %and3A_617, %sub3A_619, %broadcast_in_dim3A_621 : vector<16xi1>, vector<16xi32>
        %swap3A_623 = arith.constant 0 : i32
        %swap3A_624 = arith.index_cast %swap3A_623 : i32 to index
        %swap3A_625 = arith.constant 80 : index
        %swap3A_626 = tpu.vector_load %arg8[%swap3A_624, %swap3A_625] {strides = array<i32>} : memref<1x128xi32, #tpu.memory_space<vmem>>, vector<1x16xi32>,
        %swap3A_627 = vector.shape_cast %swap3A_626 : vector<1x16xi32> to vector<16xi32>
        %swap3A_628 = vector.shape_cast %select_n3A_622 : vector<16xi32> to vector<1x16xi32>
        tpu.vector_store %arg8[%swap3A_624, %swap3A_625], %swap3A_628 {strides = array<i32>} : memref<1x128xi32, #tpu.memory_space<vmem>>, vector<1x16xi32>,
        %get3A_629 = arith.constant 1 : i32
        %get3A_630 = arith.index_cast %get3A_629 : i32 to index
        %get3A_631 = arith.constant 96 : index
        %get3A_632 = tpu.vector_load %arg6[%get3A_630, %get3A_631] {strides = array<i32>} : memref<2x128xi32, #tpu.memory_space<vmem>>, vector<1x16xi32>,
        %get3A_633 = vector.shape_cast %get3A_632 : vector<1x16xi32> to vector<16xi32>
        %ge3A_634 = vector.broadcast %mul3A_0 : i32 to vector<16xi32>
        %ge3A_635 = arith.cmpi sge, %get3A_633, %ge3A_634 : vector<16xi32>
        %lt3A_636 = vector.broadcast %add3A_1 : i32 to vector<16xi32>
        %lt3A_637 = arith.cmpi slt, %get3A_633, %lt3A_636 : vector<16xi32>
        %and3A_638 = arith.andi %ge3A_635, %lt3A_637 : vector<16xi1>
        %sub3A_639 = vector.broadcast %mul3A_0 : i32 to vector<16xi32>
        %sub3A_640 = arith.subi %get3A_633, %sub3A_639 : vector<16xi32>
        %jit3A_641 = arith.constant 25088 : i32
        %broadcast_in_dim3A_642 = vector.broadcast %jit3A_641 : i32 to vector<16xi32>
        %select_n3A_643 = arith.select %and3A_638, %sub3A_640, %broadcast_in_dim3A_642 : vector<16xi1>, vector<16xi32>
        %swap3A_644 = arith.constant 0 : i32
        %swap3A_645 = arith.index_cast %swap3A_644 : i32 to index
        %swap3A_646 = arith.constant 96 : index
        %swap3A_647 = tpu.vector_load %arg8[%swap3A_645, %swap3A_646] {strides = array<i32>} : memref<1x128xi32, #tpu.memory_space<vmem>>, vector<1x16xi32>,
        %swap3A_648 = vector.shape_cast %swap3A_647 : vector<1x16xi32> to vector<16xi32>
        %swap3A_649 = vector.shape_cast %select_n3A_643 : vector<16xi32> to vector<1x16xi32>
        tpu.vector_store %arg8[%swap3A_645, %swap3A_646], %swap3A_649 {strides = array<i32>} : memref<1x128xi32, #tpu.memory_space<vmem>>, vector<1x16xi32>,
        %get3A_650 = arith.constant 1 : i32
        %get3A_651 = arith.index_cast %get3A_650 : i32 to index
        %get3A_652 = arith.constant 112 : index
        %get3A_653 = tpu.vector_load %arg6[%get3A_651, %get3A_652] {strides = array<i32>} : memref<2x128xi32, #tpu.memory_space<vmem>>, vector<1x16xi32>,
        %get3A_654 = vector.shape_cast %get3A_653 : vector<1x16xi32> to vector<16xi32>
        %ge3A_655 = vector.broadcast %mul3A_0 : i32 to vector<16xi32>
        %ge3A_656 = arith.cmpi sge, %get3A_654, %ge3A_655 : vector<16xi32>
        %lt3A_657 = vector.broadcast %add3A_1 : i32 to vector<16xi32>
        %lt3A_658 = arith.cmpi slt, %get3A_654, %lt3A_657 : vector<16xi32>
        %and3A_659 = arith.andi %ge3A_656, %lt3A_658 : vector<16xi1>
        %sub3A_660 = vector.broadcast %mul3A_0 : i32 to vector<16xi32>
        %sub3A_661 = arith.subi %get3A_654, %sub3A_660 : vector<16xi32>
        %jit3A_662 = arith.constant 25088 : i32
        %broadcast_in_dim3A_663 = vector.broadcast %jit3A_662 : i32 to vector<16xi32>
        %select_n3A_664 = arith.select %and3A_659, %sub3A_661, %broadcast_in_dim3A_663 : vector<16xi1>, vector<16xi32>
        %swap3A_665 = arith.constant 0 : i32
        %swap3A_666 = arith.index_cast %swap3A_665 : i32 to index
        %swap3A_667 = arith.constant 112 : index
        %swap3A_668 = tpu.vector_load %arg8[%swap3A_666, %swap3A_667] {strides = array<i32>} : memref<1x128xi32, #tpu.memory_space<vmem>>, vector<1x16xi32>,
        %swap3A_669 = vector.shape_cast %swap3A_668 : vector<1x16xi32> to vector<16xi32>
        %swap3A_670 = vector.shape_cast %select_n3A_664 : vector<16xi32> to vector<1x16xi32>
        tpu.vector_store %arg8[%swap3A_666, %swap3A_667], %swap3A_670 {strides = array<i32>} : memref<1x128xi32, #tpu.memory_space<vmem>>, vector<1x16xi32>,
        %dma_start3A_671 = arith.constant 0 : i32
        %dma_start3A_672 = arith.constant 0 : i32
        %dma_start3A_673 = tpu.memref_slice %arg6[%dma_start3A_671, %dma_start3A_672] : memref<2x128xi32, #tpu.memory_space<vmem>> -> memref<1x128xi32, #tpu.memory_space<vmem>>
        %dma_start3A_674 = tpu.memref_squeeze %dma_start3A_673 : memref<1x128xi32, #tpu.memory_space<vmem>> -> memref<128xi32, #tpu.memory_space<vmem>>
        %dma_start3A_675 = arith.constant 0 : i32
        %dma_start3A_676 = arith.constant 0 : i32
        %dma_start3A_677 = tpu.memref_slice %arg2[%dma_start3A_675, %dma_start3A_676] : memref<50176x64xf32, #tpu.memory_space<hbm>> -> memref<50176x64xf32, #tpu.memory_space<hbm>>
        tpu.enqueue_indirect_dma source(%dma_start3A_677 : memref<50176x64xf32, #tpu.memory_space<hbm>>) target(%arg10 : memref<128x64xf32, #tpu.memory_space<vmem>>) offsets(%dma_start3A_674 : memref<128xi32, #tpu.memory_space<vmem>>) semaphore(%arg15 : memref<!tpu.dma_semaphore, #tpu.memory_space<semaphore_mem>>)
      } else {
      }
    }
    %scan3A_244 = arith.constant 196 : i32
    %dma_wait3A_245 = arith.constant 0 : i32
    %dma_wait3A_246 = arith.constant 0 : i32
    %dma_wait3A_247 = tpu.memref_slice %arg9[%dma_wait3A_245, %dma_wait3A_246] : memref<1x128xi32, #tpu.memory_space<vmem>> -> memref<1x128xi32, #tpu.memory_space<vmem>>
    %dma_wait3A_248 = tpu.memref_squeeze %dma_wait3A_247 : memref<1x128xi32, #tpu.memory_space<vmem>> -> memref<128xi32, #tpu.memory_space<vmem>>
    %dma_wait3A_249 = arith.constant 0 : i32
    %dma_wait3A_250 = arith.constant 0 : i32
    %dma_wait3A_251 = tpu.memref_slice %arg12[%dma_wait3A_249, %dma_wait3A_250] : memref<25104x64xf32, #tpu.memory_space<vmem_shared>> -> memref<25104x64xf32, #tpu.memory_space<vmem_shared>>
    tpu.wait_indirect_dma semaphore(%arg18 : memref<!tpu.dma_semaphore, #tpu.memory_space<semaphore_mem>>) src(%arg11 : memref<128x64xf32, #tpu.memory_space<vmem>>) dst(%dma_wait3A_251 : memref<25104x64xf32, #tpu.memory_space<vmem_shared>>)
    %barrier3A_252 = arith.constant 0 : index
    tpu.barrier barrier_id(%barrier3A_252)
    %mul3A_253 = arith.constant 1568 : i32
    %mul3A_254 = arith.muli %arg1, %mul3A_253 : i32
    %multiple_of3A = tpu.assume_multiple %mul3A_254, 8 : i32
    %mul3A_255 = arith.constant 1568 : i32
    %mul3A_256 = arith.muli %arg1, %mul3A_255 : i32
    %add3A_257 = arith.addi %mul3A_0, %mul3A_256 : i32
    %multiple_of3A_258 = tpu.assume_multiple %add3A_257, 8 : i32
    "tpu.region"() ({
      %run_scoped3A = tpu.sem_alloc : memref<!tpu.dma_semaphore, #tpu.memory_space<semaphore_mem>>
      %dma_start3A_259 = arith.constant 0 : i32
      %dma_start3A_260 = tpu.memref_slice %arg5[%multiple_of3A_258, %dma_start3A_259] : memref<50176x64xf32, #tpu.memory_space<hbm>> -> memref<1568x64xf32, #tpu.memory_space<hbm>>
      %dma_start3A_261 = arith.constant 0 : i32
      %dma_start3A_262 = tpu.memref_slice %arg12[%multiple_of3A, %dma_start3A_261] : memref<25104x64xf32, #tpu.memory_space<vmem_shared>> -> memref<1568x64xf32, #tpu.memory_space<vmem_shared>>
      tpu.enqueue_dma source(%dma_start3A_262 : memref<1568x64xf32, #tpu.memory_space<vmem_shared>>) target(%dma_start3A_260 : memref<1568x64xf32, #tpu.memory_space<hbm>>) target_semaphore(%run_scoped3A : memref<!tpu.dma_semaphore, #tpu.memory_space<semaphore_mem>>)
      %dma_wait3A_263 = arith.constant 0 : i32
      %dma_wait3A_264 = tpu.memref_slice %arg5[%multiple_of3A_258, %dma_wait3A_263] : memref<50176x64xf32, #tpu.memory_space<hbm>> -> memref<1568x64xf32, #tpu.memory_space<hbm>>
      %dma_wait3A_265 = arith.constant 0 : i32
      %dma_wait3A_266 = tpu.memref_slice %arg12[%multiple_of3A, %dma_wait3A_265] : memref<25104x64xf32, #tpu.memory_space<vmem_shared>> -> memref<1568x64xf32, #tpu.memory_space<vmem_shared>>
      tpu.wait_dma2 semaphore(%run_scoped3A : memref<!tpu.dma_semaphore, #tpu.memory_space<semaphore_mem>>) src(%dma_wait3A_266 : memref<1568x64xf32, #tpu.memory_space<vmem_shared>>) dst(%dma_wait3A_264 : memref<1568x64xf32, #tpu.memory_space<hbm>>)
      tpu.yield
    }) : () -> ()
    return
  }
}

#map = affine_map<(d0, d1) -> (0, 0)>
module attributes {stable_mosaic.version = 14 : i64} {
  func.func @k(%arg0: i32, %arg1: i32, %arg2: memref<50176x64xf32, #tpu.memory_space<hbm>>, %arg3: memref<12544x128xi32, #tpu.memory_space<hbm>>, %arg4: memref<112x64xf32, #tpu.memory_space<hbm>>, %arg5: memref<50176x64xf32, #tpu.memory_space<hbm>>, %arg6: memref<2x128xi32, #tpu.memory_space<vmem>>, %arg7: memref<2x128xi32, #tpu.memory_space<vmem>>, %arg8: memref<1x128xi32, #tpu.memory_space<vmem>>, %arg9: memref<1x128xi32, #tpu.memory_space<vmem>>, %arg10: memref<128x64xf32, #tpu.memory_space<vmem>>, %arg11: memref<128x64xf32, #tpu.memory_space<vmem>>, %arg12: memref<25104x64xf32, #tpu.memory_space<vmem_shared>>, %arg13: memref<!tpu.dma_semaphore, #tpu.memory_space<semaphore_mem>>, %arg14: memref<!tpu.dma_semaphore, #tpu.memory_space<semaphore_mem>>, %arg15: memref<!tpu.dma_semaphore, #tpu.memory_space<semaphore_mem>>, %arg16: memref<!tpu.dma_semaphore, #tpu.memory_space<semaphore_mem>>, %arg17: memref<!tpu.dma_semaphore, #tpu.memory_space<semaphore_mem>>, %arg18: memref<!tpu.dma_semaphore, #tpu.memory_space<semaphore_mem>>) attributes {dimension_semantics = [#tpu.dimension_semantics<core_parallel>, #tpu.dimension_semantics<subcore_parallel>], iteration_bounds = array<i64: 2, 16>, scalar_prefetch = 0 : i64, scratch_operands = 13 : i64, tpu.core_type = #tpu.core_type<sc_vector_subcore>, window_params = [{transform_indices = #map}, {transform_indices = #map}, {transform_indices = #map}, {transform_indices = #map}]} {
    %mul3A = arith.constant 25088 : i32
    %mul3A_0 = arith.muli %arg0, %mul3A : i32
    %add3A = arith.constant 25088 : i32
    %add3A_1 = arith.addi %mul3A_0, %add3A : i32
    "tpu.region"() ({
      %run_scoped3A = tpu.sem_alloc : memref<!tpu.dma_semaphore, #tpu.memory_space<semaphore_mem>>
      %dma_start3A_259 = arith.constant 0 : i32
      %dma_start3A_260 = arith.constant 0 : i32
      %dma_start3A_261 = tpu.memref_slice %arg10[%dma_start3A_259, %dma_start3A_260] : memref<128x64xf32, #tpu.memory_space<vmem>> -> memref<112x64xf32, #tpu.memory_space<vmem>>
      %dma_start3A_262 = arith.constant 0 : i32
      %dma_start3A_263 = arith.constant 0 : i32
      %dma_start3A_264 = tpu.memref_slice %arg10[%dma_start3A_262, %dma_start3A_263] : memref<128x64xf32, #tpu.memory_space<vmem>> -> memref<112x64xf32, #tpu.memory_space<vmem>>
      tpu.enqueue_dma source(%arg4 : memref<112x64xf32, #tpu.memory_space<hbm>>) target(%dma_start3A_264 : memref<112x64xf32, #tpu.memory_space<vmem>>) target_semaphore(%run_scoped3A : memref<!tpu.dma_semaphore, #tpu.memory_space<semaphore_mem>>)
      %dma_wait3A_265 = arith.constant 0 : i32
      %dma_wait3A_266 = arith.constant 0 : i32
      %dma_wait3A_267 = tpu.memref_slice %arg10[%dma_wait3A_265, %dma_wait3A_266] : memref<128x64xf32, #tpu.memory_space<vmem>> -> memref<112x64xf32, #tpu.memory_space<vmem>>
      %dma_wait3A_268 = arith.constant 0 : i32
      %dma_wait3A_269 = arith.constant 0 : i32
      %dma_wait3A_270 = tpu.memref_slice %arg10[%dma_wait3A_268, %dma_wait3A_269] : memref<128x64xf32, #tpu.memory_space<vmem>> -> memref<112x64xf32, #tpu.memory_space<vmem>>
      tpu.wait_dma2 semaphore(%run_scoped3A : memref<!tpu.dma_semaphore, #tpu.memory_space<semaphore_mem>>) src(%arg4 : memref<112x64xf32, #tpu.memory_space<hbm>>) dst(%dma_wait3A_270 : memref<112x64xf32, #tpu.memory_space<vmem>>)
      tpu.yield
    }) : () -> ()
    %mul3A_2 = arith.constant 1568 : i32
    %mul3A_3 = arith.muli %arg1, %mul3A_2 : i32
    %add3A_4 = arith.constant 0 : i32
    %add3A_5 = arith.addi %mul3A_3, %add3A_4 : i32
    "tpu.region"() ({
      %run_scoped3A = tpu.sem_alloc : memref<!tpu.dma_semaphore, #tpu.memory_space<semaphore_mem>>
      %dma_start3A_259 = arith.constant 0 : i32
      %dma_start3A_260 = arith.constant 0 : i32
      %dma_start3A_261 = tpu.memref_slice %arg10[%dma_start3A_259, %dma_start3A_260] : memref<128x64xf32, #tpu.memory_space<vmem>> -> memref<112x64xf32, #tpu.memory_space<vmem>>
      %dma_start3A_262 = arith.constant 0 : i32
      %dma_start3A_263 = tpu.memref_slice %arg12[%add3A_5, %dma_start3A_262] : memref<25104x64xf32, #tpu.memory_space<vmem_shared>> -> memref<112x64xf32, #tpu.memory_space<vmem_shared>>
      %dma_start3A_264 = arith.constant 0 : i32
      %dma_start3A_265 = tpu.memref_slice %arg12[%add3A_5, %dma_start3A_264] : memref<25104x64xf32, #tpu.memory_space<vmem_shared>> -> memref<112x64xf32, #tpu.memory_space<vmem_shared>>
      %dma_start3A_266 = arith.constant 0 : i32
      %dma_start3A_267 = arith.constant 0 : i32
      %dma_start3A_268 = tpu.memref_slice %arg10[%dma_start3A_266, %dma_start3A_267] : memref<128x64xf32, #tpu.memory_space<vmem>> -> memref<112x64xf32, #tpu.memory_space<vmem>>
      tpu.enqueue_dma source(%dma_start3A_268 : memref<112x64xf32, #tpu.memory_space<vmem>>) target(%dma_start3A_265 : memref<112x64xf32, #tpu.memory_space<vmem_shared>>) target_semaphore(%run_scoped3A : memref<!tpu.dma_semaphore, #tpu.memory_space<semaphore_mem>>)
      %dma_wait3A_269 = arith.constant 0 : i32
      %dma_wait3A_270 = arith.constant 0 : i32
      %dma_wait3A_271 = tpu.memref_slice %arg10[%dma_wait3A_269, %dma_wait3A_270] : memref<128x64xf32, #tpu.memory_space<vmem>> -> memref<112x64xf32, #tpu.memory_space<vmem>>
      %dma_wait3A_272 = arith.constant 0 : i32
      %dma_wait3A_273 = tpu.memref_slice %arg12[%add3A_5, %dma_wait3A_272] : memref<25104x64xf32, #tpu.memory_space<vmem_shared>> -> memref<112x64xf32, #tpu.memory_space<vmem_shared>>
      %dma_wait3A_274 = arith.constant 0 : i32
      %dma_wait3A_275 = tpu.memref_slice %arg12[%add3A_5, %dma_wait3A_274] : memref<25104x64xf32, #tpu.memory_space<vmem_shared>> -> memref<112x64xf32, #tpu.memory_space<vmem_shared>>
      %dma_wait3A_276 = arith.constant 0 : i32
      %dma_wait3A_277 = arith.constant 0 : i32
      %dma_wait3A_278 = tpu.memref_slice %arg10[%dma_wait3A_276, %dma_wait3A_277] : memref<128x64xf32, #tpu.memory_space<vmem>> -> memref<112x64xf32, #tpu.memory_space<vmem>>
      tpu.wait_dma2 semaphore(%run_scoped3A : memref<!tpu.dma_semaphore, #tpu.memory_space<semaphore_mem>>) src(%dma_wait3A_278 : memref<112x64xf32, #tpu.memory_space<vmem>>) dst(%dma_wait3A_275 : memref<112x64xf32, #tpu.memory_space<vmem_shared>>)
      tpu.yield
    }) : () -> ()
    %mul3A_6 = arith.constant 1568 : i32
    %mul3A_7 = arith.muli %arg1, %mul3A_6 : i32
    %add3A_8 = arith.constant 112 : i32
    %add3A_9 = arith.addi %mul3A_7, %add3A_8 : i32
    "tpu.region"() ({
      %run_scoped3A = tpu.sem_alloc : memref<!tpu.dma_semaphore, #tpu.memory_space<semaphore_mem>>
      %dma_start3A_259 = arith.constant 0 : i32
      %dma_start3A_260 = arith.constant 0 : i32
      %dma_start3A_261 = tpu.memref_slice %arg10[%dma_start3A_259, %dma_start3A_260] : memref<128x64xf32, #tpu.memory_space<vmem>> -> memref<112x64xf32, #tpu.memory_space<vmem>>
      %dma_start3A_262 = arith.constant 0 : i32
      %dma_start3A_263 = tpu.memref_slice %arg12[%add3A_9, %dma_start3A_262] : memref<25104x64xf32, #tpu.memory_space<vmem_shared>> -> memref<112x64xf32, #tpu.memory_space<vmem_shared>>
      %dma_start3A_264 = arith.constant 0 : i32
      %dma_start3A_265 = tpu.memref_slice %arg12[%add3A_9, %dma_start3A_264] : memref<25104x64xf32, #tpu.memory_space<vmem_shared>> -> memref<112x64xf32, #tpu.memory_space<vmem_shared>>
      %dma_start3A_266 = arith.constant 0 : i32
      %dma_start3A_267 = arith.constant 0 : i32
      %dma_start3A_268 = tpu.memref_slice %arg10[%dma_start3A_266, %dma_start3A_267] : memref<128x64xf32, #tpu.memory_space<vmem>> -> memref<112x64xf32, #tpu.memory_space<vmem>>
      tpu.enqueue_dma source(%dma_start3A_268 : memref<112x64xf32, #tpu.memory_space<vmem>>) target(%dma_start3A_265 : memref<112x64xf32, #tpu.memory_space<vmem_shared>>) target_semaphore(%run_scoped3A : memref<!tpu.dma_semaphore, #tpu.memory_space<semaphore_mem>>)
      %dma_wait3A_269 = arith.constant 0 : i32
      %dma_wait3A_270 = arith.constant 0 : i32
      %dma_wait3A_271 = tpu.memref_slice %arg10[%dma_wait3A_269, %dma_wait3A_270] : memref<128x64xf32, #tpu.memory_space<vmem>> -> memref<112x64xf32, #tpu.memory_space<vmem>>
      %dma_wait3A_272 = arith.constant 0 : i32
      %dma_wait3A_273 = tpu.memref_slice %arg12[%add3A_9, %dma_wait3A_272] : memref<25104x64xf32, #tpu.memory_space<vmem_shared>> -> memref<112x64xf32, #tpu.memory_space<vmem_shared>>
      %dma_wait3A_274 = arith.constant 0 : i32
      %dma_wait3A_275 = tpu.memref_slice %arg12[%add3A_9, %dma_wait3A_274] : memref<25104x64xf32, #tpu.memory_space<vmem_shared>> -> memref<112x64xf32, #tpu.memory_space<vmem_shared>>
      %dma_wait3A_276 = arith.constant 0 : i32
      %dma_wait3A_277 = arith.constant 0 : i32
      %dma_wait3A_278 = tpu.memref_slice %arg10[%dma_wait3A_276, %dma_wait3A_277] : memref<128x64xf32, #tpu.memory_space<vmem>> -> memref<112x64xf32, #tpu.memory_space<vmem>>
      tpu.wait_dma2 semaphore(%run_scoped3A : memref<!tpu.dma_semaphore, #tpu.memory_space<semaphore_mem>>) src(%dma_wait3A_278 : memref<112x64xf32, #tpu.memory_space<vmem>>) dst(%dma_wait3A_275 : memref<112x64xf32, #tpu.memory_space<vmem_shared>>)
      tpu.yield
    }) : () -> ()
    %mul3A_10 = arith.constant 1568 : i32
    %mul3A_11 = arith.muli %arg1, %mul3A_10 : i32
    %add3A_12 = arith.constant 224 : i32
    %add3A_13 = arith.addi %mul3A_11, %add3A_12 : i32
    "tpu.region"() ({
      %run_scoped3A = tpu.sem_alloc : memref<!tpu.dma_semaphore, #tpu.memory_space<semaphore_mem>>
      %dma_start3A_259 = arith.constant 0 : i32
      %dma_start3A_260 = arith.constant 0 : i32
      %dma_start3A_261 = tpu.memref_slice %arg10[%dma_start3A_259, %dma_start3A_260] : memref<128x64xf32, #tpu.memory_space<vmem>> -> memref<112x64xf32, #tpu.memory_space<vmem>>
      %dma_start3A_262 = arith.constant 0 : i32
      %dma_start3A_263 = tpu.memref_slice %arg12[%add3A_13, %dma_start3A_262] : memref<25104x64xf32, #tpu.memory_space<vmem_shared>> -> memref<112x64xf32, #tpu.memory_space<vmem_shared>>
      %dma_start3A_264 = arith.constant 0 : i32
      %dma_start3A_265 = tpu.memref_slice %arg12[%add3A_13, %dma_start3A_264] : memref<25104x64xf32, #tpu.memory_space<vmem_shared>> -> memref<112x64xf32, #tpu.memory_space<vmem_shared>>
      %dma_start3A_266 = arith.constant 0 : i32
      %dma_start3A_267 = arith.constant 0 : i32
      %dma_start3A_268 = tpu.memref_slice %arg10[%dma_start3A_266, %dma_start3A_267] : memref<128x64xf32, #tpu.memory_space<vmem>> -> memref<112x64xf32, #tpu.memory_space<vmem>>
      tpu.enqueue_dma source(%dma_start3A_268 : memref<112x64xf32, #tpu.memory_space<vmem>>) target(%dma_start3A_265 : memref<112x64xf32, #tpu.memory_space<vmem_shared>>) target_semaphore(%run_scoped3A : memref<!tpu.dma_semaphore, #tpu.memory_space<semaphore_mem>>)
      %dma_wait3A_269 = arith.constant 0 : i32
      %dma_wait3A_270 = arith.constant 0 : i32
      %dma_wait3A_271 = tpu.memref_slice %arg10[%dma_wait3A_269, %dma_wait3A_270] : memref<128x64xf32, #tpu.memory_space<vmem>> -> memref<112x64xf32, #tpu.memory_space<vmem>>
      %dma_wait3A_272 = arith.constant 0 : i32
      %dma_wait3A_273 = tpu.memref_slice %arg12[%add3A_13, %dma_wait3A_272] : memref<25104x64xf32, #tpu.memory_space<vmem_shared>> -> memref<112x64xf32, #tpu.memory_space<vmem_shared>>
      %dma_wait3A_274 = arith.constant 0 : i32
      %dma_wait3A_275 = tpu.memref_slice %arg12[%add3A_13, %dma_wait3A_274] : memref<25104x64xf32, #tpu.memory_space<vmem_shared>> -> memref<112x64xf32, #tpu.memory_space<vmem_shared>>
      %dma_wait3A_276 = arith.constant 0 : i32
      %dma_wait3A_277 = arith.constant 0 : i32
      %dma_wait3A_278 = tpu.memref_slice %arg10[%dma_wait3A_276, %dma_wait3A_277] : memref<128x64xf32, #tpu.memory_space<vmem>> -> memref<112x64xf32, #tpu.memory_space<vmem>>
      tpu.wait_dma2 semaphore(%run_scoped3A : memref<!tpu.dma_semaphore, #tpu.memory_space<semaphore_mem>>) src(%dma_wait3A_278 : memref<112x64xf32, #tpu.memory_space<vmem>>) dst(%dma_wait3A_275 : memref<112x64xf32, #tpu.memory_space<vmem_shared>>)
      tpu.yield
    }) : () -> ()
    %mul3A_14 = arith.constant 1568 : i32
    %mul3A_15 = arith.muli %arg1, %mul3A_14 : i32
    %add3A_16 = arith.constant 336 : i32
    %add3A_17 = arith.addi %mul3A_15, %add3A_16 : i32
    "tpu.region"() ({
      %run_scoped3A = tpu.sem_alloc : memref<!tpu.dma_semaphore, #tpu.memory_space<semaphore_mem>>
      %dma_start3A_259 = arith.constant 0 : i32
      %dma_start3A_260 = arith.constant 0 : i32
      %dma_start3A_261 = tpu.memref_slice %arg10[%dma_start3A_259, %dma_start3A_260] : memref<128x64xf32, #tpu.memory_space<vmem>> -> memref<112x64xf32, #tpu.memory_space<vmem>>
      %dma_start3A_262 = arith.constant 0 : i32
      %dma_start3A_263 = tpu.memref_slice %arg12[%add3A_17, %dma_start3A_262] : memref<25104x64xf32, #tpu.memory_space<vmem_shared>> -> memref<112x64xf32, #tpu.memory_space<vmem_shared>>
      %dma_start3A_264 = arith.constant 0 : i32
      %dma_start3A_265 = tpu.memref_slice %arg12[%add3A_17, %dma_start3A_264] : memref<25104x64xf32, #tpu.memory_space<vmem_shared>> -> memref<112x64xf32, #tpu.memory_space<vmem_shared>>
      %dma_start3A_266 = arith.constant 0 : i32
      %dma_start3A_267 = arith.constant 0 : i32
      %dma_start3A_268 = tpu.memref_slice %arg10[%dma_start3A_266, %dma_start3A_267] : memref<128x64xf32, #tpu.memory_space<vmem>> -> memref<112x64xf32, #tpu.memory_space<vmem>>
      tpu.enqueue_dma source(%dma_start3A_268 : memref<112x64xf32, #tpu.memory_space<vmem>>) target(%dma_start3A_265 : memref<112x64xf32, #tpu.memory_space<vmem_shared>>) target_semaphore(%run_scoped3A : memref<!tpu.dma_semaphore, #tpu.memory_space<semaphore_mem>>)
      %dma_wait3A_269 = arith.constant 0 : i32
      %dma_wait3A_270 = arith.constant 0 : i32
      %dma_wait3A_271 = tpu.memref_slice %arg10[%dma_wait3A_269, %dma_wait3A_270] : memref<128x64xf32, #tpu.memory_space<vmem>> -> memref<112x64xf32, #tpu.memory_space<vmem>>
      %dma_wait3A_272 = arith.constant 0 : i32
      %dma_wait3A_273 = tpu.memref_slice %arg12[%add3A_17, %dma_wait3A_272] : memref<25104x64xf32, #tpu.memory_space<vmem_shared>> -> memref<112x64xf32, #tpu.memory_space<vmem_shared>>
      %dma_wait3A_274 = arith.constant 0 : i32
      %dma_wait3A_275 = tpu.memref_slice %arg12[%add3A_17, %dma_wait3A_274] : memref<25104x64xf32, #tpu.memory_space<vmem_shared>> -> memref<112x64xf32, #tpu.memory_space<vmem_shared>>
      %dma_wait3A_276 = arith.constant 0 : i32
      %dma_wait3A_277 = arith.constant 0 : i32
      %dma_wait3A_278 = tpu.memref_slice %arg10[%dma_wait3A_276, %dma_wait3A_277] : memref<128x64xf32, #tpu.memory_space<vmem>> -> memref<112x64xf32, #tpu.memory_space<vmem>>
      tpu.wait_dma2 semaphore(%run_scoped3A : memref<!tpu.dma_semaphore, #tpu.memory_space<semaphore_mem>>) src(%dma_wait3A_278 : memref<112x64xf32, #tpu.memory_space<vmem>>) dst(%dma_wait3A_275 : memref<112x64xf32, #tpu.memory_space<vmem_shared>>)
      tpu.yield
    }) : () -> ()
    %mul3A_18 = arith.constant 1568 : i32
    %mul3A_19 = arith.muli %arg1, %mul3A_18 : i32
    %add3A_20 = arith.constant 448 : i32
    %add3A_21 = arith.addi %mul3A_19, %add3A_20 : i32
    "tpu.region"() ({
      %run_scoped3A = tpu.sem_alloc : memref<!tpu.dma_semaphore, #tpu.memory_space<semaphore_mem>>
      %dma_start3A_259 = arith.constant 0 : i32
      %dma_start3A_260 = arith.constant 0 : i32
      %dma_start3A_261 = tpu.memref_slice %arg10[%dma_start3A_259, %dma_start3A_260] : memref<128x64xf32, #tpu.memory_space<vmem>> -> memref<112x64xf32, #tpu.memory_space<vmem>>
      %dma_start3A_262 = arith.constant 0 : i32
      %dma_start3A_263 = tpu.memref_slice %arg12[%add3A_21, %dma_start3A_262] : memref<25104x64xf32, #tpu.memory_space<vmem_shared>> -> memref<112x64xf32, #tpu.memory_space<vmem_shared>>
      %dma_start3A_264 = arith.constant 0 : i32
      %dma_start3A_265 = tpu.memref_slice %arg12[%add3A_21, %dma_start3A_264] : memref<25104x64xf32, #tpu.memory_space<vmem_shared>> -> memref<112x64xf32, #tpu.memory_space<vmem_shared>>
      %dma_start3A_266 = arith.constant 0 : i32
      %dma_start3A_267 = arith.constant 0 : i32
      %dma_start3A_268 = tpu.memref_slice %arg10[%dma_start3A_266, %dma_start3A_267] : memref<128x64xf32, #tpu.memory_space<vmem>> -> memref<112x64xf32, #tpu.memory_space<vmem>>
      tpu.enqueue_dma source(%dma_start3A_268 : memref<112x64xf32, #tpu.memory_space<vmem>>) target(%dma_start3A_265 : memref<112x64xf32, #tpu.memory_space<vmem_shared>>) target_semaphore(%run_scoped3A : memref<!tpu.dma_semaphore, #tpu.memory_space<semaphore_mem>>)
      %dma_wait3A_269 = arith.constant 0 : i32
      %dma_wait3A_270 = arith.constant 0 : i32
      %dma_wait3A_271 = tpu.memref_slice %arg10[%dma_wait3A_269, %dma_wait3A_270] : memref<128x64xf32, #tpu.memory_space<vmem>> -> memref<112x64xf32, #tpu.memory_space<vmem>>
      %dma_wait3A_272 = arith.constant 0 : i32
      %dma_wait3A_273 = tpu.memref_slice %arg12[%add3A_21, %dma_wait3A_272] : memref<25104x64xf32, #tpu.memory_space<vmem_shared>> -> memref<112x64xf32, #tpu.memory_space<vmem_shared>>
      %dma_wait3A_274 = arith.constant 0 : i32
      %dma_wait3A_275 = tpu.memref_slice %arg12[%add3A_21, %dma_wait3A_274] : memref<25104x64xf32, #tpu.memory_space<vmem_shared>> -> memref<112x64xf32, #tpu.memory_space<vmem_shared>>
      %dma_wait3A_276 = arith.constant 0 : i32
      %dma_wait3A_277 = arith.constant 0 : i32
      %dma_wait3A_278 = tpu.memref_slice %arg10[%dma_wait3A_276, %dma_wait3A_277] : memref<128x64xf32, #tpu.memory_space<vmem>> -> memref<112x64xf32, #tpu.memory_space<vmem>>
      tpu.wait_dma2 semaphore(%run_scoped3A : memref<!tpu.dma_semaphore, #tpu.memory_space<semaphore_mem>>) src(%dma_wait3A_278 : memref<112x64xf32, #tpu.memory_space<vmem>>) dst(%dma_wait3A_275 : memref<112x64xf32, #tpu.memory_space<vmem_shared>>)
      tpu.yield
    }) : () -> ()
    %mul3A_22 = arith.constant 1568 : i32
    %mul3A_23 = arith.muli %arg1, %mul3A_22 : i32
    %add3A_24 = arith.constant 560 : i32
    %add3A_25 = arith.addi %mul3A_23, %add3A_24 : i32
    "tpu.region"() ({
      %run_scoped3A = tpu.sem_alloc : memref<!tpu.dma_semaphore, #tpu.memory_space<semaphore_mem>>
      %dma_start3A_259 = arith.constant 0 : i32
      %dma_start3A_260 = arith.constant 0 : i32
      %dma_start3A_261 = tpu.memref_slice %arg10[%dma_start3A_259, %dma_start3A_260] : memref<128x64xf32, #tpu.memory_space<vmem>> -> memref<112x64xf32, #tpu.memory_space<vmem>>
      %dma_start3A_262 = arith.constant 0 : i32
      %dma_start3A_263 = tpu.memref_slice %arg12[%add3A_25, %dma_start3A_262] : memref<25104x64xf32, #tpu.memory_space<vmem_shared>> -> memref<112x64xf32, #tpu.memory_space<vmem_shared>>
      %dma_start3A_264 = arith.constant 0 : i32
      %dma_start3A_265 = tpu.memref_slice %arg12[%add3A_25, %dma_start3A_264] : memref<25104x64xf32, #tpu.memory_space<vmem_shared>> -> memref<112x64xf32, #tpu.memory_space<vmem_shared>>
      %dma_start3A_266 = arith.constant 0 : i32
      %dma_start3A_267 = arith.constant 0 : i32
      %dma_start3A_268 = tpu.memref_slice %arg10[%dma_start3A_266, %dma_start3A_267] : memref<128x64xf32, #tpu.memory_space<vmem>> -> memref<112x64xf32, #tpu.memory_space<vmem>>
      tpu.enqueue_dma source(%dma_start3A_268 : memref<112x64xf32, #tpu.memory_space<vmem>>) target(%dma_start3A_265 : memref<112x64xf32, #tpu.memory_space<vmem_shared>>) target_semaphore(%run_scoped3A : memref<!tpu.dma_semaphore, #tpu.memory_space<semaphore_mem>>)
      %dma_wait3A_269 = arith.constant 0 : i32
      %dma_wait3A_270 = arith.constant 0 : i32
      %dma_wait3A_271 = tpu.memref_slice %arg10[%dma_wait3A_269, %dma_wait3A_270] : memref<128x64xf32, #tpu.memory_space<vmem>> -> memref<112x64xf32, #tpu.memory_space<vmem>>
      %dma_wait3A_272 = arith.constant 0 : i32
      %dma_wait3A_273 = tpu.memref_slice %arg12[%add3A_25, %dma_wait3A_272] : memref<25104x64xf32, #tpu.memory_space<vmem_shared>> -> memref<112x64xf32, #tpu.memory_space<vmem_shared>>
      %dma_wait3A_274 = arith.constant 0 : i32
      %dma_wait3A_275 = tpu.memref_slice %arg12[%add3A_25, %dma_wait3A_274] : memref<25104x64xf32, #tpu.memory_space<vmem_shared>> -> memref<112x64xf32, #tpu.memory_space<vmem_shared>>
      %dma_wait3A_276 = arith.constant 0 : i32
      %dma_wait3A_277 = arith.constant 0 : i32
      %dma_wait3A_278 = tpu.memref_slice %arg10[%dma_wait3A_276, %dma_wait3A_277] : memref<128x64xf32, #tpu.memory_space<vmem>> -> memref<112x64xf32, #tpu.memory_space<vmem>>
      tpu.wait_dma2 semaphore(%run_scoped3A : memref<!tpu.dma_semaphore, #tpu.memory_space<semaphore_mem>>) src(%dma_wait3A_278 : memref<112x64xf32, #tpu.memory_space<vmem>>) dst(%dma_wait3A_275 : memref<112x64xf32, #tpu.memory_space<vmem_shared>>)
      tpu.yield
    }) : () -> ()
    %mul3A_26 = arith.constant 1568 : i32
    %mul3A_27 = arith.muli %arg1, %mul3A_26 : i32
    %add3A_28 = arith.constant 672 : i32
    %add3A_29 = arith.addi %mul3A_27, %add3A_28 : i32
    "tpu.region"() ({
      %run_scoped3A = tpu.sem_alloc : memref<!tpu.dma_semaphore, #tpu.memory_space<semaphore_mem>>
      %dma_start3A_259 = arith.constant 0 : i32
      %dma_start3A_260 = arith.constant 0 : i32
      %dma_start3A_261 = tpu.memref_slice %arg10[%dma_start3A_259, %dma_start3A_260] : memref<128x64xf32, #tpu.memory_space<vmem>> -> memref<112x64xf32, #tpu.memory_space<vmem>>
      %dma_start3A_262 = arith.constant 0 : i32
      %dma_start3A_263 = tpu.memref_slice %arg12[%add3A_29, %dma_start3A_262] : memref<25104x64xf32, #tpu.memory_space<vmem_shared>> -> memref<112x64xf32, #tpu.memory_space<vmem_shared>>
      %dma_start3A_264 = arith.constant 0 : i32
      %dma_start3A_265 = tpu.memref_slice %arg12[%add3A_29, %dma_start3A_264] : memref<25104x64xf32, #tpu.memory_space<vmem_shared>> -> memref<112x64xf32, #tpu.memory_space<vmem_shared>>
      %dma_start3A_266 = arith.constant 0 : i32
      %dma_start3A_267 = arith.constant 0 : i32
      %dma_start3A_268 = tpu.memref_slice %arg10[%dma_start3A_266, %dma_start3A_267] : memref<128x64xf32, #tpu.memory_space<vmem>> -> memref<112x64xf32, #tpu.memory_space<vmem>>
      tpu.enqueue_dma source(%dma_start3A_268 : memref<112x64xf32, #tpu.memory_space<vmem>>) target(%dma_start3A_265 : memref<112x64xf32, #tpu.memory_space<vmem_shared>>) target_semaphore(%run_scoped3A : memref<!tpu.dma_semaphore, #tpu.memory_space<semaphore_mem>>)
      %dma_wait3A_269 = arith.constant 0 : i32
      %dma_wait3A_270 = arith.constant 0 : i32
      %dma_wait3A_271 = tpu.memref_slice %arg10[%dma_wait3A_269, %dma_wait3A_270] : memref<128x64xf32, #tpu.memory_space<vmem>> -> memref<112x64xf32, #tpu.memory_space<vmem>>
      %dma_wait3A_272 = arith.constant 0 : i32
      %dma_wait3A_273 = tpu.memref_slice %arg12[%add3A_29, %dma_wait3A_272] : memref<25104x64xf32, #tpu.memory_space<vmem_shared>> -> memref<112x64xf32, #tpu.memory_space<vmem_shared>>
      %dma_wait3A_274 = arith.constant 0 : i32
      %dma_wait3A_275 = tpu.memref_slice %arg12[%add3A_29, %dma_wait3A_274] : memref<25104x64xf32, #tpu.memory_space<vmem_shared>> -> memref<112x64xf32, #tpu.memory_space<vmem_shared>>
      %dma_wait3A_276 = arith.constant 0 : i32
      %dma_wait3A_277 = arith.constant 0 : i32
      %dma_wait3A_278 = tpu.memref_slice %arg10[%dma_wait3A_276, %dma_wait3A_277] : memref<128x64xf32, #tpu.memory_space<vmem>> -> memref<112x64xf32, #tpu.memory_space<vmem>>
      tpu.wait_dma2 semaphore(%run_scoped3A : memref<!tpu.dma_semaphore, #tpu.memory_space<semaphore_mem>>) src(%dma_wait3A_278 : memref<112x64xf32, #tpu.memory_space<vmem>>) dst(%dma_wait3A_275 : memref<112x64xf32, #tpu.memory_space<vmem_shared>>)
      tpu.yield
    }) : () -> ()
    %mul3A_30 = arith.constant 1568 : i32
    %mul3A_31 = arith.muli %arg1, %mul3A_30 : i32
    %add3A_32 = arith.constant 784 : i32
    %add3A_33 = arith.addi %mul3A_31, %add3A_32 : i32
    "tpu.region"() ({
      %run_scoped3A = tpu.sem_alloc : memref<!tpu.dma_semaphore, #tpu.memory_space<semaphore_mem>>
      %dma_start3A_259 = arith.constant 0 : i32
      %dma_start3A_260 = arith.constant 0 : i32
      %dma_start3A_261 = tpu.memref_slice %arg10[%dma_start3A_259, %dma_start3A_260] : memref<128x64xf32, #tpu.memory_space<vmem>> -> memref<112x64xf32, #tpu.memory_space<vmem>>
      %dma_start3A_262 = arith.constant 0 : i32
      %dma_start3A_263 = tpu.memref_slice %arg12[%add3A_33, %dma_start3A_262] : memref<25104x64xf32, #tpu.memory_space<vmem_shared>> -> memref<112x64xf32, #tpu.memory_space<vmem_shared>>
      %dma_start3A_264 = arith.constant 0 : i32
      %dma_start3A_265 = tpu.memref_slice %arg12[%add3A_33, %dma_start3A_264] : memref<25104x64xf32, #tpu.memory_space<vmem_shared>> -> memref<112x64xf32, #tpu.memory_space<vmem_shared>>
      %dma_start3A_266 = arith.constant 0 : i32
      %dma_start3A_267 = arith.constant 0 : i32
      %dma_start3A_268 = tpu.memref_slice %arg10[%dma_start3A_266, %dma_start3A_267] : memref<128x64xf32, #tpu.memory_space<vmem>> -> memref<112x64xf32, #tpu.memory_space<vmem>>
      tpu.enqueue_dma source(%dma_start3A_268 : memref<112x64xf32, #tpu.memory_space<vmem>>) target(%dma_start3A_265 : memref<112x64xf32, #tpu.memory_space<vmem_shared>>) target_semaphore(%run_scoped3A : memref<!tpu.dma_semaphore, #tpu.memory_space<semaphore_mem>>)
      %dma_wait3A_269 = arith.constant 0 : i32
      %dma_wait3A_270 = arith.constant 0 : i32
      %dma_wait3A_271 = tpu.memref_slice %arg10[%dma_wait3A_269, %dma_wait3A_270] : memref<128x64xf32, #tpu.memory_space<vmem>> -> memref<112x64xf32, #tpu.memory_space<vmem>>
      %dma_wait3A_272 = arith.constant 0 : i32
      %dma_wait3A_273 = tpu.memref_slice %arg12[%add3A_33, %dma_wait3A_272] : memref<25104x64xf32, #tpu.memory_space<vmem_shared>> -> memref<112x64xf32, #tpu.memory_space<vmem_shared>>
      %dma_wait3A_274 = arith.constant 0 : i32
      %dma_wait3A_275 = tpu.memref_slice %arg12[%add3A_33, %dma_wait3A_274] : memref<25104x64xf32, #tpu.memory_space<vmem_shared>> -> memref<112x64xf32, #tpu.memory_space<vmem_shared>>
      %dma_wait3A_276 = arith.constant 0 : i32
      %dma_wait3A_277 = arith.constant 0 : i32
      %dma_wait3A_278 = tpu.memref_slice %arg10[%dma_wait3A_276, %dma_wait3A_277] : memref<128x64xf32, #tpu.memory_space<vmem>> -> memref<112x64xf32, #tpu.memory_space<vmem>>
      tpu.wait_dma2 semaphore(%run_scoped3A : memref<!tpu.dma_semaphore, #tpu.memory_space<semaphore_mem>>) src(%dma_wait3A_278 : memref<112x64xf32, #tpu.memory_space<vmem>>) dst(%dma_wait3A_275 : memref<112x64xf32, #tpu.memory_space<vmem_shared>>)
      tpu.yield
    }) : () -> ()
    %mul3A_34 = arith.constant 1568 : i32
    %mul3A_35 = arith.muli %arg1, %mul3A_34 : i32
    %add3A_36 = arith.constant 896 : i32
    %add3A_37 = arith.addi %mul3A_35, %add3A_36 : i32
    "tpu.region"() ({
      %run_scoped3A = tpu.sem_alloc : memref<!tpu.dma_semaphore, #tpu.memory_space<semaphore_mem>>
      %dma_start3A_259 = arith.constant 0 : i32
      %dma_start3A_260 = arith.constant 0 : i32
      %dma_start3A_261 = tpu.memref_slice %arg10[%dma_start3A_259, %dma_start3A_260] : memref<128x64xf32, #tpu.memory_space<vmem>> -> memref<112x64xf32, #tpu.memory_space<vmem>>
      %dma_start3A_262 = arith.constant 0 : i32
      %dma_start3A_263 = tpu.memref_slice %arg12[%add3A_37, %dma_start3A_262] : memref<25104x64xf32, #tpu.memory_space<vmem_shared>> -> memref<112x64xf32, #tpu.memory_space<vmem_shared>>
      %dma_start3A_264 = arith.constant 0 : i32
      %dma_start3A_265 = tpu.memref_slice %arg12[%add3A_37, %dma_start3A_264] : memref<25104x64xf32, #tpu.memory_space<vmem_shared>> -> memref<112x64xf32, #tpu.memory_space<vmem_shared>>
      %dma_start3A_266 = arith.constant 0 : i32
      %dma_start3A_267 = arith.constant 0 : i32
      %dma_start3A_268 = tpu.memref_slice %arg10[%dma_start3A_266, %dma_start3A_267] : memref<128x64xf32, #tpu.memory_space<vmem>> -> memref<112x64xf32, #tpu.memory_space<vmem>>
      tpu.enqueue_dma source(%dma_start3A_268 : memref<112x64xf32, #tpu.memory_space<vmem>>) target(%dma_start3A_265 : memref<112x64xf32, #tpu.memory_space<vmem_shared>>) target_semaphore(%run_scoped3A : memref<!tpu.dma_semaphore, #tpu.memory_space<semaphore_mem>>)
      %dma_wait3A_269 = arith.constant 0 : i32
      %dma_wait3A_270 = arith.constant 0 : i32
      %dma_wait3A_271 = tpu.memref_slice %arg10[%dma_wait3A_269, %dma_wait3A_270] : memref<128x64xf32, #tpu.memory_space<vmem>> -> memref<112x64xf32, #tpu.memory_space<vmem>>
      %dma_wait3A_272 = arith.constant 0 : i32
      %dma_wait3A_273 = tpu.memref_slice %arg12[%add3A_37, %dma_wait3A_272] : memref<25104x64xf32, #tpu.memory_space<vmem_shared>> -> memref<112x64xf32, #tpu.memory_space<vmem_shared>>
      %dma_wait3A_274 = arith.constant 0 : i32
      %dma_wait3A_275 = tpu.memref_slice %arg12[%add3A_37, %dma_wait3A_274] : memref<25104x64xf32, #tpu.memory_space<vmem_shared>> -> memref<112x64xf32, #tpu.memory_space<vmem_shared>>
      %dma_wait3A_276 = arith.constant 0 : i32
      %dma_wait3A_277 = arith.constant 0 : i32
      %dma_wait3A_278 = tpu.memref_slice %arg10[%dma_wait3A_276, %dma_wait3A_277] : memref<128x64xf32, #tpu.memory_space<vmem>> -> memref<112x64xf32, #tpu.memory_space<vmem>>
      tpu.wait_dma2 semaphore(%run_scoped3A : memref<!tpu.dma_semaphore, #tpu.memory_space<semaphore_mem>>) src(%dma_wait3A_278 : memref<112x64xf32, #tpu.memory_space<vmem>>) dst(%dma_wait3A_275 : memref<112x64xf32, #tpu.memory_space<vmem_shared>>)
      tpu.yield
    }) : () -> ()
    %mul3A_38 = arith.constant 1568 : i32
    %mul3A_39 = arith.muli %arg1, %mul3A_38 : i32
    %add3A_40 = arith.constant 1008 : i32
    %add3A_41 = arith.addi %mul3A_39, %add3A_40 : i32
    "tpu.region"() ({
      %run_scoped3A = tpu.sem_alloc : memref<!tpu.dma_semaphore, #tpu.memory_space<semaphore_mem>>
      %dma_start3A_259 = arith.constant 0 : i32
      %dma_start3A_260 = arith.constant 0 : i32
      %dma_start3A_261 = tpu.memref_slice %arg10[%dma_start3A_259, %dma_start3A_260] : memref<128x64xf32, #tpu.memory_space<vmem>> -> memref<112x64xf32, #tpu.memory_space<vmem>>
      %dma_start3A_262 = arith.constant 0 : i32
      %dma_start3A_263 = tpu.memref_slice %arg12[%add3A_41, %dma_start3A_262] : memref<25104x64xf32, #tpu.memory_space<vmem_shared>> -> memref<112x64xf32, #tpu.memory_space<vmem_shared>>
      %dma_start3A_264 = arith.constant 0 : i32
      %dma_start3A_265 = tpu.memref_slice %arg12[%add3A_41, %dma_start3A_264] : memref<25104x64xf32, #tpu.memory_space<vmem_shared>> -> memref<112x64xf32, #tpu.memory_space<vmem_shared>>
      %dma_start3A_266 = arith.constant 0 : i32
      %dma_start3A_267 = arith.constant 0 : i32
      %dma_start3A_268 = tpu.memref_slice %arg10[%dma_start3A_266, %dma_start3A_267] : memref<128x64xf32, #tpu.memory_space<vmem>> -> memref<112x64xf32, #tpu.memory_space<vmem>>
      tpu.enqueue_dma source(%dma_start3A_268 : memref<112x64xf32, #tpu.memory_space<vmem>>) target(%dma_start3A_265 : memref<112x64xf32, #tpu.memory_space<vmem_shared>>) target_semaphore(%run_scoped3A : memref<!tpu.dma_semaphore, #tpu.memory_space<semaphore_mem>>)
      %dma_wait3A_269 = arith.constant 0 : i32
      %dma_wait3A_270 = arith.constant 0 : i32
      %dma_wait3A_271 = tpu.memref_slice %arg10[%dma_wait3A_269, %dma_wait3A_270] : memref<128x64xf32, #tpu.memory_space<vmem>> -> memref<112x64xf32, #tpu.memory_space<vmem>>
      %dma_wait3A_272 = arith.constant 0 : i32
      %dma_wait3A_273 = tpu.memref_slice %arg12[%add3A_41, %dma_wait3A_272] : memref<25104x64xf32, #tpu.memory_space<vmem_shared>> -> memref<112x64xf32, #tpu.memory_space<vmem_shared>>
      %dma_wait3A_274 = arith.constant 0 : i32
      %dma_wait3A_275 = tpu.memref_slice %arg12[%add3A_41, %dma_wait3A_274] : memref<25104x64xf32, #tpu.memory_space<vmem_shared>> -> memref<112x64xf32, #tpu.memory_space<vmem_shared>>
      %dma_wait3A_276 = arith.constant 0 : i32
      %dma_wait3A_277 = arith.constant 0 : i32
      %dma_wait3A_278 = tpu.memref_slice %arg10[%dma_wait3A_276, %dma_wait3A_277] : memref<128x64xf32, #tpu.memory_space<vmem>> -> memref<112x64xf32, #tpu.memory_space<vmem>>
      tpu.wait_dma2 semaphore(%run_scoped3A : memref<!tpu.dma_semaphore, #tpu.memory_space<semaphore_mem>>) src(%dma_wait3A_278 : memref<112x64xf32, #tpu.memory_space<vmem>>) dst(%dma_wait3A_275 : memref<112x64xf32, #tpu.memory_space<vmem_shared>>)
      tpu.yield
    }) : () -> ()
    %mul3A_42 = arith.constant 1568 : i32
    %mul3A_43 = arith.muli %arg1, %mul3A_42 : i32
    %add3A_44 = arith.constant 1120 : i32
    %add3A_45 = arith.addi %mul3A_43, %add3A_44 : i32
    "tpu.region"() ({
      %run_scoped3A = tpu.sem_alloc : memref<!tpu.dma_semaphore, #tpu.memory_space<semaphore_mem>>
      %dma_start3A_259 = arith.constant 0 : i32
      %dma_start3A_260 = arith.constant 0 : i32
      %dma_start3A_261 = tpu.memref_slice %arg10[%dma_start3A_259, %dma_start3A_260] : memref<128x64xf32, #tpu.memory_space<vmem>> -> memref<112x64xf32, #tpu.memory_space<vmem>>
      %dma_start3A_262 = arith.constant 0 : i32
      %dma_start3A_263 = tpu.memref_slice %arg12[%add3A_45, %dma_start3A_262] : memref<25104x64xf32, #tpu.memory_space<vmem_shared>> -> memref<112x64xf32, #tpu.memory_space<vmem_shared>>
      %dma_start3A_264 = arith.constant 0 : i32
      %dma_start3A_265 = tpu.memref_slice %arg12[%add3A_45, %dma_start3A_264] : memref<25104x64xf32, #tpu.memory_space<vmem_shared>> -> memref<112x64xf32, #tpu.memory_space<vmem_shared>>
      %dma_start3A_266 = arith.constant 0 : i32
      %dma_start3A_267 = arith.constant 0 : i32
      %dma_start3A_268 = tpu.memref_slice %arg10[%dma_start3A_266, %dma_start3A_267] : memref<128x64xf32, #tpu.memory_space<vmem>> -> memref<112x64xf32, #tpu.memory_space<vmem>>
      tpu.enqueue_dma source(%dma_start3A_268 : memref<112x64xf32, #tpu.memory_space<vmem>>) target(%dma_start3A_265 : memref<112x64xf32, #tpu.memory_space<vmem_shared>>) target_semaphore(%run_scoped3A : memref<!tpu.dma_semaphore, #tpu.memory_space<semaphore_mem>>)
      %dma_wait3A_269 = arith.constant 0 : i32
      %dma_wait3A_270 = arith.constant 0 : i32
      %dma_wait3A_271 = tpu.memref_slice %arg10[%dma_wait3A_269, %dma_wait3A_270] : memref<128x64xf32, #tpu.memory_space<vmem>> -> memref<112x64xf32, #tpu.memory_space<vmem>>
      %dma_wait3A_272 = arith.constant 0 : i32
      %dma_wait3A_273 = tpu.memref_slice %arg12[%add3A_45, %dma_wait3A_272] : memref<25104x64xf32, #tpu.memory_space<vmem_shared>> -> memref<112x64xf32, #tpu.memory_space<vmem_shared>>
      %dma_wait3A_274 = arith.constant 0 : i32
      %dma_wait3A_275 = tpu.memref_slice %arg12[%add3A_45, %dma_wait3A_274] : memref<25104x64xf32, #tpu.memory_space<vmem_shared>> -> memref<112x64xf32, #tpu.memory_space<vmem_shared>>
      %dma_wait3A_276 = arith.constant 0 : i32
      %dma_wait3A_277 = arith.constant 0 : i32
      %dma_wait3A_278 = tpu.memref_slice %arg10[%dma_wait3A_276, %dma_wait3A_277] : memref<128x64xf32, #tpu.memory_space<vmem>> -> memref<112x64xf32, #tpu.memory_space<vmem>>
      tpu.wait_dma2 semaphore(%run_scoped3A : memref<!tpu.dma_semaphore, #tpu.memory_space<semaphore_mem>>) src(%dma_wait3A_278 : memref<112x64xf32, #tpu.memory_space<vmem>>) dst(%dma_wait3A_275 : memref<112x64xf32, #tpu.memory_space<vmem_shared>>)
      tpu.yield
    }) : () -> ()
    %mul3A_46 = arith.constant 1568 : i32
    %mul3A_47 = arith.muli %arg1, %mul3A_46 : i32
    %add3A_48 = arith.constant 1232 : i32
    %add3A_49 = arith.addi %mul3A_47, %add3A_48 : i32
    "tpu.region"() ({
      %run_scoped3A = tpu.sem_alloc : memref<!tpu.dma_semaphore, #tpu.memory_space<semaphore_mem>>
      %dma_start3A_259 = arith.constant 0 : i32
      %dma_start3A_260 = arith.constant 0 : i32
      %dma_start3A_261 = tpu.memref_slice %arg10[%dma_start3A_259, %dma_start3A_260] : memref<128x64xf32, #tpu.memory_space<vmem>> -> memref<112x64xf32, #tpu.memory_space<vmem>>
      %dma_start3A_262 = arith.constant 0 : i32
      %dma_start3A_263 = tpu.memref_slice %arg12[%add3A_49, %dma_start3A_262] : memref<25104x64xf32, #tpu.memory_space<vmem_shared>> -> memref<112x64xf32, #tpu.memory_space<vmem_shared>>
      %dma_start3A_264 = arith.constant 0 : i32
      %dma_start3A_265 = tpu.memref_slice %arg12[%add3A_49, %dma_start3A_264] : memref<25104x64xf32, #tpu.memory_space<vmem_shared>> -> memref<112x64xf32, #tpu.memory_space<vmem_shared>>
      %dma_start3A_266 = arith.constant 0 : i32
      %dma_start3A_267 = arith.constant 0 : i32
      %dma_start3A_268 = tpu.memref_slice %arg10[%dma_start3A_266, %dma_start3A_267] : memref<128x64xf32, #tpu.memory_space<vmem>> -> memref<112x64xf32, #tpu.memory_space<vmem>>
      tpu.enqueue_dma source(%dma_start3A_268 : memref<112x64xf32, #tpu.memory_space<vmem>>) target(%dma_start3A_265 : memref<112x64xf32, #tpu.memory_space<vmem_shared>>) target_semaphore(%run_scoped3A : memref<!tpu.dma_semaphore, #tpu.memory_space<semaphore_mem>>)
      %dma_wait3A_269 = arith.constant 0 : i32
      %dma_wait3A_270 = arith.constant 0 : i32
      %dma_wait3A_271 = tpu.memref_slice %arg10[%dma_wait3A_269, %dma_wait3A_270] : memref<128x64xf32, #tpu.memory_space<vmem>> -> memref<112x64xf32, #tpu.memory_space<vmem>>
      %dma_wait3A_272 = arith.constant 0 : i32
      %dma_wait3A_273 = tpu.memref_slice %arg12[%add3A_49, %dma_wait3A_272] : memref<25104x64xf32, #tpu.memory_space<vmem_shared>> -> memref<112x64xf32, #tpu.memory_space<vmem_shared>>
      %dma_wait3A_274 = arith.constant 0 : i32
      %dma_wait3A_275 = tpu.memref_slice %arg12[%add3A_49, %dma_wait3A_274] : memref<25104x64xf32, #tpu.memory_space<vmem_shared>> -> memref<112x64xf32, #tpu.memory_space<vmem_shared>>
      %dma_wait3A_276 = arith.constant 0 : i32
      %dma_wait3A_277 = arith.constant 0 : i32
      %dma_wait3A_278 = tpu.memref_slice %arg10[%dma_wait3A_276, %dma_wait3A_277] : memref<128x64xf32, #tpu.memory_space<vmem>> -> memref<112x64xf32, #tpu.memory_space<vmem>>
      tpu.wait_dma2 semaphore(%run_scoped3A : memref<!tpu.dma_semaphore, #tpu.memory_space<semaphore_mem>>) src(%dma_wait3A_278 : memref<112x64xf32, #tpu.memory_space<vmem>>) dst(%dma_wait3A_275 : memref<112x64xf32, #tpu.memory_space<vmem_shared>>)
      tpu.yield
    }) : () -> ()
    %mul3A_50 = arith.constant 1568 : i32
    %mul3A_51 = arith.muli %arg1, %mul3A_50 : i32
    %add3A_52 = arith.constant 1344 : i32
    %add3A_53 = arith.addi %mul3A_51, %add3A_52 : i32
    "tpu.region"() ({
      %run_scoped3A = tpu.sem_alloc : memref<!tpu.dma_semaphore, #tpu.memory_space<semaphore_mem>>
      %dma_start3A_259 = arith.constant 0 : i32
      %dma_start3A_260 = arith.constant 0 : i32
      %dma_start3A_261 = tpu.memref_slice %arg10[%dma_start3A_259, %dma_start3A_260] : memref<128x64xf32, #tpu.memory_space<vmem>> -> memref<112x64xf32, #tpu.memory_space<vmem>>
      %dma_start3A_262 = arith.constant 0 : i32
      %dma_start3A_263 = tpu.memref_slice %arg12[%add3A_53, %dma_start3A_262] : memref<25104x64xf32, #tpu.memory_space<vmem_shared>> -> memref<112x64xf32, #tpu.memory_space<vmem_shared>>
      %dma_start3A_264 = arith.constant 0 : i32
      %dma_start3A_265 = tpu.memref_slice %arg12[%add3A_53, %dma_start3A_264] : memref<25104x64xf32, #tpu.memory_space<vmem_shared>> -> memref<112x64xf32, #tpu.memory_space<vmem_shared>>
      %dma_start3A_266 = arith.constant 0 : i32
      %dma_start3A_267 = arith.constant 0 : i32
      %dma_start3A_268 = tpu.memref_slice %arg10[%dma_start3A_266, %dma_start3A_267] : memref<128x64xf32, #tpu.memory_space<vmem>> -> memref<112x64xf32, #tpu.memory_space<vmem>>
      tpu.enqueue_dma source(%dma_start3A_268 : memref<112x64xf32, #tpu.memory_space<vmem>>) target(%dma_start3A_265 : memref<112x64xf32, #tpu.memory_space<vmem_shared>>) target_semaphore(%run_scoped3A : memref<!tpu.dma_semaphore, #tpu.memory_space<semaphore_mem>>)
      %dma_wait3A_269 = arith.constant 0 : i32
      %dma_wait3A_270 = arith.constant 0 : i32
      %dma_wait3A_271 = tpu.memref_slice %arg10[%dma_wait3A_269, %dma_wait3A_270] : memref<128x64xf32, #tpu.memory_space<vmem>> -> memref<112x64xf32, #tpu.memory_space<vmem>>
      %dma_wait3A_272 = arith.constant 0 : i32
      %dma_wait3A_273 = tpu.memref_slice %arg12[%add3A_53, %dma_wait3A_272] : memref<25104x64xf32, #tpu.memory_space<vmem_shared>> -> memref<112x64xf32, #tpu.memory_space<vmem_shared>>
      %dma_wait3A_274 = arith.constant 0 : i32
      %dma_wait3A_275 = tpu.memref_slice %arg12[%add3A_53, %dma_wait3A_274] : memref<25104x64xf32, #tpu.memory_space<vmem_shared>> -> memref<112x64xf32, #tpu.memory_space<vmem_shared>>
      %dma_wait3A_276 = arith.constant 0 : i32
      %dma_wait3A_277 = arith.constant 0 : i32
      %dma_wait3A_278 = tpu.memref_slice %arg10[%dma_wait3A_276, %dma_wait3A_277] : memref<128x64xf32, #tpu.memory_space<vmem>> -> memref<112x64xf32, #tpu.memory_space<vmem>>
      tpu.wait_dma2 semaphore(%run_scoped3A : memref<!tpu.dma_semaphore, #tpu.memory_space<semaphore_mem>>) src(%dma_wait3A_278 : memref<112x64xf32, #tpu.memory_space<vmem>>) dst(%dma_wait3A_275 : memref<112x64xf32, #tpu.memory_space<vmem_shared>>)
      tpu.yield
    }) : () -> ()
    %mul3A_54 = arith.constant 1568 : i32
    %mul3A_55 = arith.muli %arg1, %mul3A_54 : i32
    %add3A_56 = arith.constant 1456 : i32
    %add3A_57 = arith.addi %mul3A_55, %add3A_56 : i32
    "tpu.region"() ({
      %run_scoped3A = tpu.sem_alloc : memref<!tpu.dma_semaphore, #tpu.memory_space<semaphore_mem>>
      %dma_start3A_259 = arith.constant 0 : i32
      %dma_start3A_260 = arith.constant 0 : i32
      %dma_start3A_261 = tpu.memref_slice %arg10[%dma_start3A_259, %dma_start3A_260] : memref<128x64xf32, #tpu.memory_space<vmem>> -> memref<112x64xf32, #tpu.memory_space<vmem>>
      %dma_start3A_262 = arith.constant 0 : i32
      %dma_start3A_263 = tpu.memref_slice %arg12[%add3A_57, %dma_start3A_262] : memref<25104x64xf32, #tpu.memory_space<vmem_shared>> -> memref<112x64xf32, #tpu.memory_space<vmem_shared>>
      %dma_start3A_264 = arith.constant 0 : i32
      %dma_start3A_265 = tpu.memref_slice %arg12[%add3A_57, %dma_start3A_264] : memref<25104x64xf32, #tpu.memory_space<vmem_shared>> -> memref<112x64xf32, #tpu.memory_space<vmem_shared>>
      %dma_start3A_266 = arith.constant 0 : i32
      %dma_start3A_267 = arith.constant 0 : i32
      %dma_start3A_268 = tpu.memref_slice %arg10[%dma_start3A_266, %dma_start3A_267] : memref<128x64xf32, #tpu.memory_space<vmem>> -> memref<112x64xf32, #tpu.memory_space<vmem>>
      tpu.enqueue_dma source(%dma_start3A_268 : memref<112x64xf32, #tpu.memory_space<vmem>>) target(%dma_start3A_265 : memref<112x64xf32, #tpu.memory_space<vmem_shared>>) target_semaphore(%run_scoped3A : memref<!tpu.dma_semaphore, #tpu.memory_space<semaphore_mem>>)
      %dma_wait3A_269 = arith.constant 0 : i32
      %dma_wait3A_270 = arith.constant 0 : i32
      %dma_wait3A_271 = tpu.memref_slice %arg10[%dma_wait3A_269, %dma_wait3A_270] : memref<128x64xf32, #tpu.memory_space<vmem>> -> memref<112x64xf32, #tpu.memory_space<vmem>>
      %dma_wait3A_272 = arith.constant 0 : i32
      %dma_wait3A_273 = tpu.memref_slice %arg12[%add3A_57, %dma_wait3A_272] : memref<25104x64xf32, #tpu.memory_space<vmem_shared>> -> memref<112x64xf32, #tpu.memory_space<vmem_shared>>
      %dma_wait3A_274 = arith.constant 0 : i32
      %dma_wait3A_275 = tpu.memref_slice %arg12[%add3A_57, %dma_wait3A_274] : memref<25104x64xf32, #tpu.memory_space<vmem_shared>> -> memref<112x64xf32, #tpu.memory_space<vmem_shared>>
      %dma_wait3A_276 = arith.constant 0 : i32
      %dma_wait3A_277 = arith.constant 0 : i32
      %dma_wait3A_278 = tpu.memref_slice %arg10[%dma_wait3A_276, %dma_wait3A_277] : memref<128x64xf32, #tpu.memory_space<vmem>> -> memref<112x64xf32, #tpu.memory_space<vmem>>
      tpu.wait_dma2 semaphore(%run_scoped3A : memref<!tpu.dma_semaphore, #tpu.memory_space<semaphore_mem>>) src(%dma_wait3A_278 : memref<112x64xf32, #tpu.memory_space<vmem>>) dst(%dma_wait3A_275 : memref<112x64xf32, #tpu.memory_space<vmem_shared>>)
      tpu.yield
    }) : () -> ()
    %barrier3A = arith.constant 0 : index
    tpu.barrier barrier_id(%barrier3A)
    %mul3A_58 = arith.constant 784 : i32
    %mul3A_59 = arith.muli %arg1, %mul3A_58 : i32
    %add3A_60 = arith.constant 0 : i32
    %add3A_61 = arith.addi %mul3A_59, %add3A_60 : i32
    %dma_start3A = arith.constant 0 : i32
    %dma_start3A_62 = tpu.memref_slice %arg3[%add3A_61, %dma_start3A] : memref<12544x128xi32, #tpu.memory_space<hbm>> -> memref<2x128xi32, #tpu.memory_space<hbm>>
    %dma_start3A_63 = arith.constant 0 : i32
    %dma_start3A_64 = tpu.memref_slice %arg3[%add3A_61, %dma_start3A_63] : memref<12544x128xi32, #tpu.memory_space<hbm>> -> memref<2x128xi32, #tpu.memory_space<hbm>>
    tpu.enqueue_dma source(%dma_start3A_64 : memref<2x128xi32, #tpu.memory_space<hbm>>) target(%arg6 : memref<2x128xi32, #tpu.memory_space<vmem>>) target_semaphore(%arg13 : memref<!tpu.dma_semaphore, #tpu.memory_space<semaphore_mem>>)
    %dma_wait3A = arith.constant 0 : i32
    %dma_wait3A_65 = tpu.memref_slice %arg3[%mul3A_59, %dma_wait3A] : memref<12544x128xi32, #tpu.memory_space<hbm>> -> memref<2x128xi32, #tpu.memory_space<hbm>>
    %dma_wait3A_66 = arith.constant 0 : i32
    %dma_wait3A_67 = tpu.memref_slice %arg3[%mul3A_59, %dma_wait3A_66] : memref<12544x128xi32, #tpu.memory_space<hbm>> -> memref<2x128xi32, #tpu.memory_space<hbm>>
    tpu.wait_dma2 semaphore(%arg13 : memref<!tpu.dma_semaphore, #tpu.memory_space<semaphore_mem>>) src(%dma_wait3A_67 : memref<2x128xi32, #tpu.memory_space<hbm>>) dst(%arg6 : memref<2x128xi32, #tpu.memory_space<vmem>>)
    %get3A = arith.constant 1 : i32
    %get3A_68 = arith.index_cast %get3A : i32 to index
    %get3A_69 = arith.constant 0 : index
    %get3A_70 = tpu.vector_load %arg6[%get3A_68, %get3A_69] {strides = array<i32>} : memref<2x128xi32, #tpu.memory_space<vmem>>, vector<1x16xi32>,
    %get3A_71 = vector.shape_cast %get3A_70 : vector<1x16xi32> to vector<16xi32>
    %ge3A = vector.broadcast %mul3A_0 : i32 to vector<16xi32>
    %ge3A_72 = arith.cmpi sge, %get3A_71, %ge3A : vector<16xi32>
    %lt3A = vector.broadcast %add3A_1 : i32 to vector<16xi32>
    %lt3A_73 = arith.cmpi slt, %get3A_71, %lt3A : vector<16xi32>
    %and3A = arith.andi %ge3A_72, %lt3A_73 : vector<16xi1>
    %sub3A = vector.broadcast %mul3A_0 : i32 to vector<16xi32>
    %sub3A_74 = arith.subi %get3A_71, %sub3A : vector<16xi32>
    %jit3A = arith.constant 25088 : i32
    %broadcast_in_dim3A = vector.broadcast %jit3A : i32 to vector<16xi32>
    %select_n3A = arith.select %and3A, %sub3A_74, %broadcast_in_dim3A : vector<16xi1>, vector<16xi32>
    %swap3A = arith.constant 0 : i32
    %swap3A_75 = arith.index_cast %swap3A : i32 to index
    %swap3A_76 = arith.constant 0 : index
    %swap3A_77 = tpu.vector_load %arg8[%swap3A_75, %swap3A_76] {strides = array<i32>} : memref<1x128xi32, #tpu.memory_space<vmem>>, vector<1x16xi32>,
    %swap3A_78 = vector.shape_cast %swap3A_77 : vector<1x16xi32> to vector<16xi32>
    %swap3A_79 = vector.shape_cast %select_n3A : vector<16xi32> to vector<1x16xi32>
    tpu.vector_store %arg8[%swap3A_75, %swap3A_76], %swap3A_79 {strides = array<i32>} : memref<1x128xi32, #tpu.memory_space<vmem>>, vector<1x16xi32>,
    %get3A_80 = arith.constant 1 : i32
    %get3A_81 = arith.index_cast %get3A_80 : i32 to index
    %get3A_82 = arith.constant 16 : index
    %get3A_83 = tpu.vector_load %arg6[%get3A_81, %get3A_82] {strides = array<i32>} : memref<2x128xi32, #tpu.memory_space<vmem>>, vector<1x16xi32>,
    %get3A_84 = vector.shape_cast %get3A_83 : vector<1x16xi32> to vector<16xi32>
    %ge3A_85 = vector.broadcast %mul3A_0 : i32 to vector<16xi32>
    %ge3A_86 = arith.cmpi sge, %get3A_84, %ge3A_85 : vector<16xi32>
    %lt3A_87 = vector.broadcast %add3A_1 : i32 to vector<16xi32>
    %lt3A_88 = arith.cmpi slt, %get3A_84, %lt3A_87 : vector<16xi32>
    %and3A_89 = arith.andi %ge3A_86, %lt3A_88 : vector<16xi1>
    %sub3A_90 = vector.broadcast %mul3A_0 : i32 to vector<16xi32>
    %sub3A_91 = arith.subi %get3A_84, %sub3A_90 : vector<16xi32>
    %jit3A_92 = arith.constant 25088 : i32
    %broadcast_in_dim3A_93 = vector.broadcast %jit3A_92 : i32 to vector<16xi32>
    %select_n3A_94 = arith.select %and3A_89, %sub3A_91, %broadcast_in_dim3A_93 : vector<16xi1>, vector<16xi32>
    %swap3A_95 = arith.constant 0 : i32
    %swap3A_96 = arith.index_cast %swap3A_95 : i32 to index
    %swap3A_97 = arith.constant 16 : index
    %swap3A_98 = tpu.vector_load %arg8[%swap3A_96, %swap3A_97] {strides = array<i32>} : memref<1x128xi32, #tpu.memory_space<vmem>>, vector<1x16xi32>,
    %swap3A_99 = vector.shape_cast %swap3A_98 : vector<1x16xi32> to vector<16xi32>
    %swap3A_100 = vector.shape_cast %select_n3A_94 : vector<16xi32> to vector<1x16xi32>
    tpu.vector_store %arg8[%swap3A_96, %swap3A_97], %swap3A_100 {strides = array<i32>} : memref<1x128xi32, #tpu.memory_space<vmem>>, vector<1x16xi32>,
    %get3A_101 = arith.constant 1 : i32
    %get3A_102 = arith.index_cast %get3A_101 : i32 to index
    %get3A_103 = arith.constant 32 : index
    %get3A_104 = tpu.vector_load %arg6[%get3A_102, %get3A_103] {strides = array<i32>} : memref<2x128xi32, #tpu.memory_space<vmem>>, vector<1x16xi32>,
    %get3A_105 = vector.shape_cast %get3A_104 : vector<1x16xi32> to vector<16xi32>
    %ge3A_106 = vector.broadcast %mul3A_0 : i32 to vector<16xi32>
    %ge3A_107 = arith.cmpi sge, %get3A_105, %ge3A_106 : vector<16xi32>
    %lt3A_108 = vector.broadcast %add3A_1 : i32 to vector<16xi32>
    %lt3A_109 = arith.cmpi slt, %get3A_105, %lt3A_108 : vector<16xi32>
    %and3A_110 = arith.andi %ge3A_107, %lt3A_109 : vector<16xi1>
    %sub3A_111 = vector.broadcast %mul3A_0 : i32 to vector<16xi32>
    %sub3A_112 = arith.subi %get3A_105, %sub3A_111 : vector<16xi32>
    %jit3A_113 = arith.constant 25088 : i32
    %broadcast_in_dim3A_114 = vector.broadcast %jit3A_113 : i32 to vector<16xi32>
    %select_n3A_115 = arith.select %and3A_110, %sub3A_112, %broadcast_in_dim3A_114 : vector<16xi1>, vector<16xi32>
    %swap3A_116 = arith.constant 0 : i32
    %swap3A_117 = arith.index_cast %swap3A_116 : i32 to index
    %swap3A_118 = arith.constant 32 : index
    %swap3A_119 = tpu.vector_load %arg8[%swap3A_117, %swap3A_118] {strides = array<i32>} : memref<1x128xi32, #tpu.memory_space<vmem>>, vector<1x16xi32>,
    %swap3A_120 = vector.shape_cast %swap3A_119 : vector<1x16xi32> to vector<16xi32>
    %swap3A_121 = vector.shape_cast %select_n3A_115 : vector<16xi32> to vector<1x16xi32>
    tpu.vector_store %arg8[%swap3A_117, %swap3A_118], %swap3A_121 {strides = array<i32>} : memref<1x128xi32, #tpu.memory_space<vmem>>, vector<1x16xi32>,
    %get3A_122 = arith.constant 1 : i32
    %get3A_123 = arith.index_cast %get3A_122 : i32 to index
    %get3A_124 = arith.constant 48 : index
    %get3A_125 = tpu.vector_load %arg6[%get3A_123, %get3A_124] {strides = array<i32>} : memref<2x128xi32, #tpu.memory_space<vmem>>, vector<1x16xi32>,
    %get3A_126 = vector.shape_cast %get3A_125 : vector<1x16xi32> to vector<16xi32>
    %ge3A_127 = vector.broadcast %mul3A_0 : i32 to vector<16xi32>
    %ge3A_128 = arith.cmpi sge, %get3A_126, %ge3A_127 : vector<16xi32>
    %lt3A_129 = vector.broadcast %add3A_1 : i32 to vector<16xi32>
    %lt3A_130 = arith.cmpi slt, %get3A_126, %lt3A_129 : vector<16xi32>
    %and3A_131 = arith.andi %ge3A_128, %lt3A_130 : vector<16xi1>
    %sub3A_132 = vector.broadcast %mul3A_0 : i32 to vector<16xi32>
    %sub3A_133 = arith.subi %get3A_126, %sub3A_132 : vector<16xi32>
    %jit3A_134 = arith.constant 25088 : i32
    %broadcast_in_dim3A_135 = vector.broadcast %jit3A_134 : i32 to vector<16xi32>
    %select_n3A_136 = arith.select %and3A_131, %sub3A_133, %broadcast_in_dim3A_135 : vector<16xi1>, vector<16xi32>
    %swap3A_137 = arith.constant 0 : i32
    %swap3A_138 = arith.index_cast %swap3A_137 : i32 to index
    %swap3A_139 = arith.constant 48 : index
    %swap3A_140 = tpu.vector_load %arg8[%swap3A_138, %swap3A_139] {strides = array<i32>} : memref<1x128xi32, #tpu.memory_space<vmem>>, vector<1x16xi32>,
    %swap3A_141 = vector.shape_cast %swap3A_140 : vector<1x16xi32> to vector<16xi32>
    %swap3A_142 = vector.shape_cast %select_n3A_136 : vector<16xi32> to vector<1x16xi32>
    tpu.vector_store %arg8[%swap3A_138, %swap3A_139], %swap3A_142 {strides = array<i32>} : memref<1x128xi32, #tpu.memory_space<vmem>>, vector<1x16xi32>,
    %get3A_143 = arith.constant 1 : i32
    %get3A_144 = arith.index_cast %get3A_143 : i32 to index
    %get3A_145 = arith.constant 64 : index
    %get3A_146 = tpu.vector_load %arg6[%get3A_144, %get3A_145] {strides = array<i32>} : memref<2x128xi32, #tpu.memory_space<vmem>>, vector<1x16xi32>,
    %get3A_147 = vector.shape_cast %get3A_146 : vector<1x16xi32> to vector<16xi32>
    %ge3A_148 = vector.broadcast %mul3A_0 : i32 to vector<16xi32>
    %ge3A_149 = arith.cmpi sge, %get3A_147, %ge3A_148 : vector<16xi32>
    %lt3A_150 = vector.broadcast %add3A_1 : i32 to vector<16xi32>
    %lt3A_151 = arith.cmpi slt, %get3A_147, %lt3A_150 : vector<16xi32>
    %and3A_152 = arith.andi %ge3A_149, %lt3A_151 : vector<16xi1>
    %sub3A_153 = vector.broadcast %mul3A_0 : i32 to vector<16xi32>
    %sub3A_154 = arith.subi %get3A_147, %sub3A_153 : vector<16xi32>
    %jit3A_155 = arith.constant 25088 : i32
    %broadcast_in_dim3A_156 = vector.broadcast %jit3A_155 : i32 to vector<16xi32>
    %select_n3A_157 = arith.select %and3A_152, %sub3A_154, %broadcast_in_dim3A_156 : vector<16xi1>, vector<16xi32>
    %swap3A_158 = arith.constant 0 : i32
    %swap3A_159 = arith.index_cast %swap3A_158 : i32 to index
    %swap3A_160 = arith.constant 64 : index
    %swap3A_161 = tpu.vector_load %arg8[%swap3A_159, %swap3A_160] {strides = array<i32>} : memref<1x128xi32, #tpu.memory_space<vmem>>, vector<1x16xi32>,
    %swap3A_162 = vector.shape_cast %swap3A_161 : vector<1x16xi32> to vector<16xi32>
    %swap3A_163 = vector.shape_cast %select_n3A_157 : vector<16xi32> to vector<1x16xi32>
    tpu.vector_store %arg8[%swap3A_159, %swap3A_160], %swap3A_163 {strides = array<i32>} : memref<1x128xi32, #tpu.memory_space<vmem>>, vector<1x16xi32>,
    %get3A_164 = arith.constant 1 : i32
    %get3A_165 = arith.index_cast %get3A_164 : i32 to index
    %get3A_166 = arith.constant 80 : index
    %get3A_167 = tpu.vector_load %arg6[%get3A_165, %get3A_166] {strides = array<i32>} : memref<2x128xi32, #tpu.memory_space<vmem>>, vector<1x16xi32>,
    %get3A_168 = vector.shape_cast %get3A_167 : vector<1x16xi32> to vector<16xi32>
    %ge3A_169 = vector.broadcast %mul3A_0 : i32 to vector<16xi32>
    %ge3A_170 = arith.cmpi sge, %get3A_168, %ge3A_169 : vector<16xi32>
    %lt3A_171 = vector.broadcast %add3A_1 : i32 to vector<16xi32>
    %lt3A_172 = arith.cmpi slt, %get3A_168, %lt3A_171 : vector<16xi32>
    %and3A_173 = arith.andi %ge3A_170, %lt3A_172 : vector<16xi1>
    %sub3A_174 = vector.broadcast %mul3A_0 : i32 to vector<16xi32>
    %sub3A_175 = arith.subi %get3A_168, %sub3A_174 : vector<16xi32>
    %jit3A_176 = arith.constant 25088 : i32
    %broadcast_in_dim3A_177 = vector.broadcast %jit3A_176 : i32 to vector<16xi32>
    %select_n3A_178 = arith.select %and3A_173, %sub3A_175, %broadcast_in_dim3A_177 : vector<16xi1>, vector<16xi32>
    %swap3A_179 = arith.constant 0 : i32
    %swap3A_180 = arith.index_cast %swap3A_179 : i32 to index
    %swap3A_181 = arith.constant 80 : index
    %swap3A_182 = tpu.vector_load %arg8[%swap3A_180, %swap3A_181] {strides = array<i32>} : memref<1x128xi32, #tpu.memory_space<vmem>>, vector<1x16xi32>,
    %swap3A_183 = vector.shape_cast %swap3A_182 : vector<1x16xi32> to vector<16xi32>
    %swap3A_184 = vector.shape_cast %select_n3A_178 : vector<16xi32> to vector<1x16xi32>
    tpu.vector_store %arg8[%swap3A_180, %swap3A_181], %swap3A_184 {strides = array<i32>} : memref<1x128xi32, #tpu.memory_space<vmem>>, vector<1x16xi32>,
    %get3A_185 = arith.constant 1 : i32
    %get3A_186 = arith.index_cast %get3A_185 : i32 to index
    %get3A_187 = arith.constant 96 : index
    %get3A_188 = tpu.vector_load %arg6[%get3A_186, %get3A_187] {strides = array<i32>} : memref<2x128xi32, #tpu.memory_space<vmem>>, vector<1x16xi32>,
    %get3A_189 = vector.shape_cast %get3A_188 : vector<1x16xi32> to vector<16xi32>
    %ge3A_190 = vector.broadcast %mul3A_0 : i32 to vector<16xi32>
    %ge3A_191 = arith.cmpi sge, %get3A_189, %ge3A_190 : vector<16xi32>
    %lt3A_192 = vector.broadcast %add3A_1 : i32 to vector<16xi32>
    %lt3A_193 = arith.cmpi slt, %get3A_189, %lt3A_192 : vector<16xi32>
    %and3A_194 = arith.andi %ge3A_191, %lt3A_193 : vector<16xi1>
    %sub3A_195 = vector.broadcast %mul3A_0 : i32 to vector<16xi32>
    %sub3A_196 = arith.subi %get3A_189, %sub3A_195 : vector<16xi32>
    %jit3A_197 = arith.constant 25088 : i32
    %broadcast_in_dim3A_198 = vector.broadcast %jit3A_197 : i32 to vector<16xi32>
    %select_n3A_199 = arith.select %and3A_194, %sub3A_196, %broadcast_in_dim3A_198 : vector<16xi1>, vector<16xi32>
    %swap3A_200 = arith.constant 0 : i32
    %swap3A_201 = arith.index_cast %swap3A_200 : i32 to index
    %swap3A_202 = arith.constant 96 : index
    %swap3A_203 = tpu.vector_load %arg8[%swap3A_201, %swap3A_202] {strides = array<i32>} : memref<1x128xi32, #tpu.memory_space<vmem>>, vector<1x16xi32>,
    %swap3A_204 = vector.shape_cast %swap3A_203 : vector<1x16xi32> to vector<16xi32>
    %swap3A_205 = vector.shape_cast %select_n3A_199 : vector<16xi32> to vector<1x16xi32>
    tpu.vector_store %arg8[%swap3A_201, %swap3A_202], %swap3A_205 {strides = array<i32>} : memref<1x128xi32, #tpu.memory_space<vmem>>, vector<1x16xi32>,
    %get3A_206 = arith.constant 1 : i32
    %get3A_207 = arith.index_cast %get3A_206 : i32 to index
    %get3A_208 = arith.constant 112 : index
    %get3A_209 = tpu.vector_load %arg6[%get3A_207, %get3A_208] {strides = array<i32>} : memref<2x128xi32, #tpu.memory_space<vmem>>, vector<1x16xi32>,
    %get3A_210 = vector.shape_cast %get3A_209 : vector<1x16xi32> to vector<16xi32>
    %ge3A_211 = vector.broadcast %mul3A_0 : i32 to vector<16xi32>
    %ge3A_212 = arith.cmpi sge, %get3A_210, %ge3A_211 : vector<16xi32>
    %lt3A_213 = vector.broadcast %add3A_1 : i32 to vector<16xi32>
    %lt3A_214 = arith.cmpi slt, %get3A_210, %lt3A_213 : vector<16xi32>
    %and3A_215 = arith.andi %ge3A_212, %lt3A_214 : vector<16xi1>
    %sub3A_216 = vector.broadcast %mul3A_0 : i32 to vector<16xi32>
    %sub3A_217 = arith.subi %get3A_210, %sub3A_216 : vector<16xi32>
    %jit3A_218 = arith.constant 25088 : i32
    %broadcast_in_dim3A_219 = vector.broadcast %jit3A_218 : i32 to vector<16xi32>
    %select_n3A_220 = arith.select %and3A_215, %sub3A_217, %broadcast_in_dim3A_219 : vector<16xi1>, vector<16xi32>
    %swap3A_221 = arith.constant 0 : i32
    %swap3A_222 = arith.index_cast %swap3A_221 : i32 to index
    %swap3A_223 = arith.constant 112 : index
    %swap3A_224 = tpu.vector_load %arg8[%swap3A_222, %swap3A_223] {strides = array<i32>} : memref<1x128xi32, #tpu.memory_space<vmem>>, vector<1x16xi32>,
    %swap3A_225 = vector.shape_cast %swap3A_224 : vector<1x16xi32> to vector<16xi32>
    %swap3A_226 = vector.shape_cast %select_n3A_220 : vector<16xi32> to vector<1x16xi32>
    tpu.vector_store %arg8[%swap3A_222, %swap3A_223], %swap3A_226 {strides = array<i32>} : memref<1x128xi32, #tpu.memory_space<vmem>>, vector<1x16xi32>,
    %dma_start3A_227 = arith.constant 0 : i32
    %dma_start3A_228 = arith.constant 0 : i32
    %dma_start3A_229 = tpu.memref_slice %arg6[%dma_start3A_227, %dma_start3A_228] : memref<2x128xi32, #tpu.memory_space<vmem>> -> memref<1x128xi32, #tpu.memory_space<vmem>>
    %dma_start3A_230 = tpu.memref_squeeze %dma_start3A_229 : memref<1x128xi32, #tpu.memory_space<vmem>> -> memref<128xi32, #tpu.memory_space<vmem>>
    %dma_start3A_231 = arith.constant 0 : i32
    %dma_start3A_232 = arith.constant 0 : i32
    %dma_start3A_233 = tpu.memref_slice %arg2[%dma_start3A_231, %dma_start3A_232] : memref<50176x64xf32, #tpu.memory_space<hbm>> -> memref<50176x64xf32, #tpu.memory_space<hbm>>
    tpu.enqueue_indirect_dma source(%dma_start3A_233 : memref<50176x64xf32, #tpu.memory_space<hbm>>) target(%arg10 : memref<128x64xf32, #tpu.memory_space<vmem>>) offsets(%dma_start3A_230 : memref<128xi32, #tpu.memory_space<vmem>>) semaphore(%arg15 : memref<!tpu.dma_semaphore, #tpu.memory_space<semaphore_mem>>)
    %add3A_234 = arith.constant 2 : i32
    %add3A_235 = arith.addi %mul3A_59, %add3A_234 : i32
    %dma_start3A_236 = arith.constant 0 : i32
    %dma_start3A_237 = tpu.memref_slice %arg3[%add3A_235, %dma_start3A_236] : memref<12544x128xi32, #tpu.memory_space<hbm>> -> memref<2x128xi32, #tpu.memory_space<hbm>>
    %dma_start3A_238 = arith.constant 0 : i32
    %dma_start3A_239 = tpu.memref_slice %arg3[%add3A_235, %dma_start3A_238] : memref<12544x128xi32, #tpu.memory_space<hbm>> -> memref<2x128xi32, #tpu.memory_space<hbm>>
    tpu.enqueue_dma source(%dma_start3A_239 : memref<2x128xi32, #tpu.memory_space<hbm>>) target(%arg7 : memref<2x128xi32, #tpu.memory_space<vmem>>) target_semaphore(%arg14 : memref<!tpu.dma_semaphore, #tpu.memory_space<semaphore_mem>>)
    %scan3A = arith.constant 0 : i32
    %scan3A_240 = arith.constant 0 : i32
    %scan3A_241 = arith.constant 196 : i32
    %scan3A_242 = arith.addi %scan3A_240, %scan3A_241 : i32
    %scan3A_243 = arith.constant 1 : i32
    scf.for %scan3A_259 = %scan3A_240 to %scan3A_242 step %scan3A_243  : i32 {
      %mul3A_260 = arith.constant 2 : i32
      %mul3A_261 = arith.muli %mul3A_260, %scan3A_259 : i32
      %dma_wait3A_262 = arith.constant 0 : i32
      %dma_wait3A_263 = arith.constant 0 : i32
      %dma_wait3A_264 = tpu.memref_slice %arg6[%dma_wait3A_262, %dma_wait3A_263] : memref<2x128xi32, #tpu.memory_space<vmem>> -> memref<1x128xi32, #tpu.memory_space<vmem>>
      %dma_wait3A_265 = tpu.memref_squeeze %dma_wait3A_264 : memref<1x128xi32, #tpu.memory_space<vmem>> -> memref<128xi32, #tpu.memory_space<vmem>>
      %dma_wait3A_266 = arith.constant 0 : i32
      %dma_wait3A_267 = arith.constant 0 : i32
      %dma_wait3A_268 = tpu.memref_slice %arg2[%dma_wait3A_266, %dma_wait3A_267] : memref<50176x64xf32, #tpu.memory_space<hbm>> -> memref<50176x64xf32, #tpu.memory_space<hbm>>
      tpu.wait_indirect_dma semaphore(%arg15 : memref<!tpu.dma_semaphore, #tpu.memory_space<semaphore_mem>>) src(%dma_wait3A_268 : memref<50176x64xf32, #tpu.memory_space<hbm>>) dst(%arg10 : memref<128x64xf32, #tpu.memory_space<vmem>>)
      %dma_start3A_269 = arith.constant 0 : i32
      %dma_start3A_270 = arith.constant 0 : i32
      %dma_start3A_271 = tpu.memref_slice %arg8[%dma_start3A_269, %dma_start3A_270] : memref<1x128xi32, #tpu.memory_space<vmem>> -> memref<1x128xi32, #tpu.memory_space<vmem>>
      %dma_start3A_272 = tpu.memref_squeeze %dma_start3A_271 : memref<1x128xi32, #tpu.memory_space<vmem>> -> memref<128xi32, #tpu.memory_space<vmem>>
      %dma_start3A_273 = arith.constant 0 : i32
      %dma_start3A_274 = arith.constant 0 : i32
      %dma_start3A_275 = tpu.memref_slice %arg12[%dma_start3A_273, %dma_start3A_274] : memref<25104x64xf32, #tpu.memory_space<vmem_shared>> -> memref<25104x64xf32, #tpu.memory_space<vmem_shared>>
      tpu.enqueue_indirect_dma source(%arg10 : memref<128x64xf32, #tpu.memory_space<vmem>>) target(%dma_start3A_275 : memref<25104x64xf32, #tpu.memory_space<vmem_shared>>) offsets(%dma_start3A_272 : memref<128xi32, #tpu.memory_space<vmem>>) semaphore(%arg17 : memref<!tpu.dma_semaphore, #tpu.memory_space<semaphore_mem>>) {add = true}
      %add3A_276 = arith.constant 2 : i32
      %add3A_277 = arith.addi %mul3A_261, %add3A_276 : i32
      %lt3A_278 = arith.constant 392 : i32
      %lt3A_279 = arith.cmpi slt, %add3A_277, %lt3A_278 : i32
      %convert_element_type3A = arith.extui %lt3A_279 : i1 to i32
      %cond3A = arith.constant 0 : i32
      %cond3A_280 = arith.cmpi ne, %convert_element_type3A, %cond3A : i32
      scf.if %cond3A_280 {
        %add3A_499 = arith.constant 2 : i32
        %add3A_500 = arith.addi %mul3A_261, %add3A_499 : i32
        %mul3A_501 = arith.constant 2 : i32
        %mul3A_502 = arith.muli %mul3A_501, %add3A_500 : i32
        %add3A_503 = arith.addi %mul3A_59, %mul3A_502 : i32
        %dma_start3A_504 = arith.constant 0 : i32
        %dma_start3A_505 = tpu.memref_slice %arg3[%add3A_503, %dma_start3A_504] : memref<12544x128xi32, #tpu.memory_space<hbm>> -> memref<2x128xi32, #tpu.memory_space<hbm>>
        %dma_start3A_506 = arith.constant 0 : i32
        %dma_start3A_507 = tpu.memref_slice %arg3[%add3A_503, %dma_start3A_506] : memref<12544x128xi32, #tpu.memory_space<hbm>> -> memref<2x128xi32, #tpu.memory_space<hbm>>
        tpu.enqueue_dma source(%dma_start3A_507 : memref<2x128xi32, #tpu.memory_space<hbm>>) target(%arg6 : memref<2x128xi32, #tpu.memory_space<vmem>>) target_semaphore(%arg13 : memref<!tpu.dma_semaphore, #tpu.memory_space<semaphore_mem>>)
      } else {
      }
      %dma_wait3A_281 = arith.constant 0 : i32
      %dma_wait3A_282 = tpu.memref_slice %arg3[%mul3A_59, %dma_wait3A_281] : memref<12544x128xi32, #tpu.memory_space<hbm>> -> memref<2x128xi32, #tpu.memory_space<hbm>>
      %dma_wait3A_283 = arith.constant 0 : i32
      %dma_wait3A_284 = tpu.memref_slice %arg3[%mul3A_59, %dma_wait3A_283] : memref<12544x128xi32, #tpu.memory_space<hbm>> -> memref<2x128xi32, #tpu.memory_space<hbm>>
      tpu.wait_dma2 semaphore(%arg14 : memref<!tpu.dma_semaphore, #tpu.memory_space<semaphore_mem>>) src(%dma_wait3A_284 : memref<2x128xi32, #tpu.memory_space<hbm>>) dst(%arg7 : memref<2x128xi32, #tpu.memory_space<vmem>>)
      %gt3A = arith.constant 0 : i32
      %gt3A_285 = arith.cmpi sgt, %scan3A_259, %gt3A : i32
      %convert_element_type3A_286 = arith.extui %gt3A_285 : i1 to i32
      %cond3A_287 = arith.constant 0 : i32
      %cond3A_288 = arith.cmpi ne, %convert_element_type3A_286, %cond3A_287 : i32
      scf.if %cond3A_288 {
        %dma_wait3A_499 = arith.constant 0 : i32
        %dma_wait3A_500 = arith.constant 0 : i32
        %dma_wait3A_501 = tpu.memref_slice %arg9[%dma_wait3A_499, %dma_wait3A_500] : memref<1x128xi32, #tpu.memory_space<vmem>> -> memref<1x128xi32, #tpu.memory_space<vmem>>
        %dma_wait3A_502 = tpu.memref_squeeze %dma_wait3A_501 : memref<1x128xi32, #tpu.memory_space<vmem>> -> memref<128xi32, #tpu.memory_space<vmem>>
        %dma_wait3A_503 = arith.constant 0 : i32
        %dma_wait3A_504 = arith.constant 0 : i32
        %dma_wait3A_505 = tpu.memref_slice %arg12[%dma_wait3A_503, %dma_wait3A_504] : memref<25104x64xf32, #tpu.memory_space<vmem_shared>> -> memref<25104x64xf32, #tpu.memory_space<vmem_shared>>
        tpu.wait_indirect_dma semaphore(%arg18 : memref<!tpu.dma_semaphore, #tpu.memory_space<semaphore_mem>>) src(%arg11 : memref<128x64xf32, #tpu.memory_space<vmem>>) dst(%dma_wait3A_505 : memref<25104x64xf32, #tpu.memory_space<vmem_shared>>)
      } else {
      }
      %get3A_289 = arith.constant 1 : i32
      %get3A_290 = arith.index_cast %get3A_289 : i32 to index
      %get3A_291 = arith.constant 0 : index
      %get3A_292 = tpu.vector_load %arg7[%get3A_290, %get3A_291] {strides = array<i32>} : memref<2x128xi32, #tpu.memory_space<vmem>>, vector<1x16xi32>,
      %get3A_293 = vector.shape_cast %get3A_292 : vector<1x16xi32> to vector<16xi32>
      %ge3A_294 = vector.broadcast %mul3A_0 : i32 to vector<16xi32>
      %ge3A_295 = arith.cmpi sge, %get3A_293, %ge3A_294 : vector<16xi32>
      %lt3A_296 = vector.broadcast %add3A_1 : i32 to vector<16xi32>
      %lt3A_297 = arith.cmpi slt, %get3A_293, %lt3A_296 : vector<16xi32>
      %and3A_298 = arith.andi %ge3A_295, %lt3A_297 : vector<16xi1>
      %sub3A_299 = vector.broadcast %mul3A_0 : i32 to vector<16xi32>
      %sub3A_300 = arith.subi %get3A_293, %sub3A_299 : vector<16xi32>
      %jit3A_301 = arith.constant 25088 : i32
      %broadcast_in_dim3A_302 = vector.broadcast %jit3A_301 : i32 to vector<16xi32>
      %select_n3A_303 = arith.select %and3A_298, %sub3A_300, %broadcast_in_dim3A_302 : vector<16xi1>, vector<16xi32>
      %swap3A_304 = arith.constant 0 : i32
      %swap3A_305 = arith.index_cast %swap3A_304 : i32 to index
      %swap3A_306 = arith.constant 0 : index
      %swap3A_307 = tpu.vector_load %arg9[%swap3A_305, %swap3A_306] {strides = array<i32>} : memref<1x128xi32, #tpu.memory_space<vmem>>, vector<1x16xi32>,
      %swap3A_308 = vector.shape_cast %swap3A_307 : vector<1x16xi32> to vector<16xi32>
      %swap3A_309 = vector.shape_cast %select_n3A_303 : vector<16xi32> to vector<1x16xi32>
      tpu.vector_store %arg9[%swap3A_305, %swap3A_306], %swap3A_309 {strides = array<i32>} : memref<1x128xi32, #tpu.memory_space<vmem>>, vector<1x16xi32>,
      %get3A_310 = arith.constant 1 : i32
      %get3A_311 = arith.index_cast %get3A_310 : i32 to index
      %get3A_312 = arith.constant 16 : index
      %get3A_313 = tpu.vector_load %arg7[%get3A_311, %get3A_312] {strides = array<i32>} : memref<2x128xi32, #tpu.memory_space<vmem>>, vector<1x16xi32>,
      %get3A_314 = vector.shape_cast %get3A_313 : vector<1x16xi32> to vector<16xi32>
      %ge3A_315 = vector.broadcast %mul3A_0 : i32 to vector<16xi32>
      %ge3A_316 = arith.cmpi sge, %get3A_314, %ge3A_315 : vector<16xi32>
      %lt3A_317 = vector.broadcast %add3A_1 : i32 to vector<16xi32>
      %lt3A_318 = arith.cmpi slt, %get3A_314, %lt3A_317 : vector<16xi32>
      %and3A_319 = arith.andi %ge3A_316, %lt3A_318 : vector<16xi1>
      %sub3A_320 = vector.broadcast %mul3A_0 : i32 to vector<16xi32>
      %sub3A_321 = arith.subi %get3A_314, %sub3A_320 : vector<16xi32>
      %jit3A_322 = arith.constant 25088 : i32
      %broadcast_in_dim3A_323 = vector.broadcast %jit3A_322 : i32 to vector<16xi32>
      %select_n3A_324 = arith.select %and3A_319, %sub3A_321, %broadcast_in_dim3A_323 : vector<16xi1>, vector<16xi32>
      %swap3A_325 = arith.constant 0 : i32
      %swap3A_326 = arith.index_cast %swap3A_325 : i32 to index
      %swap3A_327 = arith.constant 16 : index
      %swap3A_328 = tpu.vector_load %arg9[%swap3A_326, %swap3A_327] {strides = array<i32>} : memref<1x128xi32, #tpu.memory_space<vmem>>, vector<1x16xi32>,
      %swap3A_329 = vector.shape_cast %swap3A_328 : vector<1x16xi32> to vector<16xi32>
      %swap3A_330 = vector.shape_cast %select_n3A_324 : vector<16xi32> to vector<1x16xi32>
      tpu.vector_store %arg9[%swap3A_326, %swap3A_327], %swap3A_330 {strides = array<i32>} : memref<1x128xi32, #tpu.memory_space<vmem>>, vector<1x16xi32>,
      %get3A_331 = arith.constant 1 : i32
      %get3A_332 = arith.index_cast %get3A_331 : i32 to index
      %get3A_333 = arith.constant 32 : index
      %get3A_334 = tpu.vector_load %arg7[%get3A_332, %get3A_333] {strides = array<i32>} : memref<2x128xi32, #tpu.memory_space<vmem>>, vector<1x16xi32>,
      %get3A_335 = vector.shape_cast %get3A_334 : vector<1x16xi32> to vector<16xi32>
      %ge3A_336 = vector.broadcast %mul3A_0 : i32 to vector<16xi32>
      %ge3A_337 = arith.cmpi sge, %get3A_335, %ge3A_336 : vector<16xi32>
      %lt3A_338 = vector.broadcast %add3A_1 : i32 to vector<16xi32>
      %lt3A_339 = arith.cmpi slt, %get3A_335, %lt3A_338 : vector<16xi32>
      %and3A_340 = arith.andi %ge3A_337, %lt3A_339 : vector<16xi1>
      %sub3A_341 = vector.broadcast %mul3A_0 : i32 to vector<16xi32>
      %sub3A_342 = arith.subi %get3A_335, %sub3A_341 : vector<16xi32>
      %jit3A_343 = arith.constant 25088 : i32
      %broadcast_in_dim3A_344 = vector.broadcast %jit3A_343 : i32 to vector<16xi32>
      %select_n3A_345 = arith.select %and3A_340, %sub3A_342, %broadcast_in_dim3A_344 : vector<16xi1>, vector<16xi32>
      %swap3A_346 = arith.constant 0 : i32
      %swap3A_347 = arith.index_cast %swap3A_346 : i32 to index
      %swap3A_348 = arith.constant 32 : index
      %swap3A_349 = tpu.vector_load %arg9[%swap3A_347, %swap3A_348] {strides = array<i32>} : memref<1x128xi32, #tpu.memory_space<vmem>>, vector<1x16xi32>,
      %swap3A_350 = vector.shape_cast %swap3A_349 : vector<1x16xi32> to vector<16xi32>
      %swap3A_351 = vector.shape_cast %select_n3A_345 : vector<16xi32> to vector<1x16xi32>
      tpu.vector_store %arg9[%swap3A_347, %swap3A_348], %swap3A_351 {strides = array<i32>} : memref<1x128xi32, #tpu.memory_space<vmem>>, vector<1x16xi32>,
      %get3A_352 = arith.constant 1 : i32
      %get3A_353 = arith.index_cast %get3A_352 : i32 to index
      %get3A_354 = arith.constant 48 : index
      %get3A_355 = tpu.vector_load %arg7[%get3A_353, %get3A_354] {strides = array<i32>} : memref<2x128xi32, #tpu.memory_space<vmem>>, vector<1x16xi32>,
      %get3A_356 = vector.shape_cast %get3A_355 : vector<1x16xi32> to vector<16xi32>
      %ge3A_357 = vector.broadcast %mul3A_0 : i32 to vector<16xi32>
      %ge3A_358 = arith.cmpi sge, %get3A_356, %ge3A_357 : vector<16xi32>
      %lt3A_359 = vector.broadcast %add3A_1 : i32 to vector<16xi32>
      %lt3A_360 = arith.cmpi slt, %get3A_356, %lt3A_359 : vector<16xi32>
      %and3A_361 = arith.andi %ge3A_358, %lt3A_360 : vector<16xi1>
      %sub3A_362 = vector.broadcast %mul3A_0 : i32 to vector<16xi32>
      %sub3A_363 = arith.subi %get3A_356, %sub3A_362 : vector<16xi32>
      %jit3A_364 = arith.constant 25088 : i32
      %broadcast_in_dim3A_365 = vector.broadcast %jit3A_364 : i32 to vector<16xi32>
      %select_n3A_366 = arith.select %and3A_361, %sub3A_363, %broadcast_in_dim3A_365 : vector<16xi1>, vector<16xi32>
      %swap3A_367 = arith.constant 0 : i32
      %swap3A_368 = arith.index_cast %swap3A_367 : i32 to index
      %swap3A_369 = arith.constant 48 : index
      %swap3A_370 = tpu.vector_load %arg9[%swap3A_368, %swap3A_369] {strides = array<i32>} : memref<1x128xi32, #tpu.memory_space<vmem>>, vector<1x16xi32>,
      %swap3A_371 = vector.shape_cast %swap3A_370 : vector<1x16xi32> to vector<16xi32>
      %swap3A_372 = vector.shape_cast %select_n3A_366 : vector<16xi32> to vector<1x16xi32>
      tpu.vector_store %arg9[%swap3A_368, %swap3A_369], %swap3A_372 {strides = array<i32>} : memref<1x128xi32, #tpu.memory_space<vmem>>, vector<1x16xi32>,
      %get3A_373 = arith.constant 1 : i32
      %get3A_374 = arith.index_cast %get3A_373 : i32 to index
      %get3A_375 = arith.constant 64 : index
      %get3A_376 = tpu.vector_load %arg7[%get3A_374, %get3A_375] {strides = array<i32>} : memref<2x128xi32, #tpu.memory_space<vmem>>, vector<1x16xi32>,
      %get3A_377 = vector.shape_cast %get3A_376 : vector<1x16xi32> to vector<16xi32>
      %ge3A_378 = vector.broadcast %mul3A_0 : i32 to vector<16xi32>
      %ge3A_379 = arith.cmpi sge, %get3A_377, %ge3A_378 : vector<16xi32>
      %lt3A_380 = vector.broadcast %add3A_1 : i32 to vector<16xi32>
      %lt3A_381 = arith.cmpi slt, %get3A_377, %lt3A_380 : vector<16xi32>
      %and3A_382 = arith.andi %ge3A_379, %lt3A_381 : vector<16xi1>
      %sub3A_383 = vector.broadcast %mul3A_0 : i32 to vector<16xi32>
      %sub3A_384 = arith.subi %get3A_377, %sub3A_383 : vector<16xi32>
      %jit3A_385 = arith.constant 25088 : i32
      %broadcast_in_dim3A_386 = vector.broadcast %jit3A_385 : i32 to vector<16xi32>
      %select_n3A_387 = arith.select %and3A_382, %sub3A_384, %broadcast_in_dim3A_386 : vector<16xi1>, vector<16xi32>
      %swap3A_388 = arith.constant 0 : i32
      %swap3A_389 = arith.index_cast %swap3A_388 : i32 to index
      %swap3A_390 = arith.constant 64 : index
      %swap3A_391 = tpu.vector_load %arg9[%swap3A_389, %swap3A_390] {strides = array<i32>} : memref<1x128xi32, #tpu.memory_space<vmem>>, vector<1x16xi32>,
      %swap3A_392 = vector.shape_cast %swap3A_391 : vector<1x16xi32> to vector<16xi32>
      %swap3A_393 = vector.shape_cast %select_n3A_387 : vector<16xi32> to vector<1x16xi32>
      tpu.vector_store %arg9[%swap3A_389, %swap3A_390], %swap3A_393 {strides = array<i32>} : memref<1x128xi32, #tpu.memory_space<vmem>>, vector<1x16xi32>,
      %get3A_394 = arith.constant 1 : i32
      %get3A_395 = arith.index_cast %get3A_394 : i32 to index
      %get3A_396 = arith.constant 80 : index
      %get3A_397 = tpu.vector_load %arg7[%get3A_395, %get3A_396] {strides = array<i32>} : memref<2x128xi32, #tpu.memory_space<vmem>>, vector<1x16xi32>,
      %get3A_398 = vector.shape_cast %get3A_397 : vector<1x16xi32> to vector<16xi32>
      %ge3A_399 = vector.broadcast %mul3A_0 : i32 to vector<16xi32>
      %ge3A_400 = arith.cmpi sge, %get3A_398, %ge3A_399 : vector<16xi32>
      %lt3A_401 = vector.broadcast %add3A_1 : i32 to vector<16xi32>
      %lt3A_402 = arith.cmpi slt, %get3A_398, %lt3A_401 : vector<16xi32>
      %and3A_403 = arith.andi %ge3A_400, %lt3A_402 : vector<16xi1>
      %sub3A_404 = vector.broadcast %mul3A_0 : i32 to vector<16xi32>
      %sub3A_405 = arith.subi %get3A_398, %sub3A_404 : vector<16xi32>
      %jit3A_406 = arith.constant 25088 : i32
      %broadcast_in_dim3A_407 = vector.broadcast %jit3A_406 : i32 to vector<16xi32>
      %select_n3A_408 = arith.select %and3A_403, %sub3A_405, %broadcast_in_dim3A_407 : vector<16xi1>, vector<16xi32>
      %swap3A_409 = arith.constant 0 : i32
      %swap3A_410 = arith.index_cast %swap3A_409 : i32 to index
      %swap3A_411 = arith.constant 80 : index
      %swap3A_412 = tpu.vector_load %arg9[%swap3A_410, %swap3A_411] {strides = array<i32>} : memref<1x128xi32, #tpu.memory_space<vmem>>, vector<1x16xi32>,
      %swap3A_413 = vector.shape_cast %swap3A_412 : vector<1x16xi32> to vector<16xi32>
      %swap3A_414 = vector.shape_cast %select_n3A_408 : vector<16xi32> to vector<1x16xi32>
      tpu.vector_store %arg9[%swap3A_410, %swap3A_411], %swap3A_414 {strides = array<i32>} : memref<1x128xi32, #tpu.memory_space<vmem>>, vector<1x16xi32>,
      %get3A_415 = arith.constant 1 : i32
      %get3A_416 = arith.index_cast %get3A_415 : i32 to index
      %get3A_417 = arith.constant 96 : index
      %get3A_418 = tpu.vector_load %arg7[%get3A_416, %get3A_417] {strides = array<i32>} : memref<2x128xi32, #tpu.memory_space<vmem>>, vector<1x16xi32>,
      %get3A_419 = vector.shape_cast %get3A_418 : vector<1x16xi32> to vector<16xi32>
      %ge3A_420 = vector.broadcast %mul3A_0 : i32 to vector<16xi32>
      %ge3A_421 = arith.cmpi sge, %get3A_419, %ge3A_420 : vector<16xi32>
      %lt3A_422 = vector.broadcast %add3A_1 : i32 to vector<16xi32>
      %lt3A_423 = arith.cmpi slt, %get3A_419, %lt3A_422 : vector<16xi32>
      %and3A_424 = arith.andi %ge3A_421, %lt3A_423 : vector<16xi1>
      %sub3A_425 = vector.broadcast %mul3A_0 : i32 to vector<16xi32>
      %sub3A_426 = arith.subi %get3A_419, %sub3A_425 : vector<16xi32>
      %jit3A_427 = arith.constant 25088 : i32
      %broadcast_in_dim3A_428 = vector.broadcast %jit3A_427 : i32 to vector<16xi32>
      %select_n3A_429 = arith.select %and3A_424, %sub3A_426, %broadcast_in_dim3A_428 : vector<16xi1>, vector<16xi32>
      %swap3A_430 = arith.constant 0 : i32
      %swap3A_431 = arith.index_cast %swap3A_430 : i32 to index
      %swap3A_432 = arith.constant 96 : index
      %swap3A_433 = tpu.vector_load %arg9[%swap3A_431, %swap3A_432] {strides = array<i32>} : memref<1x128xi32, #tpu.memory_space<vmem>>, vector<1x16xi32>,
      %swap3A_434 = vector.shape_cast %swap3A_433 : vector<1x16xi32> to vector<16xi32>
      %swap3A_435 = vector.shape_cast %select_n3A_429 : vector<16xi32> to vector<1x16xi32>
      tpu.vector_store %arg9[%swap3A_431, %swap3A_432], %swap3A_435 {strides = array<i32>} : memref<1x128xi32, #tpu.memory_space<vmem>>, vector<1x16xi32>,
      %get3A_436 = arith.constant 1 : i32
      %get3A_437 = arith.index_cast %get3A_436 : i32 to index
      %get3A_438 = arith.constant 112 : index
      %get3A_439 = tpu.vector_load %arg7[%get3A_437, %get3A_438] {strides = array<i32>} : memref<2x128xi32, #tpu.memory_space<vmem>>, vector<1x16xi32>,
      %get3A_440 = vector.shape_cast %get3A_439 : vector<1x16xi32> to vector<16xi32>
      %ge3A_441 = vector.broadcast %mul3A_0 : i32 to vector<16xi32>
      %ge3A_442 = arith.cmpi sge, %get3A_440, %ge3A_441 : vector<16xi32>
      %lt3A_443 = vector.broadcast %add3A_1 : i32 to vector<16xi32>
      %lt3A_444 = arith.cmpi slt, %get3A_440, %lt3A_443 : vector<16xi32>
      %and3A_445 = arith.andi %ge3A_442, %lt3A_444 : vector<16xi1>
      %sub3A_446 = vector.broadcast %mul3A_0 : i32 to vector<16xi32>
      %sub3A_447 = arith.subi %get3A_440, %sub3A_446 : vector<16xi32>
      %jit3A_448 = arith.constant 25088 : i32
      %broadcast_in_dim3A_449 = vector.broadcast %jit3A_448 : i32 to vector<16xi32>
      %select_n3A_450 = arith.select %and3A_445, %sub3A_447, %broadcast_in_dim3A_449 : vector<16xi1>, vector<16xi32>
      %swap3A_451 = arith.constant 0 : i32
      %swap3A_452 = arith.index_cast %swap3A_451 : i32 to index
      %swap3A_453 = arith.constant 112 : index
      %swap3A_454 = tpu.vector_load %arg9[%swap3A_452, %swap3A_453] {strides = array<i32>} : memref<1x128xi32, #tpu.memory_space<vmem>>, vector<1x16xi32>,
      %swap3A_455 = vector.shape_cast %swap3A_454 : vector<1x16xi32> to vector<16xi32>
      %swap3A_456 = vector.shape_cast %select_n3A_450 : vector<16xi32> to vector<1x16xi32>
      tpu.vector_store %arg9[%swap3A_452, %swap3A_453], %swap3A_456 {strides = array<i32>} : memref<1x128xi32, #tpu.memory_space<vmem>>, vector<1x16xi32>,
      %dma_start3A_457 = arith.constant 0 : i32
      %dma_start3A_458 = arith.constant 0 : i32
      %dma_start3A_459 = tpu.memref_slice %arg7[%dma_start3A_457, %dma_start3A_458] : memref<2x128xi32, #tpu.memory_space<vmem>> -> memref<1x128xi32, #tpu.memory_space<vmem>>
      %dma_start3A_460 = tpu.memref_squeeze %dma_start3A_459 : memref<1x128xi32, #tpu.memory_space<vmem>> -> memref<128xi32, #tpu.memory_space<vmem>>
      %dma_start3A_461 = arith.constant 0 : i32
      %dma_start3A_462 = arith.constant 0 : i32
      %dma_start3A_463 = tpu.memref_slice %arg2[%dma_start3A_461, %dma_start3A_462] : memref<50176x64xf32, #tpu.memory_space<hbm>> -> memref<50176x64xf32, #tpu.memory_space<hbm>>
      tpu.enqueue_indirect_dma source(%dma_start3A_463 : memref<50176x64xf32, #tpu.memory_space<hbm>>) target(%arg11 : memref<128x64xf32, #tpu.memory_space<vmem>>) offsets(%dma_start3A_460 : memref<128xi32, #tpu.memory_space<vmem>>) semaphore(%arg16 : memref<!tpu.dma_semaphore, #tpu.memory_space<semaphore_mem>>)
      %dma_wait3A_464 = arith.constant 0 : i32
      %dma_wait3A_465 = arith.constant 0 : i32
      %dma_wait3A_466 = tpu.memref_slice %arg7[%dma_wait3A_464, %dma_wait3A_465] : memref<2x128xi32, #tpu.memory_space<vmem>> -> memref<1x128xi32, #tpu.memory_space<vmem>>
      %dma_wait3A_467 = tpu.memref_squeeze %dma_wait3A_466 : memref<1x128xi32, #tpu.memory_space<vmem>> -> memref<128xi32, #tpu.memory_space<vmem>>
      %dma_wait3A_468 = arith.constant 0 : i32
      %dma_wait3A_469 = arith.constant 0 : i32
      %dma_wait3A_470 = tpu.memref_slice %arg2[%dma_wait3A_468, %dma_wait3A_469] : memref<50176x64xf32, #tpu.memory_space<hbm>> -> memref<50176x64xf32, #tpu.memory_space<hbm>>
      tpu.wait_indirect_dma semaphore(%arg16 : memref<!tpu.dma_semaphore, #tpu.memory_space<semaphore_mem>>) src(%dma_wait3A_470 : memref<50176x64xf32, #tpu.memory_space<hbm>>) dst(%arg11 : memref<128x64xf32, #tpu.memory_space<vmem>>)
      %dma_start3A_471 = arith.constant 0 : i32
      %dma_start3A_472 = arith.constant 0 : i32
      %dma_start3A_473 = tpu.memref_slice %arg9[%dma_start3A_471, %dma_start3A_472] : memref<1x128xi32, #tpu.memory_space<vmem>> -> memref<1x128xi32, #tpu.memory_space<vmem>>
      %dma_start3A_474 = tpu.memref_squeeze %dma_start3A_473 : memref<1x128xi32, #tpu.memory_space<vmem>> -> memref<128xi32, #tpu.memory_space<vmem>>
      %dma_start3A_475 = arith.constant 0 : i32
      %dma_start3A_476 = arith.constant 0 : i32
      %dma_start3A_477 = tpu.memref_slice %arg12[%dma_start3A_475, %dma_start3A_476] : memref<25104x64xf32, #tpu.memory_space<vmem_shared>> -> memref<25104x64xf32, #tpu.memory_space<vmem_shared>>
      tpu.enqueue_indirect_dma source(%arg11 : memref<128x64xf32, #tpu.memory_space<vmem>>) target(%dma_start3A_477 : memref<25104x64xf32, #tpu.memory_space<vmem_shared>>) offsets(%dma_start3A_474 : memref<128xi32, #tpu.memory_space<vmem>>) semaphore(%arg18 : memref<!tpu.dma_semaphore, #tpu.memory_space<semaphore_mem>>) {add = true}
      %add3A_478 = arith.constant 3 : i32
      %add3A_479 = arith.addi %mul3A_261, %add3A_478 : i32
      %lt3A_480 = arith.constant 392 : i32
      %lt3A_481 = arith.cmpi slt, %add3A_479, %lt3A_480 : i32
      %convert_element_type3A_482 = arith.extui %lt3A_481 : i1 to i32
      %cond3A_483 = arith.constant 0 : i32
      %cond3A_484 = arith.cmpi ne, %convert_element_type3A_482, %cond3A_483 : i32
      scf.if %cond3A_484 {
        %add3A_499 = arith.constant 3 : i32
        %add3A_500 = arith.addi %mul3A_261, %add3A_499 : i32
        %mul3A_501 = arith.constant 2 : i32
        %mul3A_502 = arith.muli %mul3A_501, %add3A_500 : i32
        %add3A_503 = arith.addi %mul3A_59, %mul3A_502 : i32
        %dma_start3A_504 = arith.constant 0 : i32
        %dma_start3A_505 = tpu.memref_slice %arg3[%add3A_503, %dma_start3A_504] : memref<12544x128xi32, #tpu.memory_space<hbm>> -> memref<2x128xi32, #tpu.memory_space<hbm>>
        %dma_start3A_506 = arith.constant 0 : i32
        %dma_start3A_507 = tpu.memref_slice %arg3[%add3A_503, %dma_start3A_506] : memref<12544x128xi32, #tpu.memory_space<hbm>> -> memref<2x128xi32, #tpu.memory_space<hbm>>
        tpu.enqueue_dma source(%dma_start3A_507 : memref<2x128xi32, #tpu.memory_space<hbm>>) target(%arg7 : memref<2x128xi32, #tpu.memory_space<vmem>>) target_semaphore(%arg14 : memref<!tpu.dma_semaphore, #tpu.memory_space<semaphore_mem>>)
      } else {
      }
      %dma_wait3A_485 = arith.constant 0 : i32
      %dma_wait3A_486 = arith.constant 0 : i32
      %dma_wait3A_487 = tpu.memref_slice %arg8[%dma_wait3A_485, %dma_wait3A_486] : memref<1x128xi32, #tpu.memory_space<vmem>> -> memref<1x128xi32, #tpu.memory_space<vmem>>
      %dma_wait3A_488 = tpu.memref_squeeze %dma_wait3A_487 : memref<1x128xi32, #tpu.memory_space<vmem>> -> memref<128xi32, #tpu.memory_space<vmem>>
      %dma_wait3A_489 = arith.constant 0 : i32
      %dma_wait3A_490 = arith.constant 0 : i32
      %dma_wait3A_491 = tpu.memref_slice %arg12[%dma_wait3A_489, %dma_wait3A_490] : memref<25104x64xf32, #tpu.memory_space<vmem_shared>> -> memref<25104x64xf32, #tpu.memory_space<vmem_shared>>
      tpu.wait_indirect_dma semaphore(%arg17 : memref<!tpu.dma_semaphore, #tpu.memory_space<semaphore_mem>>) src(%arg10 : memref<128x64xf32, #tpu.memory_space<vmem>>) dst(%dma_wait3A_491 : memref<25104x64xf32, #tpu.memory_space<vmem_shared>>)
      %add3A_492 = arith.constant 2 : i32
      %add3A_493 = arith.addi %mul3A_261, %add3A_492 : i32
      %lt3A_494 = arith.constant 392 : i32
      %lt3A_495 = arith.cmpi slt, %add3A_493, %lt3A_494 : i32
      %convert_element_type3A_496 = arith.extui %lt3A_495 : i1 to i32
      %cond3A_497 = arith.constant 0 : i32
      %cond3A_498 = arith.cmpi ne, %convert_element_type3A_496, %cond3A_497 : i32
      scf.if %cond3A_498 {
        %dma_wait3A_499 = arith.constant 0 : i32
        %dma_wait3A_500 = tpu.memref_slice %arg3[%mul3A_59, %dma_wait3A_499] : memref<12544x128xi32, #tpu.memory_space<hbm>> -> memref<2x128xi32, #tpu.memory_space<hbm>>
        %dma_wait3A_501 = arith.constant 0 : i32
        %dma_wait3A_502 = tpu.memref_slice %arg3[%mul3A_59, %dma_wait3A_501] : memref<12544x128xi32, #tpu.memory_space<hbm>> -> memref<2x128xi32, #tpu.memory_space<hbm>>
        tpu.wait_dma2 semaphore(%arg13 : memref<!tpu.dma_semaphore, #tpu.memory_space<semaphore_mem>>) src(%dma_wait3A_502 : memref<2x128xi32, #tpu.memory_space<hbm>>) dst(%arg6 : memref<2x128xi32, #tpu.memory_space<vmem>>)
        %get3A_503 = arith.constant 1 : i32
        %get3A_504 = arith.index_cast %get3A_503 : i32 to index
        %get3A_505 = arith.constant 0 : index
        %get3A_506 = tpu.vector_load %arg6[%get3A_504, %get3A_505] {strides = array<i32>} : memref<2x128xi32, #tpu.memory_space<vmem>>, vector<1x16xi32>,
        %get3A_507 = vector.shape_cast %get3A_506 : vector<1x16xi32> to vector<16xi32>
        %ge3A_508 = vector.broadcast %mul3A_0 : i32 to vector<16xi32>
        %ge3A_509 = arith.cmpi sge, %get3A_507, %ge3A_508 : vector<16xi32>
        %lt3A_510 = vector.broadcast %add3A_1 : i32 to vector<16xi32>
        %lt3A_511 = arith.cmpi slt, %get3A_507, %lt3A_510 : vector<16xi32>
        %and3A_512 = arith.andi %ge3A_509, %lt3A_511 : vector<16xi1>
        %sub3A_513 = vector.broadcast %mul3A_0 : i32 to vector<16xi32>
        %sub3A_514 = arith.subi %get3A_507, %sub3A_513 : vector<16xi32>
        %jit3A_515 = arith.constant 25088 : i32
        %broadcast_in_dim3A_516 = vector.broadcast %jit3A_515 : i32 to vector<16xi32>
        %select_n3A_517 = arith.select %and3A_512, %sub3A_514, %broadcast_in_dim3A_516 : vector<16xi1>, vector<16xi32>
        %swap3A_518 = arith.constant 0 : i32
        %swap3A_519 = arith.index_cast %swap3A_518 : i32 to index
        %swap3A_520 = arith.constant 0 : index
        %swap3A_521 = tpu.vector_load %arg8[%swap3A_519, %swap3A_520] {strides = array<i32>} : memref<1x128xi32, #tpu.memory_space<vmem>>, vector<1x16xi32>,
        %swap3A_522 = vector.shape_cast %swap3A_521 : vector<1x16xi32> to vector<16xi32>
        %swap3A_523 = vector.shape_cast %select_n3A_517 : vector<16xi32> to vector<1x16xi32>
        tpu.vector_store %arg8[%swap3A_519, %swap3A_520], %swap3A_523 {strides = array<i32>} : memref<1x128xi32, #tpu.memory_space<vmem>>, vector<1x16xi32>,
        %get3A_524 = arith.constant 1 : i32
        %get3A_525 = arith.index_cast %get3A_524 : i32 to index
        %get3A_526 = arith.constant 16 : index
        %get3A_527 = tpu.vector_load %arg6[%get3A_525, %get3A_526] {strides = array<i32>} : memref<2x128xi32, #tpu.memory_space<vmem>>, vector<1x16xi32>,
        %get3A_528 = vector.shape_cast %get3A_527 : vector<1x16xi32> to vector<16xi32>
        %ge3A_529 = vector.broadcast %mul3A_0 : i32 to vector<16xi32>
        %ge3A_530 = arith.cmpi sge, %get3A_528, %ge3A_529 : vector<16xi32>
        %lt3A_531 = vector.broadcast %add3A_1 : i32 to vector<16xi32>
        %lt3A_532 = arith.cmpi slt, %get3A_528, %lt3A_531 : vector<16xi32>
        %and3A_533 = arith.andi %ge3A_530, %lt3A_532 : vector<16xi1>
        %sub3A_534 = vector.broadcast %mul3A_0 : i32 to vector<16xi32>
        %sub3A_535 = arith.subi %get3A_528, %sub3A_534 : vector<16xi32>
        %jit3A_536 = arith.constant 25088 : i32
        %broadcast_in_dim3A_537 = vector.broadcast %jit3A_536 : i32 to vector<16xi32>
        %select_n3A_538 = arith.select %and3A_533, %sub3A_535, %broadcast_in_dim3A_537 : vector<16xi1>, vector<16xi32>
        %swap3A_539 = arith.constant 0 : i32
        %swap3A_540 = arith.index_cast %swap3A_539 : i32 to index
        %swap3A_541 = arith.constant 16 : index
        %swap3A_542 = tpu.vector_load %arg8[%swap3A_540, %swap3A_541] {strides = array<i32>} : memref<1x128xi32, #tpu.memory_space<vmem>>, vector<1x16xi32>,
        %swap3A_543 = vector.shape_cast %swap3A_542 : vector<1x16xi32> to vector<16xi32>
        %swap3A_544 = vector.shape_cast %select_n3A_538 : vector<16xi32> to vector<1x16xi32>
        tpu.vector_store %arg8[%swap3A_540, %swap3A_541], %swap3A_544 {strides = array<i32>} : memref<1x128xi32, #tpu.memory_space<vmem>>, vector<1x16xi32>,
        %get3A_545 = arith.constant 1 : i32
        %get3A_546 = arith.index_cast %get3A_545 : i32 to index
        %get3A_547 = arith.constant 32 : index
        %get3A_548 = tpu.vector_load %arg6[%get3A_546, %get3A_547] {strides = array<i32>} : memref<2x128xi32, #tpu.memory_space<vmem>>, vector<1x16xi32>,
        %get3A_549 = vector.shape_cast %get3A_548 : vector<1x16xi32> to vector<16xi32>
        %ge3A_550 = vector.broadcast %mul3A_0 : i32 to vector<16xi32>
        %ge3A_551 = arith.cmpi sge, %get3A_549, %ge3A_550 : vector<16xi32>
        %lt3A_552 = vector.broadcast %add3A_1 : i32 to vector<16xi32>
        %lt3A_553 = arith.cmpi slt, %get3A_549, %lt3A_552 : vector<16xi32>
        %and3A_554 = arith.andi %ge3A_551, %lt3A_553 : vector<16xi1>
        %sub3A_555 = vector.broadcast %mul3A_0 : i32 to vector<16xi32>
        %sub3A_556 = arith.subi %get3A_549, %sub3A_555 : vector<16xi32>
        %jit3A_557 = arith.constant 25088 : i32
        %broadcast_in_dim3A_558 = vector.broadcast %jit3A_557 : i32 to vector<16xi32>
        %select_n3A_559 = arith.select %and3A_554, %sub3A_556, %broadcast_in_dim3A_558 : vector<16xi1>, vector<16xi32>
        %swap3A_560 = arith.constant 0 : i32
        %swap3A_561 = arith.index_cast %swap3A_560 : i32 to index
        %swap3A_562 = arith.constant 32 : index
        %swap3A_563 = tpu.vector_load %arg8[%swap3A_561, %swap3A_562] {strides = array<i32>} : memref<1x128xi32, #tpu.memory_space<vmem>>, vector<1x16xi32>,
        %swap3A_564 = vector.shape_cast %swap3A_563 : vector<1x16xi32> to vector<16xi32>
        %swap3A_565 = vector.shape_cast %select_n3A_559 : vector<16xi32> to vector<1x16xi32>
        tpu.vector_store %arg8[%swap3A_561, %swap3A_562], %swap3A_565 {strides = array<i32>} : memref<1x128xi32, #tpu.memory_space<vmem>>, vector<1x16xi32>,
        %get3A_566 = arith.constant 1 : i32
        %get3A_567 = arith.index_cast %get3A_566 : i32 to index
        %get3A_568 = arith.constant 48 : index
        %get3A_569 = tpu.vector_load %arg6[%get3A_567, %get3A_568] {strides = array<i32>} : memref<2x128xi32, #tpu.memory_space<vmem>>, vector<1x16xi32>,
        %get3A_570 = vector.shape_cast %get3A_569 : vector<1x16xi32> to vector<16xi32>
        %ge3A_571 = vector.broadcast %mul3A_0 : i32 to vector<16xi32>
        %ge3A_572 = arith.cmpi sge, %get3A_570, %ge3A_571 : vector<16xi32>
        %lt3A_573 = vector.broadcast %add3A_1 : i32 to vector<16xi32>
        %lt3A_574 = arith.cmpi slt, %get3A_570, %lt3A_573 : vector<16xi32>
        %and3A_575 = arith.andi %ge3A_572, %lt3A_574 : vector<16xi1>
        %sub3A_576 = vector.broadcast %mul3A_0 : i32 to vector<16xi32>
        %sub3A_577 = arith.subi %get3A_570, %sub3A_576 : vector<16xi32>
        %jit3A_578 = arith.constant 25088 : i32
        %broadcast_in_dim3A_579 = vector.broadcast %jit3A_578 : i32 to vector<16xi32>
        %select_n3A_580 = arith.select %and3A_575, %sub3A_577, %broadcast_in_dim3A_579 : vector<16xi1>, vector<16xi32>
        %swap3A_581 = arith.constant 0 : i32
        %swap3A_582 = arith.index_cast %swap3A_581 : i32 to index
        %swap3A_583 = arith.constant 48 : index
        %swap3A_584 = tpu.vector_load %arg8[%swap3A_582, %swap3A_583] {strides = array<i32>} : memref<1x128xi32, #tpu.memory_space<vmem>>, vector<1x16xi32>,
        %swap3A_585 = vector.shape_cast %swap3A_584 : vector<1x16xi32> to vector<16xi32>
        %swap3A_586 = vector.shape_cast %select_n3A_580 : vector<16xi32> to vector<1x16xi32>
        tpu.vector_store %arg8[%swap3A_582, %swap3A_583], %swap3A_586 {strides = array<i32>} : memref<1x128xi32, #tpu.memory_space<vmem>>, vector<1x16xi32>,
        %get3A_587 = arith.constant 1 : i32
        %get3A_588 = arith.index_cast %get3A_587 : i32 to index
        %get3A_589 = arith.constant 64 : index
        %get3A_590 = tpu.vector_load %arg6[%get3A_588, %get3A_589] {strides = array<i32>} : memref<2x128xi32, #tpu.memory_space<vmem>>, vector<1x16xi32>,
        %get3A_591 = vector.shape_cast %get3A_590 : vector<1x16xi32> to vector<16xi32>
        %ge3A_592 = vector.broadcast %mul3A_0 : i32 to vector<16xi32>
        %ge3A_593 = arith.cmpi sge, %get3A_591, %ge3A_592 : vector<16xi32>
        %lt3A_594 = vector.broadcast %add3A_1 : i32 to vector<16xi32>
        %lt3A_595 = arith.cmpi slt, %get3A_591, %lt3A_594 : vector<16xi32>
        %and3A_596 = arith.andi %ge3A_593, %lt3A_595 : vector<16xi1>
        %sub3A_597 = vector.broadcast %mul3A_0 : i32 to vector<16xi32>
        %sub3A_598 = arith.subi %get3A_591, %sub3A_597 : vector<16xi32>
        %jit3A_599 = arith.constant 25088 : i32
        %broadcast_in_dim3A_600 = vector.broadcast %jit3A_599 : i32 to vector<16xi32>
        %select_n3A_601 = arith.select %and3A_596, %sub3A_598, %broadcast_in_dim3A_600 : vector<16xi1>, vector<16xi32>
        %swap3A_602 = arith.constant 0 : i32
        %swap3A_603 = arith.index_cast %swap3A_602 : i32 to index
        %swap3A_604 = arith.constant 64 : index
        %swap3A_605 = tpu.vector_load %arg8[%swap3A_603, %swap3A_604] {strides = array<i32>} : memref<1x128xi32, #tpu.memory_space<vmem>>, vector<1x16xi32>,
        %swap3A_606 = vector.shape_cast %swap3A_605 : vector<1x16xi32> to vector<16xi32>
        %swap3A_607 = vector.shape_cast %select_n3A_601 : vector<16xi32> to vector<1x16xi32>
        tpu.vector_store %arg8[%swap3A_603, %swap3A_604], %swap3A_607 {strides = array<i32>} : memref<1x128xi32, #tpu.memory_space<vmem>>, vector<1x16xi32>,
        %get3A_608 = arith.constant 1 : i32
        %get3A_609 = arith.index_cast %get3A_608 : i32 to index
        %get3A_610 = arith.constant 80 : index
        %get3A_611 = tpu.vector_load %arg6[%get3A_609, %get3A_610] {strides = array<i32>} : memref<2x128xi32, #tpu.memory_space<vmem>>, vector<1x16xi32>,
        %get3A_612 = vector.shape_cast %get3A_611 : vector<1x16xi32> to vector<16xi32>
        %ge3A_613 = vector.broadcast %mul3A_0 : i32 to vector<16xi32>
        %ge3A_614 = arith.cmpi sge, %get3A_612, %ge3A_613 : vector<16xi32>
        %lt3A_615 = vector.broadcast %add3A_1 : i32 to vector<16xi32>
        %lt3A_616 = arith.cmpi slt, %get3A_612, %lt3A_615 : vector<16xi32>
        %and3A_617 = arith.andi %ge3A_614, %lt3A_616 : vector<16xi1>
        %sub3A_618 = vector.broadcast %mul3A_0 : i32 to vector<16xi32>
        %sub3A_619 = arith.subi %get3A_612, %sub3A_618 : vector<16xi32>
        %jit3A_620 = arith.constant 25088 : i32
        %broadcast_in_dim3A_621 = vector.broadcast %jit3A_620 : i32 to vector<16xi32>
        %select_n3A_622 = arith.select %and3A_617, %sub3A_619, %broadcast_in_dim3A_621 : vector<16xi1>, vector<16xi32>
        %swap3A_623 = arith.constant 0 : i32
        %swap3A_624 = arith.index_cast %swap3A_623 : i32 to index
        %swap3A_625 = arith.constant 80 : index
        %swap3A_626 = tpu.vector_load %arg8[%swap3A_624, %swap3A_625] {strides = array<i32>} : memref<1x128xi32, #tpu.memory_space<vmem>>, vector<1x16xi32>,
        %swap3A_627 = vector.shape_cast %swap3A_626 : vector<1x16xi32> to vector<16xi32>
        %swap3A_628 = vector.shape_cast %select_n3A_622 : vector<16xi32> to vector<1x16xi32>
        tpu.vector_store %arg8[%swap3A_624, %swap3A_625], %swap3A_628 {strides = array<i32>} : memref<1x128xi32, #tpu.memory_space<vmem>>, vector<1x16xi32>,
        %get3A_629 = arith.constant 1 : i32
        %get3A_630 = arith.index_cast %get3A_629 : i32 to index
        %get3A_631 = arith.constant 96 : index
        %get3A_632 = tpu.vector_load %arg6[%get3A_630, %get3A_631] {strides = array<i32>} : memref<2x128xi32, #tpu.memory_space<vmem>>, vector<1x16xi32>,
        %get3A_633 = vector.shape_cast %get3A_632 : vector<1x16xi32> to vector<16xi32>
        %ge3A_634 = vector.broadcast %mul3A_0 : i32 to vector<16xi32>
        %ge3A_635 = arith.cmpi sge, %get3A_633, %ge3A_634 : vector<16xi32>
        %lt3A_636 = vector.broadcast %add3A_1 : i32 to vector<16xi32>
        %lt3A_637 = arith.cmpi slt, %get3A_633, %lt3A_636 : vector<16xi32>
        %and3A_638 = arith.andi %ge3A_635, %lt3A_637 : vector<16xi1>
        %sub3A_639 = vector.broadcast %mul3A_0 : i32 to vector<16xi32>
        %sub3A_640 = arith.subi %get3A_633, %sub3A_639 : vector<16xi32>
        %jit3A_641 = arith.constant 25088 : i32
        %broadcast_in_dim3A_642 = vector.broadcast %jit3A_641 : i32 to vector<16xi32>
        %select_n3A_643 = arith.select %and3A_638, %sub3A_640, %broadcast_in_dim3A_642 : vector<16xi1>, vector<16xi32>
        %swap3A_644 = arith.constant 0 : i32
        %swap3A_645 = arith.index_cast %swap3A_644 : i32 to index
        %swap3A_646 = arith.constant 96 : index
        %swap3A_647 = tpu.vector_load %arg8[%swap3A_645, %swap3A_646] {strides = array<i32>} : memref<1x128xi32, #tpu.memory_space<vmem>>, vector<1x16xi32>,
        %swap3A_648 = vector.shape_cast %swap3A_647 : vector<1x16xi32> to vector<16xi32>
        %swap3A_649 = vector.shape_cast %select_n3A_643 : vector<16xi32> to vector<1x16xi32>
        tpu.vector_store %arg8[%swap3A_645, %swap3A_646], %swap3A_649 {strides = array<i32>} : memref<1x128xi32, #tpu.memory_space<vmem>>, vector<1x16xi32>,
        %get3A_650 = arith.constant 1 : i32
        %get3A_651 = arith.index_cast %get3A_650 : i32 to index
        %get3A_652 = arith.constant 112 : index
        %get3A_653 = tpu.vector_load %arg6[%get3A_651, %get3A_652] {strides = array<i32>} : memref<2x128xi32, #tpu.memory_space<vmem>>, vector<1x16xi32>,
        %get3A_654 = vector.shape_cast %get3A_653 : vector<1x16xi32> to vector<16xi32>
        %ge3A_655 = vector.broadcast %mul3A_0 : i32 to vector<16xi32>
        %ge3A_656 = arith.cmpi sge, %get3A_654, %ge3A_655 : vector<16xi32>
        %lt3A_657 = vector.broadcast %add3A_1 : i32 to vector<16xi32>
        %lt3A_658 = arith.cmpi slt, %get3A_654, %lt3A_657 : vector<16xi32>
        %and3A_659 = arith.andi %ge3A_656, %lt3A_658 : vector<16xi1>
        %sub3A_660 = vector.broadcast %mul3A_0 : i32 to vector<16xi32>
        %sub3A_661 = arith.subi %get3A_654, %sub3A_660 : vector<16xi32>
        %jit3A_662 = arith.constant 25088 : i32
        %broadcast_in_dim3A_663 = vector.broadcast %jit3A_662 : i32 to vector<16xi32>
        %select_n3A_664 = arith.select %and3A_659, %sub3A_661, %broadcast_in_dim3A_663 : vector<16xi1>, vector<16xi32>
        %swap3A_665 = arith.constant 0 : i32
        %swap3A_666 = arith.index_cast %swap3A_665 : i32 to index
        %swap3A_667 = arith.constant 112 : index
        %swap3A_668 = tpu.vector_load %arg8[%swap3A_666, %swap3A_667] {strides = array<i32>} : memref<1x128xi32, #tpu.memory_space<vmem>>, vector<1x16xi32>,
        %swap3A_669 = vector.shape_cast %swap3A_668 : vector<1x16xi32> to vector<16xi32>
        %swap3A_670 = vector.shape_cast %select_n3A_664 : vector<16xi32> to vector<1x16xi32>
        tpu.vector_store %arg8[%swap3A_666, %swap3A_667], %swap3A_670 {strides = array<i32>} : memref<1x128xi32, #tpu.memory_space<vmem>>, vector<1x16xi32>,
        %dma_start3A_671 = arith.constant 0 : i32
        %dma_start3A_672 = arith.constant 0 : i32
        %dma_start3A_673 = tpu.memref_slice %arg6[%dma_start3A_671, %dma_start3A_672] : memref<2x128xi32, #tpu.memory_space<vmem>> -> memref<1x128xi32, #tpu.memory_space<vmem>>
        %dma_start3A_674 = tpu.memref_squeeze %dma_start3A_673 : memref<1x128xi32, #tpu.memory_space<vmem>> -> memref<128xi32, #tpu.memory_space<vmem>>
        %dma_start3A_675 = arith.constant 0 : i32
        %dma_start3A_676 = arith.constant 0 : i32
        %dma_start3A_677 = tpu.memref_slice %arg2[%dma_start3A_675, %dma_start3A_676] : memref<50176x64xf32, #tpu.memory_space<hbm>> -> memref<50176x64xf32, #tpu.memory_space<hbm>>
        tpu.enqueue_indirect_dma source(%dma_start3A_677 : memref<50176x64xf32, #tpu.memory_space<hbm>>) target(%arg10 : memref<128x64xf32, #tpu.memory_space<vmem>>) offsets(%dma_start3A_674 : memref<128xi32, #tpu.memory_space<vmem>>) semaphore(%arg15 : memref<!tpu.dma_semaphore, #tpu.memory_space<semaphore_mem>>)
      } else {
      }
    }
    %scan3A_244 = arith.constant 196 : i32
    %dma_wait3A_245 = arith.constant 0 : i32
    %dma_wait3A_246 = arith.constant 0 : i32
    %dma_wait3A_247 = tpu.memref_slice %arg9[%dma_wait3A_245, %dma_wait3A_246] : memref<1x128xi32, #tpu.memory_space<vmem>> -> memref<1x128xi32, #tpu.memory_space<vmem>>
    %dma_wait3A_248 = tpu.memref_squeeze %dma_wait3A_247 : memref<1x128xi32, #tpu.memory_space<vmem>> -> memref<128xi32, #tpu.memory_space<vmem>>
    %dma_wait3A_249 = arith.constant 0 : i32
    %dma_wait3A_250 = arith.constant 0 : i32
    %dma_wait3A_251 = tpu.memref_slice %arg12[%dma_wait3A_249, %dma_wait3A_250] : memref<25104x64xf32, #tpu.memory_space<vmem_shared>> -> memref<25104x64xf32, #tpu.memory_space<vmem_shared>>
    tpu.wait_indirect_dma semaphore(%arg18 : memref<!tpu.dma_semaphore, #tpu.memory_space<semaphore_mem>>) src(%arg11 : memref<128x64xf32, #tpu.memory_space<vmem>>) dst(%dma_wait3A_251 : memref<25104x64xf32, #tpu.memory_space<vmem_shared>>)
    %barrier3A_252 = arith.constant 0 : index
    tpu.barrier barrier_id(%barrier3A_252)
    %mul3A_253 = arith.constant 1568 : i32
    %mul3A_254 = arith.muli %arg1, %mul3A_253 : i32
    %multiple_of3A = tpu.assume_multiple %mul3A_254, 8 : i32
    %mul3A_255 = arith.constant 1568 : i32
    %mul3A_256 = arith.muli %arg1, %mul3A_255 : i32
    %add3A_257 = arith.addi %mul3A_0, %mul3A_256 : i32
    %multiple_of3A_258 = tpu.assume_multiple %add3A_257, 8 : i32
    "tpu.region"() ({
      %run_scoped3A = tpu.sem_alloc : memref<!tpu.dma_semaphore, #tpu.memory_space<semaphore_mem>>
      %dma_start3A_259 = arith.constant 0 : i32
      %dma_start3A_260 = tpu.memref_slice %arg5[%multiple_of3A_258, %dma_start3A_259] : memref<50176x64xf32, #tpu.memory_space<hbm>> -> memref<1568x64xf32, #tpu.memory_space<hbm>>
      %dma_start3A_261 = arith.constant 0 : i32
      %dma_start3A_262 = tpu.memref_slice %arg12[%multiple_of3A, %dma_start3A_261] : memref<25104x64xf32, #tpu.memory_space<vmem_shared>> -> memref<1568x64xf32, #tpu.memory_space<vmem_shared>>
      tpu.enqueue_dma source(%dma_start3A_262 : memref<1568x64xf32, #tpu.memory_space<vmem_shared>>) target(%dma_start3A_260 : memref<1568x64xf32, #tpu.memory_space<hbm>>) target_semaphore(%run_scoped3A : memref<!tpu.dma_semaphore, #tpu.memory_space<semaphore_mem>>)
      %dma_wait3A_263 = arith.constant 0 : i32
      %dma_wait3A_264 = tpu.memref_slice %arg5[%multiple_of3A_258, %dma_wait3A_263] : memref<50176x64xf32, #tpu.memory_space<hbm>> -> memref<1568x64xf32, #tpu.memory_space<hbm>>
      %dma_wait3A_265 = arith.constant 0 : i32
      %dma_wait3A_266 = tpu.memref_slice %arg12[%multiple_of3A, %dma_wait3A_265] : memref<25104x64xf32, #tpu.memory_space<vmem_shared>> -> memref<1568x64xf32, #tpu.memory_space<vmem_shared>>
      tpu.wait_dma2 semaphore(%run_scoped3A : memref<!tpu.dma_semaphore, #tpu.memory_space<semaphore_mem>>) src(%dma_wait3A_266 : memref<1568x64xf32, #tpu.memory_space<vmem_shared>>) dst(%dma_wait3A_264 : memref<1568x64xf32, #tpu.memory_space<hbm>>)
      tpu.yield
    }) : () -> ()
    return
  }
}

module attributes {stable_mosaic.version = 14 : i64} {
  func.func @body(%arg0: i32, %arg1: memref<1024x1xi32, #tpu.memory_space<vmem>>, %arg2: memref<1024x8xf32, #tpu.memory_space<vmem>>, %arg3: memref<12x64xf32, #tpu.memory_space<vmem>>, %arg4: memref<1x64xf32, #tpu.memory_space<vmem>>, %arg5: memref<64x64xf32, #tpu.memory_space<vmem>>, %arg6: memref<1x64xf32, #tpu.memory_space<vmem>>, %arg7: memref<1024x64xf32, #tpu.memory_space<vmem>>, %arg8: memref<1024x64xf32, #tpu.memory_space<vmem>>) attributes {dimension_semantics = [#tpu.dimension_semantics<arbitrary>], iteration_bounds = array<i64: 49>, scalar_prefetch = 0 : i64, scratch_operands = 0 : i64, tpu.core_type = #tpu.core_type<tc>, window_params = [{transform_indices = @transform_0, window_bounds = array<i64: 1024, 1>}, {transform_indices = @transform_1, window_bounds = array<i64: 1024, 8>}, {pipeline_mode = #tpu.pipeline_mode<synchronous>, transform_indices = @transform_2, window_bounds = array<i64: 12, 64>}, {pipeline_mode = #tpu.pipeline_mode<synchronous>, transform_indices = @transform_3, window_bounds = array<i64: 1, 64>}, {pipeline_mode = #tpu.pipeline_mode<synchronous>, transform_indices = @transform_4, window_bounds = array<i64: 64, 64>}, {pipeline_mode = #tpu.pipeline_mode<synchronous>, transform_indices = @transform_5, window_bounds = array<i64: 1, 64>}, {transform_indices = @transform_6, window_bounds = array<i64: 1024, 64>}, {transform_indices = @transform_7, window_bounds = array<i64: 1024, 64>}]} {
    %get3A = arith.constant 0 : index
    %get3A_0 = arith.constant 0 : index
    %get3A_1 = vector.load %arg1[%get3A, %get3A_0] : memref<1024x1xi32, #tpu.memory_space<vmem>>, vector<1024x1xi32>
    %iota3A = tpu.iota {dimensions = array<i32: 1>} : vector<1024x4xi32>
    %eq3A = vector.broadcast %get3A_1 : vector<1024x1xi32> to vector<1024x4xi32>
    %eq3A_2 = arith.cmpi eq, %eq3A, %iota3A : vector<1024x4xi32>
    %convert_element_type3A = arith.extui %eq3A_2 : vector<1024x4xi1> to vector<1024x4xi32>
    %convert_element_type3A_3 = arith.sitofp %convert_element_type3A : vector<1024x4xi32> to vector<1024x4xf32>
    %get3A_4 = arith.constant 0 : index
    %get3A_5 = arith.constant 0 : index
    %get3A_6 = vector.load %arg2[%get3A_4, %get3A_5] : memref<1024x8xf32, #tpu.memory_space<vmem>>, vector<1024x8xf32>
    %concatenate3A = tpu.concatenate %convert_element_type3A_3, %get3A_6 in 1 : vector<1024x4xf32>, vector<1024x8xf32> -> vector<1024x12xf32>
    %get3A_7 = arith.constant 0 : index
    %get3A_8 = arith.constant 0 : index
    %get3A_9 = vector.load %arg3[%get3A_7, %get3A_8] : memref<12x64xf32, #tpu.memory_space<vmem>>, vector<12x64xf32>
    %dot_general3A = arith.constant dense<0.000000e+00> : vector<1024x64xf32>
    %dot_general3A_10 = tpu.matmul %concatenate3A, %get3A_9, %dot_general3A {dimension_numbers = #tpu.dot_dimension_numbers<[1], [0], [0], [1], [0, 0, 1, 1], [], []>, transpose_lhs_hint = false} : vector<1024x12xf32>, vector<12x64xf32>, vector<1024x64xf32> -> vector<1024x64xf32>
    %get3A_11 = arith.constant 0 : index
    %get3A_12 = arith.constant 0 : index
    %get3A_13 = vector.load %arg4[%get3A_11, %get3A_12] : memref<1x64xf32, #tpu.memory_space<vmem>>, vector<1x64xf32>
    %add3A = vector.broadcast %get3A_13 : vector<1x64xf32> to vector<1024x64xf32>
    %add3A_14 = arith.addf %dot_general3A_10, %add3A : vector<1024x64xf32>
    %max3A = arith.constant 0.000000e+00 : f32
    %max3A_15 = vector.broadcast %max3A : f32 to vector<1024x64xf32>
    %max3A_16 = arith.maximumf %add3A_14, %max3A_15 : vector<1024x64xf32>
    %swap3A = arith.constant 0 : index
    %swap3A_17 = arith.constant 0 : index
    %swap3A_18 = vector.load %arg7[%swap3A, %swap3A_17] : memref<1024x64xf32, #tpu.memory_space<vmem>>, vector<1024x64xf32>
    tpu.vector_store %arg7[%swap3A, %swap3A_17], %max3A_16 {strides = array<i32>} : memref<1024x64xf32, #tpu.memory_space<vmem>>, vector<1024x64xf32>,
    %get3A_19 = arith.constant 0 : index
    %get3A_20 = arith.constant 0 : index
    %get3A_21 = vector.load %arg5[%get3A_19, %get3A_20] : memref<64x64xf32, #tpu.memory_space<vmem>>, vector<64x64xf32>
    %dot_general3A_22 = arith.constant dense<0.000000e+00> : vector<1024x64xf32>
    %dot_general3A_23 = tpu.matmul %max3A_16, %get3A_21, %dot_general3A_22 {dimension_numbers = #tpu.dot_dimension_numbers<[1], [0], [0], [1], [0, 0, 1, 1], [], []>, transpose_lhs_hint = false} : vector<1024x64xf32>, vector<64x64xf32>, vector<1024x64xf32> -> vector<1024x64xf32>
    %get3A_24 = arith.constant 0 : index
    %get3A_25 = arith.constant 0 : index
    %get3A_26 = vector.load %arg6[%get3A_24, %get3A_25] : memref<1x64xf32, #tpu.memory_space<vmem>>, vector<1x64xf32>
    %add3A_27 = vector.broadcast %get3A_26 : vector<1x64xf32> to vector<1024x64xf32>
    %add3A_28 = arith.addf %dot_general3A_23, %add3A_27 : vector<1024x64xf32>
    %max3A_29 = arith.constant 0.000000e+00 : f32
    %max3A_30 = vector.broadcast %max3A_29 : f32 to vector<1024x64xf32>
    %max3A_31 = arith.maximumf %add3A_28, %max3A_30 : vector<1024x64xf32>
    %swap3A_32 = arith.constant 0 : index
    %swap3A_33 = arith.constant 0 : index
    %swap3A_34 = vector.load %arg8[%swap3A_32, %swap3A_33] : memref<1024x64xf32, #tpu.memory_space<vmem>>, vector<1024x64xf32>
    tpu.vector_store %arg8[%swap3A_32, %swap3A_33], %max3A_31 {strides = array<i32>} : memref<1024x64xf32, #tpu.memory_space<vmem>>, vector<1024x64xf32>,
    return
  }
  func.func @transform_0(%arg0: i32) -> (i32, i32) {
    %c0_i32 = arith.constant 0 : i32
    %c0_i32_0 = arith.constant 0 : i32
    return %arg0, %c0_i32 : i32, i32
  }
  func.func @transform_1(%arg0: i32) -> (i32, i32) {
    %c0_i32 = arith.constant 0 : i32
    %c0_i32_0 = arith.constant 0 : i32
    return %arg0, %c0_i32 : i32, i32
  }
  func.func @transform_2(%arg0: i32) -> (i32, i32) {
    %c0_i32 = arith.constant 0 : i32
    %c0_i32_0 = arith.constant 0 : i32
    %c0_i32_1 = arith.constant 0 : i32
    return %c0_i32, %c0_i32_0 : i32, i32
  }
  func.func @transform_3(%arg0: i32) -> (i32, i32) {
    %c0_i32 = arith.constant 0 : i32
    %c0_i32_0 = arith.constant 0 : i32
    %c0_i32_1 = arith.constant 0 : i32
    return %c0_i32, %c0_i32_0 : i32, i32
  }
  func.func @transform_4(%arg0: i32) -> (i32, i32) {
    %c0_i32 = arith.constant 0 : i32
    %c0_i32_0 = arith.constant 0 : i32
    %c0_i32_1 = arith.constant 0 : i32
    return %c0_i32, %c0_i32_0 : i32, i32
  }
  func.func @transform_5(%arg0: i32) -> (i32, i32) {
    %c0_i32 = arith.constant 0 : i32
    %c0_i32_0 = arith.constant 0 : i32
    %c0_i32_1 = arith.constant 0 : i32
    return %c0_i32, %c0_i32_0 : i32, i32
  }
  func.func @transform_6(%arg0: i32) -> (i32, i32) {
    %c0_i32 = arith.constant 0 : i32
    %c0_i32_0 = arith.constant 0 : i32
    return %arg0, %c0_i32 : i32, i32
  }
  func.func @transform_7(%arg0: i32) -> (i32, i32) {
    %c0_i32 = arith.constant 0 : i32
    %c0_i32_0 = arith.constant 0 : i32
    return %arg0, %c0_i32 : i32, i32
  }
}

module attributes {stable_mosaic.version = 14 : i64} {
  func.func @body(%arg0: i32, %arg1: memref<1024x64xf32, #tpu.memory_space<vmem>>, %arg2: memref<1024x64xf32, #tpu.memory_space<vmem>>, %arg3: memref<128x64xf32, #tpu.memory_space<vmem>>, %arg4: memref<1x64xf32, #tpu.memory_space<vmem>>, %arg5: memref<64x64xf32, #tpu.memory_space<vmem>>, %arg6: memref<1x64xf32, #tpu.memory_space<vmem>>, %arg7: memref<1024x64xf32, #tpu.memory_space<vmem>>, %arg8: memref<1024x64xf32, #tpu.memory_space<vmem>>) attributes {dimension_semantics = [#tpu.dimension_semantics<arbitrary>], iteration_bounds = array<i64: 49>, scalar_prefetch = 0 : i64, scratch_operands = 0 : i64, tpu.core_type = #tpu.core_type<tc>, window_params = [{transform_indices = @transform_0, window_bounds = array<i64: 1024, 64>}, {transform_indices = @transform_1, window_bounds = array<i64: 1024, 64>}, {pipeline_mode = #tpu.pipeline_mode<synchronous>, transform_indices = @transform_2, window_bounds = array<i64: 128, 64>}, {pipeline_mode = #tpu.pipeline_mode<synchronous>, transform_indices = @transform_3, window_bounds = array<i64: 1, 64>}, {pipeline_mode = #tpu.pipeline_mode<synchronous>, transform_indices = @transform_4, window_bounds = array<i64: 64, 64>}, {pipeline_mode = #tpu.pipeline_mode<synchronous>, transform_indices = @transform_5, window_bounds = array<i64: 1, 64>}, {transform_indices = @transform_6, window_bounds = array<i64: 1024, 64>}, {transform_indices = @transform_7, window_bounds = array<i64: 1024, 64>}]} {
    %get3A = arith.constant 0 : index
    %get3A_0 = arith.constant 0 : index
    %get3A_1 = vector.load %arg1[%get3A, %get3A_0] : memref<1024x64xf32, #tpu.memory_space<vmem>>, vector<1024x64xf32>
    %get3A_2 = arith.constant 0 : index
    %get3A_3 = arith.constant 0 : index
    %get3A_4 = vector.load %arg2[%get3A_2, %get3A_3] : memref<1024x64xf32, #tpu.memory_space<vmem>>, vector<1024x64xf32>
    %concatenate3A = tpu.concatenate %get3A_1, %get3A_4 in 1 : vector<1024x64xf32>, vector<1024x64xf32> -> vector<1024x128xf32>
    %get3A_5 = arith.constant 0 : index
    %get3A_6 = arith.constant 0 : index
    %get3A_7 = vector.load %arg3[%get3A_5, %get3A_6] : memref<128x64xf32, #tpu.memory_space<vmem>>, vector<128x64xf32>
    %dot_general3A = arith.constant dense<0.000000e+00> : vector<1024x64xf32>
    %dot_general3A_8 = tpu.matmul %concatenate3A, %get3A_7, %dot_general3A {dimension_numbers = #tpu.dot_dimension_numbers<[1], [0], [0], [1], [0, 0, 1, 1], [], []>, transpose_lhs_hint = false} : vector<1024x128xf32>, vector<128x64xf32>, vector<1024x64xf32> -> vector<1024x64xf32>
    %get3A_9 = arith.constant 0 : index
    %get3A_10 = arith.constant 0 : index
    %get3A_11 = vector.load %arg4[%get3A_9, %get3A_10] : memref<1x64xf32, #tpu.memory_space<vmem>>, vector<1x64xf32>
    %add3A = vector.broadcast %get3A_11 : vector<1x64xf32> to vector<1024x64xf32>
    %add3A_12 = arith.addf %dot_general3A_8, %add3A : vector<1024x64xf32>
    %max3A = arith.constant 0.000000e+00 : f32
    %max3A_13 = vector.broadcast %max3A : f32 to vector<1024x64xf32>
    %max3A_14 = arith.maximumf %add3A_12, %max3A_13 : vector<1024x64xf32>
    %swap3A = arith.constant 0 : index
    %swap3A_15 = arith.constant 0 : index
    %swap3A_16 = vector.load %arg7[%swap3A, %swap3A_15] : memref<1024x64xf32, #tpu.memory_space<vmem>>, vector<1024x64xf32>
    tpu.vector_store %arg7[%swap3A, %swap3A_15], %max3A_14 {strides = array<i32>} : memref<1024x64xf32, #tpu.memory_space<vmem>>, vector<1024x64xf32>,
    %get3A_17 = arith.constant 0 : index
    %get3A_18 = arith.constant 0 : index
    %get3A_19 = vector.load %arg5[%get3A_17, %get3A_18] : memref<64x64xf32, #tpu.memory_space<vmem>>, vector<64x64xf32>
    %dot_general3A_20 = arith.constant dense<0.000000e+00> : vector<1024x64xf32>
    %dot_general3A_21 = tpu.matmul %max3A_14, %get3A_19, %dot_general3A_20 {dimension_numbers = #tpu.dot_dimension_numbers<[1], [0], [0], [1], [0, 0, 1, 1], [], []>, transpose_lhs_hint = false} : vector<1024x64xf32>, vector<64x64xf32>, vector<1024x64xf32> -> vector<1024x64xf32>
    %get3A_22 = arith.constant 0 : index
    %get3A_23 = arith.constant 0 : index
    %get3A_24 = vector.load %arg6[%get3A_22, %get3A_23] : memref<1x64xf32, #tpu.memory_space<vmem>>, vector<1x64xf32>
    %add3A_25 = vector.broadcast %get3A_24 : vector<1x64xf32> to vector<1024x64xf32>
    %add3A_26 = arith.addf %dot_general3A_21, %add3A_25 : vector<1024x64xf32>
    %max3A_27 = arith.constant 0.000000e+00 : f32
    %max3A_28 = vector.broadcast %max3A_27 : f32 to vector<1024x64xf32>
    %max3A_29 = arith.maximumf %add3A_26, %max3A_28 : vector<1024x64xf32>
    %swap3A_30 = arith.constant 0 : index
    %swap3A_31 = arith.constant 0 : index
    %swap3A_32 = vector.load %arg8[%swap3A_30, %swap3A_31] : memref<1024x64xf32, #tpu.memory_space<vmem>>, vector<1024x64xf32>
    tpu.vector_store %arg8[%swap3A_30, %swap3A_31], %max3A_29 {strides = array<i32>} : memref<1024x64xf32, #tpu.memory_space<vmem>>, vector<1024x64xf32>,
    return
  }
  func.func @transform_0(%arg0: i32) -> (i32, i32) {
    %c0_i32 = arith.constant 0 : i32
    %c0_i32_0 = arith.constant 0 : i32
    return %arg0, %c0_i32 : i32, i32
  }
  func.func @transform_1(%arg0: i32) -> (i32, i32) {
    %c0_i32 = arith.constant 0 : i32
    %c0_i32_0 = arith.constant 0 : i32
    return %arg0, %c0_i32 : i32, i32
  }
  func.func @transform_2(%arg0: i32) -> (i32, i32) {
    %c0_i32 = arith.constant 0 : i32
    %c0_i32_0 = arith.constant 0 : i32
    %c0_i32_1 = arith.constant 0 : i32
    return %c0_i32, %c0_i32_0 : i32, i32
  }
  func.func @transform_3(%arg0: i32) -> (i32, i32) {
    %c0_i32 = arith.constant 0 : i32
    %c0_i32_0 = arith.constant 0 : i32
    %c0_i32_1 = arith.constant 0 : i32
    return %c0_i32, %c0_i32_0 : i32, i32
  }
  func.func @transform_4(%arg0: i32) -> (i32, i32) {
    %c0_i32 = arith.constant 0 : i32
    %c0_i32_0 = arith.constant 0 : i32
    %c0_i32_1 = arith.constant 0 : i32
    return %c0_i32, %c0_i32_0 : i32, i32
  }
  func.func @transform_5(%arg0: i32) -> (i32, i32) {
    %c0_i32 = arith.constant 0 : i32
    %c0_i32_0 = arith.constant 0 : i32
    %c0_i32_1 = arith.constant 0 : i32
    return %c0_i32, %c0_i32_0 : i32, i32
  }
  func.func @transform_6(%arg0: i32) -> (i32, i32) {
    %c0_i32 = arith.constant 0 : i32
    %c0_i32_0 = arith.constant 0 : i32
    return %arg0, %c0_i32 : i32, i32
  }
  func.func @transform_7(%arg0: i32) -> (i32, i32) {
    %c0_i32 = arith.constant 0 : i32
    %c0_i32_0 = arith.constant 0 : i32
    return %arg0, %c0_i32 : i32, i32
  }
}

module attributes {stable_mosaic.version = 14 : i64} {
  func.func @body(%arg0: i32, %arg1: memref<1024x64xf32, #tpu.memory_space<vmem>>, %arg2: memref<1024x64xf32, #tpu.memory_space<vmem>>, %arg3: memref<1024x8xf32, #tpu.memory_space<vmem>>, %arg4: memref<1024x1xi32, #tpu.memory_space<vmem>>, %arg5: memref<128x64xf32, #tpu.memory_space<vmem>>, %arg6: memref<1x64xf32, #tpu.memory_space<vmem>>, %arg7: memref<64x64xf32, #tpu.memory_space<vmem>>, %arg8: memref<1x64xf32, #tpu.memory_space<vmem>>, %arg9: memref<72x64xf32, #tpu.memory_space<vmem>>, %arg10: memref<1x64xf32, #tpu.memory_space<vmem>>, %arg11: memref<64x64xf32, #tpu.memory_space<vmem>>, %arg12: memref<1x64xf32, #tpu.memory_space<vmem>>, %arg13: memref<64x32xf32, #tpu.memory_space<vmem>>, %arg14: memref<1x32xf32, #tpu.memory_space<vmem>>, %arg15: memref<32x8xf32, #tpu.memory_space<vmem>>, %arg16: memref<1x8xf32, #tpu.memory_space<vmem>>, %arg17: memref<1024x8xf32, #tpu.memory_space<vmem>>) attributes {dimension_semantics = [#tpu.dimension_semantics<arbitrary>], iteration_bounds = array<i64: 49>, scalar_prefetch = 0 : i64, scratch_operands = 0 : i64, tpu.core_type = #tpu.core_type<tc>, window_params = [{transform_indices = @transform_0, window_bounds = array<i64: 1024, 64>}, {transform_indices = @transform_1, window_bounds = array<i64: 1024, 64>}, {transform_indices = @transform_2, window_bounds = array<i64: 1024, 8>}, {transform_indices = @transform_3, window_bounds = array<i64: 1024, 1>}, {pipeline_mode = #tpu.pipeline_mode<synchronous>, transform_indices = @transform_4, window_bounds = array<i64: 128, 64>}, {pipeline_mode = #tpu.pipeline_mode<synchronous>, transform_indices = @transform_5, window_bounds = array<i64: 1, 64>}, {pipeline_mode = #tpu.pipeline_mode<synchronous>, transform_indices = @transform_6, window_bounds = array<i64: 64, 64>}, {pipeline_mode = #tpu.pipeline_mode<synchronous>, transform_indices = @transform_7, window_bounds = array<i64: 1, 64>}, {pipeline_mode = #tpu.pipeline_mode<synchronous>, transform_indices = @transform_8, window_bounds = array<i64: 72, 64>}, {pipeline_mode = #tpu.pipeline_mode<synchronous>, transform_indices = @transform_9, window_bounds = array<i64: 1, 64>}, {pipeline_mode = #tpu.pipeline_mode<synchronous>, transform_indices = @transform_10, window_bounds = array<i64: 64, 64>}, {pipeline_mode = #tpu.pipeline_mode<synchronous>, transform_indices = @transform_11, window_bounds = array<i64: 1, 64>}, {pipeline_mode = #tpu.pipeline_mode<synchronous>, transform_indices = @transform_12, window_bounds = array<i64: 64, 32>}, {pipeline_mode = #tpu.pipeline_mode<synchronous>, transform_indices = @transform_13, window_bounds = array<i64: 1, 32>}, {pipeline_mode = #tpu.pipeline_mode<synchronous>, transform_indices = @transform_14, window_bounds = array<i64: 32, 8>}, {pipeline_mode = #tpu.pipeline_mode<synchronous>, transform_indices = @transform_15, window_bounds = array<i64: 1, 8>}, {transform_indices = @transform_16, window_bounds = array<i64: 1024, 8>}]} {
    %get3A = arith.constant 0 : index
    %get3A_0 = arith.constant 0 : index
    %get3A_1 = vector.load %arg1[%get3A, %get3A_0] : memref<1024x64xf32, #tpu.memory_space<vmem>>, vector<1024x64xf32>
    %get3A_2 = arith.constant 0 : index
    %get3A_3 = arith.constant 0 : index
    %get3A_4 = vector.load %arg2[%get3A_2, %get3A_3] : memref<1024x64xf32, #tpu.memory_space<vmem>>, vector<1024x64xf32>
    %concatenate3A = tpu.concatenate %get3A_1, %get3A_4 in 1 : vector<1024x64xf32>, vector<1024x64xf32> -> vector<1024x128xf32>
    %get3A_5 = arith.constant 0 : index
    %get3A_6 = arith.constant 0 : index
    %get3A_7 = vector.load %arg5[%get3A_5, %get3A_6] : memref<128x64xf32, #tpu.memory_space<vmem>>, vector<128x64xf32>
    %dot_general3A = arith.constant dense<0.000000e+00> : vector<1024x64xf32>
    %dot_general3A_8 = tpu.matmul %concatenate3A, %get3A_7, %dot_general3A {dimension_numbers = #tpu.dot_dimension_numbers<[1], [0], [0], [1], [0, 0, 1, 1], [], []>, transpose_lhs_hint = false} : vector<1024x128xf32>, vector<128x64xf32>, vector<1024x64xf32> -> vector<1024x64xf32>
    %get3A_9 = arith.constant 0 : index
    %get3A_10 = arith.constant 0 : index
    %get3A_11 = vector.load %arg6[%get3A_9, %get3A_10] : memref<1x64xf32, #tpu.memory_space<vmem>>, vector<1x64xf32>
    %add3A = vector.broadcast %get3A_11 : vector<1x64xf32> to vector<1024x64xf32>
    %add3A_12 = arith.addf %dot_general3A_8, %add3A : vector<1024x64xf32>
    %max3A = arith.constant 0.000000e+00 : f32
    %max3A_13 = vector.broadcast %max3A : f32 to vector<1024x64xf32>
    %max3A_14 = arith.maximumf %add3A_12, %max3A_13 : vector<1024x64xf32>
    %get3A_15 = arith.constant 0 : index
    %get3A_16 = arith.constant 0 : index
    %get3A_17 = vector.load %arg7[%get3A_15, %get3A_16] : memref<64x64xf32, #tpu.memory_space<vmem>>, vector<64x64xf32>
    %dot_general3A_18 = arith.constant dense<0.000000e+00> : vector<1024x64xf32>
    %dot_general3A_19 = tpu.matmul %max3A_14, %get3A_17, %dot_general3A_18 {dimension_numbers = #tpu.dot_dimension_numbers<[1], [0], [0], [1], [0, 0, 1, 1], [], []>, transpose_lhs_hint = false} : vector<1024x64xf32>, vector<64x64xf32>, vector<1024x64xf32> -> vector<1024x64xf32>
    %get3A_20 = arith.constant 0 : index
    %get3A_21 = arith.constant 0 : index
    %get3A_22 = vector.load %arg8[%get3A_20, %get3A_21] : memref<1x64xf32, #tpu.memory_space<vmem>>, vector<1x64xf32>
    %add3A_23 = vector.broadcast %get3A_22 : vector<1x64xf32> to vector<1024x64xf32>
    %add3A_24 = arith.addf %dot_general3A_19, %add3A_23 : vector<1024x64xf32>
    %get3A_25 = arith.constant 0 : index
    %get3A_26 = arith.constant 0 : index
    %get3A_27 = vector.load %arg4[%get3A_25, %get3A_26] : memref<1024x1xi32, #tpu.memory_space<vmem>>, vector<1024x1xi32>
    %get3A_28 = arith.constant 0 : index
    %get3A_29 = arith.constant 0 : index
    %get3A_30 = vector.load %arg3[%get3A_28, %get3A_29] : memref<1024x8xf32, #tpu.memory_space<vmem>>, vector<1024x8xf32>
    %eq3A = arith.constant 0 : i32
    %eq3A_31 = vector.broadcast %eq3A : i32 to vector<1024x1xi32>
    %eq3A_32 = arith.cmpi eq, %get3A_27, %eq3A_31 : vector<1024x1xi32>
    %convert_element_type3A = arith.extui %eq3A_32 : vector<1024x1xi1> to vector<1024x1xi32>
    %convert_element_type3A_33 = arith.sitofp %convert_element_type3A : vector<1024x1xi32> to vector<1024x1xf32>
    %mul3A = vector.broadcast %convert_element_type3A_33 : vector<1024x1xf32> to vector<1024x8xf32>
    %mul3A_34 = arith.mulf %get3A_30, %mul3A : vector<1024x8xf32>
    %concatenate3A_35 = tpu.concatenate %add3A_24, %mul3A_34 in 1 : vector<1024x64xf32>, vector<1024x8xf32> -> vector<1024x72xf32>
    %get3A_36 = arith.constant 0 : index
    %get3A_37 = arith.constant 0 : index
    %get3A_38 = vector.load %arg9[%get3A_36, %get3A_37] : memref<72x64xf32, #tpu.memory_space<vmem>>, vector<72x64xf32>
    %dot_general3A_39 = arith.constant dense<0.000000e+00> : vector<1024x64xf32>
    %dot_general3A_40 = tpu.matmul %concatenate3A_35, %get3A_38, %dot_general3A_39 {dimension_numbers = #tpu.dot_dimension_numbers<[1], [0], [0], [1], [0, 0, 1, 1], [], []>, transpose_lhs_hint = false} : vector<1024x72xf32>, vector<72x64xf32>, vector<1024x64xf32> -> vector<1024x64xf32>
    %get3A_41 = arith.constant 0 : index
    %get3A_42 = arith.constant 0 : index
    %get3A_43 = vector.load %arg10[%get3A_41, %get3A_42] : memref<1x64xf32, #tpu.memory_space<vmem>>, vector<1x64xf32>
    %add3A_44 = vector.broadcast %get3A_43 : vector<1x64xf32> to vector<1024x64xf32>
    %add3A_45 = arith.addf %dot_general3A_40, %add3A_44 : vector<1024x64xf32>
    %max3A_46 = arith.constant 0.000000e+00 : f32
    %max3A_47 = vector.broadcast %max3A_46 : f32 to vector<1024x64xf32>
    %max3A_48 = arith.maximumf %add3A_45, %max3A_47 : vector<1024x64xf32>
    %get3A_49 = arith.constant 0 : index
    %get3A_50 = arith.constant 0 : index
    %get3A_51 = vector.load %arg11[%get3A_49, %get3A_50] : memref<64x64xf32, #tpu.memory_space<vmem>>, vector<64x64xf32>
    %dot_general3A_52 = arith.constant dense<0.000000e+00> : vector<1024x64xf32>
    %dot_general3A_53 = tpu.matmul %max3A_48, %get3A_51, %dot_general3A_52 {dimension_numbers = #tpu.dot_dimension_numbers<[1], [0], [0], [1], [0, 0, 1, 1], [], []>, transpose_lhs_hint = false} : vector<1024x64xf32>, vector<64x64xf32>, vector<1024x64xf32> -> vector<1024x64xf32>
    %get3A_54 = arith.constant 0 : index
    %get3A_55 = arith.constant 0 : index
    %get3A_56 = vector.load %arg12[%get3A_54, %get3A_55] : memref<1x64xf32, #tpu.memory_space<vmem>>, vector<1x64xf32>
    %add3A_57 = vector.broadcast %get3A_56 : vector<1x64xf32> to vector<1024x64xf32>
    %add3A_58 = arith.addf %dot_general3A_53, %add3A_57 : vector<1024x64xf32>
    %max3A_59 = arith.constant 0.000000e+00 : f32
    %max3A_60 = vector.broadcast %max3A_59 : f32 to vector<1024x64xf32>
    %max3A_61 = arith.maximumf %add3A_58, %max3A_60 : vector<1024x64xf32>
    %get3A_62 = arith.constant 0 : index
    %get3A_63 = arith.constant 0 : index
    %get3A_64 = vector.load %arg13[%get3A_62, %get3A_63] : memref<64x32xf32, #tpu.memory_space<vmem>>, vector<64x32xf32>
    %dot_general3A_65 = arith.constant dense<0.000000e+00> : vector<1024x32xf32>
    %dot_general3A_66 = tpu.matmul %max3A_61, %get3A_64, %dot_general3A_65 {dimension_numbers = #tpu.dot_dimension_numbers<[1], [0], [0], [1], [0, 0, 1, 1], [], []>, transpose_lhs_hint = false} : vector<1024x64xf32>, vector<64x32xf32>, vector<1024x32xf32> -> vector<1024x32xf32>
    %get3A_67 = arith.constant 0 : index
    %get3A_68 = arith.constant 0 : index
    %get3A_69 = vector.load %arg14[%get3A_67, %get3A_68] : memref<1x32xf32, #tpu.memory_space<vmem>>, vector<1x32xf32>
    %add3A_70 = vector.broadcast %get3A_69 : vector<1x32xf32> to vector<1024x32xf32>
    %add3A_71 = arith.addf %dot_general3A_66, %add3A_70 : vector<1024x32xf32>
    %max3A_72 = arith.constant 0.000000e+00 : f32
    %max3A_73 = vector.broadcast %max3A_72 : f32 to vector<1024x32xf32>
    %max3A_74 = arith.maximumf %add3A_71, %max3A_73 : vector<1024x32xf32>
    %get3A_75 = arith.constant 0 : index
    %get3A_76 = arith.constant 0 : index
    %get3A_77 = vector.load %arg15[%get3A_75, %get3A_76] : memref<32x8xf32, #tpu.memory_space<vmem>>, vector<32x8xf32>
    %dot_general3A_78 = arith.constant dense<0.000000e+00> : vector<1024x8xf32>
    %dot_general3A_79 = tpu.matmul %max3A_74, %get3A_77, %dot_general3A_78 {dimension_numbers = #tpu.dot_dimension_numbers<[1], [0], [0], [1], [0, 0, 1, 1], [], []>, transpose_lhs_hint = false} : vector<1024x32xf32>, vector<32x8xf32>, vector<1024x8xf32> -> vector<1024x8xf32>
    %get3A_80 = arith.constant 0 : index
    %get3A_81 = arith.constant 0 : index
    %get3A_82 = vector.load %arg16[%get3A_80, %get3A_81] : memref<1x8xf32, #tpu.memory_space<vmem>>, vector<1x8xf32>
    %add3A_83 = vector.broadcast %get3A_82 : vector<1x8xf32> to vector<1024x8xf32>
    %add3A_84 = arith.addf %dot_general3A_79, %add3A_83 : vector<1024x8xf32>
    %gt3A = arith.constant 0 : i32
    %gt3A_85 = vector.broadcast %gt3A : i32 to vector<1024x1xi32>
    %gt3A_86 = arith.cmpi sgt, %get3A_27, %gt3A_85 : vector<1024x1xi32>
    %convert_element_type3A_87 = arith.extui %gt3A_86 : vector<1024x1xi1> to vector<1024x1xi32>
    %convert_element_type3A_88 = arith.sitofp %convert_element_type3A_87 : vector<1024x1xi32> to vector<1024x1xf32>
    %mul3A_89 = vector.broadcast %convert_element_type3A_88 : vector<1024x1xf32> to vector<1024x8xf32>
    %mul3A_90 = arith.mulf %add3A_84, %mul3A_89 : vector<1024x8xf32>
    %add3A_91 = arith.addf %get3A_30, %mul3A_90 : vector<1024x8xf32>
    %swap3A = arith.constant 0 : index
    %swap3A_92 = arith.constant 0 : index
    %swap3A_93 = vector.load %arg17[%swap3A, %swap3A_92] : memref<1024x8xf32, #tpu.memory_space<vmem>>, vector<1024x8xf32>
    tpu.vector_store %arg17[%swap3A, %swap3A_92], %add3A_91 {strides = array<i32>} : memref<1024x8xf32, #tpu.memory_space<vmem>>, vector<1024x8xf32>,
    return
  }
  func.func @transform_0(%arg0: i32) -> (i32, i32) {
    %c0_i32 = arith.constant 0 : i32
    %c0_i32_0 = arith.constant 0 : i32
    return %arg0, %c0_i32 : i32, i32
  }
  func.func @transform_1(%arg0: i32) -> (i32, i32) {
    %c0_i32 = arith.constant 0 : i32
    %c0_i32_0 = arith.constant 0 : i32
    return %arg0, %c0_i32 : i32, i32
  }
  func.func @transform_2(%arg0: i32) -> (i32, i32) {
    %c0_i32 = arith.constant 0 : i32
    %c0_i32_0 = arith.constant 0 : i32
    return %arg0, %c0_i32 : i32, i32
  }
  func.func @transform_3(%arg0: i32) -> (i32, i32) {
    %c0_i32 = arith.constant 0 : i32
    %c0_i32_0 = arith.constant 0 : i32
    return %arg0, %c0_i32 : i32, i32
  }
  func.func @transform_4(%arg0: i32) -> (i32, i32) {
    %c0_i32 = arith.constant 0 : i32
    %c0_i32_0 = arith.constant 0 : i32
    %c0_i32_1 = arith.constant 0 : i32
    return %c0_i32, %c0_i32_0 : i32, i32
  }
  func.func @transform_5(%arg0: i32) -> (i32, i32) {
    %c0_i32 = arith.constant 0 : i32
    %c0_i32_0 = arith.constant 0 : i32
    %c0_i32_1 = arith.constant 0 : i32
    return %c0_i32, %c0_i32_0 : i32, i32
  }
  func.func @transform_6(%arg0: i32) -> (i32, i32) {
    %c0_i32 = arith.constant 0 : i32
    %c0_i32_0 = arith.constant 0 : i32
    %c0_i32_1 = arith.constant 0 : i32
    return %c0_i32, %c0_i32_0 : i32, i32
  }
  func.func @transform_7(%arg0: i32) -> (i32, i32) {
    %c0_i32 = arith.constant 0 : i32
    %c0_i32_0 = arith.constant 0 : i32
    %c0_i32_1 = arith.constant 0 : i32
    return %c0_i32, %c0_i32_0 : i32, i32
  }
  func.func @transform_8(%arg0: i32) -> (i32, i32) {
    %c0_i32 = arith.constant 0 : i32
    %c0_i32_0 = arith.constant 0 : i32
    %c0_i32_1 = arith.constant 0 : i32
    return %c0_i32, %c0_i32_0 : i32, i32
  }
  func.func @transform_9(%arg0: i32) -> (i32, i32) {
    %c0_i32 = arith.constant 0 : i32
    %c0_i32_0 = arith.constant 0 : i32
    %c0_i32_1 = arith.constant 0 : i32
    return %c0_i32, %c0_i32_0 : i32, i32
  }
  func.func @transform_10(%arg0: i32) -> (i32, i32) {
    %c0_i32 = arith.constant 0 : i32
    %c0_i32_0 = arith.constant 0 : i32
    %c0_i32_1 = arith.constant 0 : i32
    return %c0_i32, %c0_i32_0 : i32, i32
  }
  func.func @transform_11(%arg0: i32) -> (i32, i32) {
    %c0_i32 = arith.constant 0 : i32
    %c0_i32_0 = arith.constant 0 : i32
    %c0_i32_1 = arith.constant 0 : i32
    return %c0_i32, %c0_i32_0 : i32, i32
  }
  func.func @transform_12(%arg0: i32) -> (i32, i32) {
    %c0_i32 = arith.constant 0 : i32
    %c0_i32_0 = arith.constant 0 : i32
    %c0_i32_1 = arith.constant 0 : i32
    return %c0_i32, %c0_i32_0 : i32, i32
  }
  func.func @transform_13(%arg0: i32) -> (i32, i32) {
    %c0_i32 = arith.constant 0 : i32
    %c0_i32_0 = arith.constant 0 : i32
    %c0_i32_1 = arith.constant 0 : i32
    return %c0_i32, %c0_i32_0 : i32, i32
  }
  func.func @transform_14(%arg0: i32) -> (i32, i32) {
    %c0_i32 = arith.constant 0 : i32
    %c0_i32_0 = arith.constant 0 : i32
    %c0_i32_1 = arith.constant 0 : i32
    return %c0_i32, %c0_i32_0 : i32, i32
  }
  func.func @transform_15(%arg0: i32) -> (i32, i32) {
    %c0_i32 = arith.constant 0 : i32
    %c0_i32_0 = arith.constant 0 : i32
    %c0_i32_1 = arith.constant 0 : i32
    return %c0_i32, %c0_i32_0 : i32, i32
  }
  func.func @transform_16(%arg0: i32) -> (i32, i32) {
    %c0_i32 = arith.constant 0 : i32
    %c0_i32_0 = arith.constant 0 : i32
    return %arg0, %c0_i32 : i32, i32
  }
}

</mosaic_0001>

<sc_bundles>
// kernel: kernel.10.cloned.1.call-start
scs
__scs_entry_jumppad:
0x0: {  	(pc) =	sbr.rel $0x88, $3  }
0x1: {  	(tag) =	ssettag $0x0;
	lr =	simm.s32 $0x1  }
0x2: {  	[smem:$0x3F87] =	sst lr;
	_ =	strace $0xD0000000  }
0x3: {  	_ = 	snop  }
0x4: {  	_ = 	snop  }
0x5: {  	_ = 	snop  }
0x6: {  	_ = 	snop  }
0x7: {  	_ = 	snop  }
__scs_overlays_trampoline_lowered:
0x8: {  	[smem:$0x3F96] =	sst s0  }
0x9: {  	[smem:$0x3F97] =	sst s1  }
0xa: {  	[smem:$0x3F98] =	sst s2  }
0xb: {  	[smem:$0x3F99] =	sst s3  }
0xc: {  	[smem:$0x3F9A] =	sst s4  }
0xd: {  	[smem:$0x3F9B] =	sst s5  }
0xe: {  	[smem:$0x3F9C] =	sst s6  }
0xf: {  	[smem:$0x3F9D] =	sst s7  }
0x10: {  	[smem:$0x3F9E] =	sst s8  }
0x11: {  	[smem:$0x3F9F] =	sst s9;
	s0 =	simm.s32 @!p0 $0x0  }
0x12: {  	s1 =	sld [smem:$0x3F85];
	s0 =	simm.s32 @p0 $0x1  }
0x13: {  	[smem:$0x3FA0] =	sst s0;
	s0 =	simm.s32 @!p1 $0x0  }
0x14: {  	s2 =	sld [smem:$0x3F84];
	s0 =	simm.s32 @p1 $0x1  }
0x15: {  	[smem:$0x3FA1] =	sst s0;
	s0 =	simm.s32 @!p2 $0x0  }
0x16: {  	s3 =	sld [smem:$0x3FDB];
	s0 =	simm.s32 @p2 $0x1  }
0x17: {  	s4 =	simm.s32 $0x1BF5;
	[smem:$0x3FA3] =	sst s0  }
0x18: {  	s0 =	sld [smem:$0x3F86];
	_ =	swait.ge [sflag:s4], $0x0  }
0x19: {  	s7 =	sld [smem:$0x3F87]  }
0x1a: {  	s8 =	sadd.s32 $0xFFFFE003, lr  }
0x1b: {  	s9 =	sadd.s32 $0xFFFFFEF7, lr;
	s5 =	simm.s32 $0xFFFFFFFF;
	p2 =	slt.u32 s8, $0xFFFFF086  }
0x1c: {  	p1 =	slt.u32 s9, $0xF7A;
	s5 =	simm.s32 @!p2 $0x0  }
0x1d: {  	s5 =	simm.s32 @p1 $0x1;
	p0 =	seq.s32 s7, s2  }
0x1e: {  	s7 =	smul.u32 @!p0 $0xF7A, s2;
	p2 =	seq.s32 @!p0 s5, $0x0  }
0x1f: {  	s9 =	smul.u32 $0xF7A, s1;
	s8 =	simm.s32 @!p0 $0x1BF5;
	p2 =	por !p2, p0  }
0x20: {  	[sflag:s8] =	ssyncset.s32 @!p0 $0xFFFFF086;
	s6 =	sadd.s32 @!p0 s3, s7;
	s7 =	simm.s32 @!p0 $0x108  }
0x21: {  	s3 =	sadd.s32 s3, s9;
	s6 =	sadd.s32 @!p0 $0x88, s6;
	s7 =	simm.s32 @p2 $0x1082  }
0x22: {  	[simem:s7], [sflag:s8] =	dma.local @!p0 [hbm:s6], $0xF7A  }
0x23: {  	s9 =	sor.u32 $0xD0000000, s2;
	s6 =	simm.s32 $0x108;
	_ =	swait.ge @!p0 [sflag:s8], $0x0  }
0x24: {  	s3 =	sadd.s32 $0x88, s3;
	s6 =	simm.s32 @!p1 $0x1082;
	[sflag:s4] =	ssyncset.s32 $0xFFFFF086  }
0x25: {  	[simem:s6], [sflag:s4] =	dma.local [hbm:s3], $0xF7A  }
0x26: {  	[smem:$0x3F87] =	sst s1;
	(tag) =	ssettag s2;
	_ =	strace s9  }
0x27: {  	s1 =	sld [smem:$0x3F97]  }
0x28: {  	s2 =	sld [smem:$0x3F98]  }
0x29: {  	s4 =	sld [smem:$0x3F9A]  }
0x2a: {  	p0 =	seq.s32 s5, $0x0;
	s5 =	sld [smem:$0x3F9B]  }
0x2b: {  	s6 =	sld [smem:$0x3F9C]  }
0x2c: {  	s7 =	sld [smem:$0x3F9D]  }
0x2d: {  	s3 =	simm.s32 $0x108;
	s8 =	sld [smem:$0x3F9E]  }
0x2e: {  	s3 =	simm.s32 @!p0 $0x1082;
	s9 =	sld [smem:$0x3F9F]  }
0x2f: {  	lr =	sadd.s32 s0, s3;
	s0 =	sld [smem:$0x3F96]  }
0x30: {  	s3 =	sld [smem:$0x3F99]  }
0x31: {  	[smem:$0x3FA2] =	sst s10  }
0x32: {  	s10 =	sld [smem:$0x3FA0];
	_ =	sdelay $0x3  }
0x33: {  	p0 =	seq.s32 s10, $0x1;
	s10 =	sld [smem:$0x3FA2];
	_ =	sdelay $0x3  }
0x34: {  	[smem:$0x3FA2] =	sst s10  }
0x35: {  	s10 =	sld [smem:$0x3FA1];
	_ =	sdelay $0x3  }
0x36: {  	p1 =	seq.s32 s10, $0x1;
	s10 =	sld [smem:$0x3FA2];
	_ =	sdelay $0x3  }
0x37: {  	[smem:$0x3FA2] =	sst s10  }
0x38: {  	s10 =	sld [smem:$0x3FA3]  }
0x39: {  	_ = 	snop;
	(pc) =	sbr.ind lr, $3  }
0x3a: {  	_ = 	snop  }
0x3b: {  	_ = 	snop  }
0x3c: {  	p2 =	seq.s32 s10, $0x1;
	s10 =	sld [smem:$0x3FA2]  }
0x3d: {  	_ =	shalt  }
0x3e: {  	_ =	shalt  }
0x3f: {  	_ =	shalt  }
0x40: {  	_ =	shalt  }
0x41: {  	_ =	shalt  }
0x42: {  	_ =	shalt  }
0x43: {  	_ =	shalt  }
0x44: {  	_ =	shalt  }
0x45: {  	_ =	shalt  }
0x46: {  	_ =	shalt  }
0x47: {  	_ =	shalt  }
0x48: {  	_ =	shalt  }
0x49: {  	_ =	shalt  }
0x4a: {  	_ =	shalt  }
0x4b: {  	_ =	shalt  }
0x4c: {  	_ =	shalt  }
0x4d: {  	_ =	shalt  }
0x4e: {  	_ =	shalt  }
0x4f: {  	_ =	shalt  }
0x50: {  	_ =	shalt  }
0x51: {  	_ =	shalt  }
0x52: {  	_ =	shalt  }
0x53: {  	_ =	shalt  }
0x54: {  	_ =	shalt  }
0x55: {  	_ =	shalt  }
0x56: {  	_ =	shalt  }
0x57: {  	_ =	shalt  }
0x58: {  	_ =	shalt  }
0x59: {  	_ =	shalt  }
0x5a: {  	_ =	shalt  }
0x5b: {  	_ =	shalt  }
0x5c: {  	_ =	shalt  }
0x5d: {  	_ =	shalt  }
0x5e: {  	_ =	shalt  }
0x5f: {  	_ =	shalt  }
0x60: {  	_ =	shalt  }
0x61: {  	_ =	shalt  }
0x62: {  	_ =	shalt  }
0x63: {  	_ =	shalt  }
0x64: {  	_ =	shalt  }
0x65: {  	_ =	shalt  }
0x66: {  	_ =	shalt  }
0x67: {  	_ =	shalt  }
0x68: {  	_ =	shalt  }
0x69: {  	_ =	shalt  }
0x6a: {  	_ =	shalt  }
0x6b: {  	_ =	shalt  }
0x6c: {  	_ =	shalt  }
0x6d: {  	_ =	shalt  }
0x6e: {  	_ =	shalt  }
0x6f: {  	_ =	shalt  }
0x70: {  	_ =	shalt  }
0x71: {  	_ =	shalt  }
0x72: {  	_ =	shalt  }
0x73: {  	_ =	shalt  }
0x74: {  	_ =	shalt  }
0x75: {  	_ =	shalt  }
0x76: {  	_ =	shalt  }
0x77: {  	_ =	shalt  }
0x78: {  	_ =	shalt  }
0x79: {  	_ =	shalt  }
0x7a: {  	_ =	shalt  }
0x7b: {  	_ =	shalt  }
0x7c: {  	_ =	shalt  }
0x7d: {  	_ =	shalt  }
0x7e: {  	_ =	shalt  }
0x7f: {  	_ =	shalt  }
0x80: {  	_ =	shalt  }
0x81: {  	_ =	shalt  }
0x82: {  	_ =	shalt  }
0x83: {  	_ =	shalt  }
0x84: {  	_ =	shalt  }
0x85: {  	_ =	shalt  }
0x86: {  	_ =	shalt  }
0x87: {  	_ =	shalt  }
.Lfunc_end0:
.L_simem_size_0:
called_computation.1_lowered:
.L_overlay_start_0:
0x88: {  	s2 =	sld [smem:$0x3FD9]  }
0x89: {  	s3 =	sld [smem:$0x3FFE];
	_ =	sdelay $0x1  }
0x8a: {  	s1 =	srdreg.scid  }
0x8b: {  	s0 =	sand.u32 $0x1, s1  }
0x8c: {  	s14 =	sshll.u32 s0, $0xA;
	s2 =	sadd.s32 s3, s2  }
0x8d: {  	s2 =	sadd.s32 s2, s14  }
0x8e: {  	[smem:$0x3FAE] =	sst s2  }
0x8f: {  	_ = 	snop  }
0x90: {  	s2 =	sld [smem:$0x3FD0];
	_ =	sdelay $0x2  }
0x91: {  	s15 =	simm.s32 $0xA;
	s4 =	simm.s32 $0x10  }
0x92: {  	[smem:s4], [sflag:s15] =	dma.local [hbm:s2], $0x1  }
0x93: {  	_ =	swait.eq [sflag:s15], $0x1  }
0x94: {  	[sflag:s15] =	ssyncset.done $0x0  }
0x95: {  	[sflag:s15] =	ssyncadd.s32 $0xFFFFFFFF  }
0x96: {  	s16 =	sld [smem:$0x10];
	(tm) =	ssettm $0x1  }
0x97: {  	s17 =	sld [smem:$0x3FFB];
	_ =	sdelay $0x3  }
0x98: {  	_ =	strace s17  }
0x99: {  	s3 =	sld [smem:$0x3FFC];
	_ =	sdelay $0x3  }
0x9a: {  	_ =	strace s3  }
0x9b: {  	s3 =	sld [smem:$0x3FFD];
	_ =	sdelay $0x3  }
0x9c: {  	_ =	strace s3  }
0x9d: {  	_ =	strace $0x8FFFFFFF  }
0x9e: {  	s18 =	sld [smem:$0x3FDB];
	_ =	sdelay $0x1  }
0x9f: {  	s19 =	simm.s32 $_scs_section_size  }
0xa0: {  	s5 =	simm.s32 $_size__tile_overlayer_lowered;
	s6 =	simm.s32 $_tile_overlayer_lowered  }
0xa1: {  	s22 =	simm.s32 $0x1BFF;
	s21 =	sshll.u32 s6, $0x1;
	s3 =	sadd.s32 s19, s18  }
0xa2: {  	s7 =	simm.s32 $0x0;
	s20 =	sshll.u32 s5, $0x1;
	s5 =	sadd.s32 s21, s3  }
0xa3: {  	[timem:s7], [sflag:s22] =	dma.local [hbm:s5], s20  }
0xa4: {  	_ =	swait.ge [sflag:s22], s20  }
0xa5: {  	s4 =	ssub.s32 $0x0, s20;
	[sflag:s22] =	ssyncset.done $0x0  }
0xa6: {  	[sflag:s22] =	ssyncadd.s32 s4;
	_ =	sdelay $0x1  }
0xa7: {  	s23 =	simm.s32 $0x1B8B  }
0xa8: {  	_ =	swait.ge [sflag:s23], $0x1  }
0xa9: {  	[sflag:s23] =	ssyncset.done $0x0  }
0xaa: {  	s25 =	simm.s32 $0x1B8E;
	s24 =	sld [smem:$0x3FFE];
	[sflag:s23] =	ssyncadd.s32 $0xFFFFFFFF  }
0xab: {  	s26 =	simm.s32 $execute0_lowered;
	[smem:$0x3FD2] =	sst s25  }
0xac: {  	s5 =	sshll.u32 s26, $0x1;
	_ =	strace $0x80000049;
	[dreg:$0x1] =	wrdreg $0xFFFFFFFF  }
0xad: {  	s28 =	simm.s32 $_size_execute0_lowered;
	s3 =	sadd.s32 s3, s5;
	[dreg:$0x0] =	wrdreg $0x0  }
0xae: {  	s5 =	sshll.u32 s28, $0x1;
	[dreg:$0x2] =	wrdreg s3  }
0xaf: {  	[dreg:$0x3] =	wrdreg s5  }
0xb0: {  	[dreg:$0x4] =	wrdreg $0xC0  }
0xb1: {  	_ =	task [dreg:s7], $0x5FFFF  }
0xb2: {  	[dreg:$0x1] =	wrdreg $0xFFFFFFFF  }
0xb3: {  	[dreg:$0x0] =	wrdreg $0x60  }
0xb4: {  	[dreg:$0x2] =	wrdreg s24  }
0xb5: {  	[dreg:$0x3] =	wrdreg s16  }
0xb6: {  	[dreg:$0x4] =	wrdreg $0x43000  }
0xb7: {  	[dreg:$0x5] =	wrdreg $0x9  }
0xb8: {  	_ =	task.clear_ibuf [dreg:s7], $0x6FFFF;
	_ =	strace $0x90000049  }
0xb9: {  	s29 =	simm.s32 $0x9;
	_ =	strace $0x8000004B  }
0xba: {  	_ =	swait.ge [sflag:s29], $0x1  }
0xbb: {  	[sflag:s29] =	ssyncadd.s32 $0xFFFFFFFF  }
0xbc: {  	_ =	strace $0x9000004B  }
0xbd: {  	_ =	sfence  }
0xbe: {  	s30 =	sld [smem:$0x0];
	_ =	sdelay $0x2  }
0xbf: {  	s31 =	sshll.u32 s1, $0xD;
	s1 =	sshrl.u32 s1, $0x2  }
0xc0: {  	s3 =	sand.u32 $0x4000, s31;
	s1 =	sadd.s32 s1, s30  }
0xc1: {  	s0 =	sor.u32 s3, s0;
	s1 =	sshll.u32 s1, $0x11  }
0xc2: {  	s0 =	sor.u32 s1, s0  }
0xc3: {  	s0 =	sadd.s32 $0x8F2B, s0  }
0xc4: {  	[sflag:s0] =	ssyncadd.remote.s32 $0x1  }
0xc5: {  	_ =	sfence.sel $0xFFFF  }
0xc6: {  	[dreg:$0x0] =	wrdreg $0xFFFFFFFF;
	(pc) =	sbr.abs _section_cstart, $3  }
0xc7: {  	[dreg:$0x1] =	wrdreg $0xFFFFFFFF  }
0xc8: {  	_ =	task.clear_ibuf [dreg:s7], $0x2FFFF;
	_ =	strace $0x9FFFFFFF  }
0xc9: {  	(tm) =	ssettm $0x7FFFFFFF  }
tec
execute0_lowered:
.L_overlay_start_1:
0x0: {  	(tag) =	ssettag $0x1  }
0x1: {  	s0 =	rddreg [dreg:$0x0];
	s5 =	stileid.u32  }
0x2: {  	s1 =	srdreg.scid;
	s3 =	rddreg [dreg:$0x2];
	s4 =	simm.s32 $0x0  }
0x3: {  	s24 =	simm.s32 $0x300;
	s28 =	simm.s32 $0x80;
	s2 =	smul.u32 $0x3100, s5  }
0x4: {  	s29 =	simm.s32 $0x100;
	s30 =	simm.s32 $0x3;
	s6 =	smul.u32 $0x620, s5  }
0x5: {  	s31 =	simm.s32 $0x200;
	s1 =	sand.u32 $0x1, s1;
	s7 =	smul.u32 $0x62000, s5  }
0x6: {  	[smem:$0x7FF] =	sst s4;
	s5 =	sadd.s32 $0x3E00, s0;
	s8 =	smul.u32 $0x6200, s1  }
0x7: {  	_ =	strace $0x8000004A;
	s1 =	ssub.s32 $0x2, s1;
	s2 =	sadd.s32 s2, s0  }
0x8: {  	s7 =	sshrl.u32 s7, $0x2;
	s9 =	sshrl.u32 s1, $0x1;
	s6 =	sadd.s32 s6, s8  }
0x9: {  	s1 =	ssub.s32 s1, s9;
	s13 =	sadd.s32 $0x6200, s8;
	s20 =	sadd.s32 $0x65E00, s2  }
0xa: {  	s21 =	sadd.s32 $0x65E20, s2;
	s2 =	simm.s32 $0x2300;
	s6 =	sshll.u32 s6, $0x3  }
0xb: {  	v0 =	vmov s8;
	s8 =	simm.s32 $0x5;
	s0 =	sadd.s32 s6, s0;
	s6 =	sadd.s32 s7, s3  }
0xc: {  	s23 =	smax.u32 s1, $0x1;
	s1 =	simm.s32 $0x2;
	s7 =	sadd.s32 $0x1C00, s6  }
0xd: {  	s25 =	sadd.s32 $0x3800, s6;
	s26 =	sadd.s32 $0x5400, s6;
	s9 =	sadd.s32 $0x7000, s6  }
0xe: {  	s10 =	sadd.s32 $0x8C00, s6;
	s11 =	sadd.s32 $0xA800, s6;
	[dreg:$0x4] =	wrdreg s7  }
0xf: {  	s12 =	sadd.s32 $0xC400, s6;
	s14 =	sadd.s32 $0xE000, s6;
	[dreg:$0x5] =	wrdreg s25  }
0x10: {  	s15 =	sadd.s32 $0xFC00, s6;
	s16 =	sadd.s32 $0x11800, s6;
	[dreg:$0x6] =	wrdreg s26  }
.Ltmp0:
0x11: {  	s17 =	sadd.s32 $0x13400, s6;
	[dreg:$0x7] =	wrdreg s9;
	(pc) =	sbr.rel .LBB2_1-.Ltmp0, $4  }
0x12: {  	s18 =	sadd.s32 $0x15000, s6;
	s19 =	sadd.s32 $0x16C00, s6;
	[dreg:$0x8] =	wrdreg s10  }
0x13: {  	s22 =	sadd.s32 $0x24F400, s0;
	s0 =	simm.s32 $0x4;
	[dreg:$0x9] =	wrdreg s11  }
0x14: {  	[dreg:$0xa] =	wrdreg s12;
	s25 =	simm.s32 $0x7;
	s26 =	simm.s32 $0x1  }
0x15: {  	v1 =	vmov s13;
	s7 =	simm.s32 $0x280;
	s9 =	simm.s32 $0x6;
	s10 =	simm.s32 $0x0  }
.LBB2_4:
0x16: {  	_ =	swait.ge [sflag:s8], $0x2000  }
0x17: {  	[sflag:s8] =	ssyncset.done $0x0  }
0x18: {  	[sflag:s8] =	ssyncadd.s32 $0xFFFFE000  }
0x19: {  	s11 =	stileid.u32;
	_ =	swait.ge [sflag:s9], $0x2000  }
0x1a: {  	s12 =	sshrl.u32 s6, $0x3;
	s10 =	sadd.s32 $0x1, s10;
	[sflag:s9] =	ssyncset.done $0x0  }
0x1b: {  	s11 =	sshll.u32 s11, $0x6;
	p0 =	sne.s32 s10, s23;
	[sflag:s9] =	ssyncadd.s32 $0xFFFFE000  }
.Ltmp1:
0x1c: {  	s11 =	sor.u32 $0x1C07, s11;
	[bflag:$0x0] =	sbarrier.arrive $0xFFFF;
	(pc) =	sbr.rel @!p0 .LBB2_5-.Ltmp1, $4  }
0x1d: {  	[hbm:s22], [sflag:s11] =	dma.local [spmem:s12], $0x3100  }
0x1e: {  	_ =	swait.ge [sflag:s25], $0x3100  }
0x1f: {  	[sflag:s25] =	ssyncset.done $0x0  }
0x20: {  	[sflag:s25] =	ssyncadd.s32 $0xFFFFCF00  }
.LBB2_1:
0x21: {  	s11 =	rddreg [dreg:$0x1]  }
0x22: {  	[tilespmem:s24], [sflag:$0x7] =	stream.linear.gather [hbm4b:s11+s4], $0x1C00, $0x38;
	[tilespmem:$0x1CB40] =	vst v63  }
0x23: {  	_ =	swait.ge [sflag:s25], $0x1C00  }
0x24: {  	[sflag:s25] =	ssyncset.done $0x0  }
0x25: {  	[sflag:s25] =	ssyncadd.s32 $0xFFFFE400  }
0x26: {  	[spmem:s6] =	stream.linear.scatter [tilespmem:s24], [sflag:$0x7], $0x1C00, $0x38;
	[tilespmem:$0x1CB40] =	vst v63  }
0x27: {  	_ =	swait.ge [sflag:s25], $0x1C00  }
0x28: {  	[sflag:s25] =	ssyncset.done $0x0  }
0x29: {  	s13 =	rddreg [dreg:$0x4];
	[sflag:s25] =	ssyncadd.s32 $0xFFFFE400  }
0x2a: {  	[spmem:s13] =	stream.linear.scatter [tilespmem:s24], [sflag:$0x7], $0x1C00, $0x38;
	[tilespmem:$0x1CB40] =	vst v63  }
0x2b: {  	_ =	swait.ge [sflag:s25], $0x1C00  }
0x2c: {  	[sflag:s25] =	ssyncset.done $0x0  }
0x2d: {  	s12 =	rddreg [dreg:$0x5];
	[sflag:s25] =	ssyncadd.s32 $0xFFFFE400  }
0x2e: {  	[spmem:s12] =	stream.linear.scatter [tilespmem:s24], [sflag:$0x7], $0x1C00, $0x38;
	[tilespmem:$0x1CB40] =	vst v63  }
0x2f: {  	_ =	swait.ge [sflag:s25], $0x1C00  }
0x30: {  	[sflag:s25] =	ssyncset.done $0x0  }
0x31: {  	s13 =	rddreg [dreg:$0x6];
	[sflag:s25] =	ssyncadd.s32 $0xFFFFE400  }
0x32: {  	[spmem:s13] =	stream.linear.scatter [tilespmem:s24], [sflag:$0x7], $0x1C00, $0x38;
	[tilespmem:$0x1CB40] =	vst v63  }
0x33: {  	_ =	swait.ge [sflag:s25], $0x1C00  }
0x34: {  	[sflag:s25] =	ssyncset.done $0x0  }
0x35: {  	s12 =	rddreg [dreg:$0x7];
	[sflag:s25] =	ssyncadd.s32 $0xFFFFE400  }
0x36: {  	[spmem:s12] =	stream.linear.scatter [tilespmem:s24], [sflag:$0x7], $0x1C00, $0x38;
	[tilespmem:$0x1CB40] =	vst v63  }
0x37: {  	_ =	swait.ge [sflag:s25], $0x1C00  }
0x38: {  	[sflag:s25] =	ssyncset.done $0x0  }
0x39: {  	s13 =	rddreg [dreg:$0x8];
	[sflag:s25] =	ssyncadd.s32 $0xFFFFE400  }
0x3a: {  	[spmem:s13] =	stream.linear.scatter [tilespmem:s24], [sflag:$0x7], $0x1C00, $0x38;
	[tilespmem:$0x1CB40] =	vst v63  }
0x3b: {  	_ =	swait.ge [sflag:s25], $0x1C00  }
0x3c: {  	[sflag:s25] =	ssyncset.done $0x0  }
0x3d: {  	s12 =	rddreg [dreg:$0x9];
	[sflag:s25] =	ssyncadd.s32 $0xFFFFE400  }
0x3e: {  	[spmem:s12] =	stream.linear.scatter [tilespmem:s24], [sflag:$0x7], $0x1C00, $0x38;
	[tilespmem:$0x1CB40] =	vst v63  }
0x3f: {  	_ =	swait.ge [sflag:s25], $0x1C00  }
0x40: {  	[sflag:s25] =	ssyncset.done $0x0  }
0x41: {  	s13 =	rddreg [dreg:$0xa];
	[sflag:s25] =	ssyncadd.s32 $0xFFFFE400  }
0x42: {  	[spmem:s13] =	stream.linear.scatter [tilespmem:s24], [sflag:$0x7], $0x1C00, $0x38;
	[tilespmem:$0x1CB40] =	vst v63  }
0x43: {  	_ =	swait.ge [sflag:s25], $0x1C00  }
0x44: {  	[sflag:s25] =	ssyncset.done $0x0  }
0x45: {  	[sflag:s25] =	ssyncadd.s32 $0xFFFFE400  }
0x46: {  	[spmem:s14] =	stream.linear.scatter [tilespmem:s24], [sflag:$0x7], $0x1C00, $0x38;
	[tilespmem:$0x1CB40] =	vst v63  }
0x47: {  	_ =	swait.ge [sflag:s25], $0x1C00  }
0x48: {  	[sflag:s25] =	ssyncset.done $0x0  }
0x49: {  	[sflag:s25] =	ssyncadd.s32 $0xFFFFE400  }
0x4a: {  	[spmem:s15] =	stream.linear.scatter [tilespmem:s24], [sflag:$0x7], $0x1C00, $0x38;
	[tilespmem:$0x1CB40] =	vst v63  }
0x4b: {  	_ =	swait.ge [sflag:s25], $0x1C00  }
0x4c: {  	[sflag:s25] =	ssyncset.done $0x0  }
0x4d: {  	[sflag:s25] =	ssyncadd.s32 $0xFFFFE400  }
0x4e: {  	[spmem:s16] =	stream.linear.scatter [tilespmem:s24], [sflag:$0x7], $0x1C00, $0x38;
	[tilespmem:$0x1CB40] =	vst v63  }
0x4f: {  	_ =	swait.ge [sflag:s25], $0x1C00  }
0x50: {  	[sflag:s25] =	ssyncset.done $0x0  }
0x51: {  	[sflag:s25] =	ssyncadd.s32 $0xFFFFE400  }
0x52: {  	[spmem:s17] =	stream.linear.scatter [tilespmem:s24], [sflag:$0x7], $0x1C00, $0x38;
	[tilespmem:$0x1CB40] =	vst v63  }
0x53: {  	_ =	swait.ge [sflag:s25], $0x1C00  }
0x54: {  	[sflag:s25] =	ssyncset.done $0x0  }
0x55: {  	[sflag:s25] =	ssyncadd.s32 $0xFFFFE400  }
0x56: {  	[spmem:s18] =	stream.linear.scatter [tilespmem:s24], [sflag:$0x7], $0x1C00, $0x38;
	[tilespmem:$0x1CB40] =	vst v63  }
0x57: {  	_ =	swait.ge [sflag:s25], $0x1C00  }
0x58: {  	[sflag:s25] =	ssyncset.done $0x0  }
0x59: {  	[sflag:s25] =	ssyncadd.s32 $0xFFFFE400  }
0x5a: {  	[spmem:s19] =	stream.linear.scatter [tilespmem:s24], [sflag:$0x7], $0x1C00, $0x38;
	[tilespmem:$0x1CB40] =	vst v63  }
0x5b: {  	_ =	swait.ge [sflag:s25], $0x1C00  }
0x5c: {  	[sflag:s25] =	ssyncset.done $0x0  }
0x5d: {  	[sflag:s25] =	ssyncadd.s32 $0xFFFFE400  }
0x5e: {  	[bflag:$0x0] =	sbarrier.arrive $0xFFFF  }
0x5f: {  	[tilespmem:s4], [sflag:$0x1] =	stream.linear.gather [hbm4b:s20+s4], $0x100, $0x38;
	[tilespmem:$0x1CB40] =	vst v63  }
0x60: {  	_ =	swait.ge [sflag:s26], $0x100  }
0x61: {  	[sflag:s26] =	ssyncset.done $0x0  }
0x62: {  	[sflag:s26] =	ssyncadd.s32 $0xFFFFFF00  }
0x63: {  	v2 =	vld [tilespmem:$0x80]  }
0x64: {  	v3 =	vld [tilespmem:$0x90]  }
0x65: {  	v4 =	vld [tilespmem:$0xA0]  }
0x66: {  	v5 =	vld [tilespmem:$0xB0]  }
0x67: {  	v6 =	vld [tilespmem:$0xC0]  }
0x68: {  	v7 =	vld [tilespmem:$0xD0]  }
0x69: {  	v8 =	vld [tilespmem:$0xE0];
	vm0 =	vge.s32 v2, v0;
	vm1 =	vlt.s32 v2, v1;
	v2 =	vsub.s32 v2, v0  }
0x6a: {  	vm12 =	vge.s32 v3, v0;
	vm2 =	vlt.s32 v3, v1;
	v3 =	vsub.s32 v3, v0  }
0x6b: {  	vm14 =	vge.s32 v4, v0;
	vm15 =	vlt.s32 v4, v1;
	vm4 =	vge.s32 v5, v0  }
0x6c: {  	vm5 =	vlt.s32 v5, v1;
	v4 =	vsub.s32 v4, v0;
	v5 =	vsub.s32 v5, v0  }
0x6d: {  	vm6 =	vge.s32 v6, v0;
	vm7 =	vlt.s32 v6, v1;
	vm8 =	vge.s32 v7, v0  }
0x6e: {  	v9 =	vld [tilespmem:$0xF0];
	vm3 =	vlt.s32 v7, v1;
	vm10 =	vge.s32 v8, v0;
	vm0 =	vmand vm0, vm1  }
0x6f: {  	vm11 =	vlt.s32 v8, v1;
	vm13 =	vmand vm12, vm2;
	v2 =	vnsel vm0, $0x6200, v2  }
0x70: {  	vm1 =	vmand vm4, vm5;
	vm9 =	vmand vm8, vm3;
	v3 =	vnsel vm13, $0x6200, v3;
	[tilespmem:$0x200] =	vst v2  }
0x71: {  	vm12 =	vmand vm10, vm11;
	vm0 =	vmand vm14, vm15;
	v5 =	vnsel vm1, $0x6200, v5;
	[tilespmem:$0x210] =	vst v3  }
0x72: {  	v4 =	vnsel vm0, $0x6200, v4;
	vm0 =	vmand vm6, vm7;
	v2 =	vsub.s32 v6, v0;
	[tilespmem:$0x230] =	vst v5  }
0x73: {  	vm13 =	vge.s32 v9, v0;
	v3 =	vsub.s32 v7, v0;
	[tilespmem:$0x220] =	vst v4;
	v2 =	vnsel vm0, $0x6200, v2  }
0x74: {  	vm14 =	vlt.s32 v9, v1;
	v3 =	vnsel vm9, $0x6200, v3;
	[tilespmem:$0x240] =	vst v2;
	v2 =	vsub.s32 v8, v0  }
0x75: {  	vm15 =	vmand vm13, vm14;
	[tilespmem:$0x250] =	vst v3;
	v3 =	vsub.s32 v9, v0;
	v2 =	vnsel vm12, $0x6200, v2  }
0x76: {  	[tilespmem:$0x260] =	vst v2;
	v2 =	vnsel vm15, $0x6200, v3  }
0x77: {  	[tilespmem:$0x270] =	vst v2  }
0x78: {  	[tilespmem:s24], [sflag:$0x3] =	stream.indirect.gather [hbm4b:s5+s28], $0x40, s4, s28, $0xb8;
	[tilespmem:$0x1CB40] =	vst v63  }
0x79: {  	s11 =	simm.s32 $0x0  }
0x7a: {  	[tilespmem:s29], [sflag:$0x2] =	stream.linear.gather [hbm4b:s21+s4], $0x100, $0x38;
	[tilespmem:$0x1CB40] =	vst v63  }
.LBB2_2:
0x7b: {  	_ =	swait.ge [sflag:s30], $0x2000  }
0x7c: {  	p0 =	seq.s32 s11, $0x30C0;
	[sflag:s30] =	ssyncset.done $0x0  }
0x7d: {  	s12 =	sadd.s32 @!p0 s11, s20;
	[sflag:s30] =	ssyncadd.s32 $0xFFFFE000  }
0x7e: {  	[spmem:s3] =	stream.indirect.scatter.add.f32 [tilespmem:s24], [sflag:$0x5], $0x40, s31, s28, $0xb8;
	[tilespmem:$0x1CB40] =	vst v63  }
0x7f: {  	s13 =	simm.s32 @!p0 $0x0;
	s12 =	sadd.s32 @!p0 $0x40, s12  }
0x80: {  	[tilespmem:s13], [sflag:$0x1] =	stream.linear.gather @!p0 [hbm4b:s12+s13], $0x100, $0x38;
	[tilespmem:$0x1CB40] =	vst v63  }
0x81: {  	_ =	swait.ge [sflag:s1], $0x100  }
0x82: {  	p1 =	seq.s32 s11, $0x0;
	[sflag:s1] =	ssyncset.done $0x0  }
0x83: {  	s12 =	simm.s32 @!p1 $0x6;
	[sflag:s1] =	ssyncadd.s32 $0xFFFFFF00  }
0x84: {  	_ =	swait.ge @!p1 [sflag:s12], $0x2000  }
0x85: {  	[sflag:s12] =	ssyncset.done @!p1 $0x0  }
0x86: {  	[sflag:s12] =	ssyncadd.s32 @!p1 $0xFFFFE000  }
0x87: {  	v2 =	vld [tilespmem:$0x180]  }
0x88: {  	v3 =	vld [tilespmem:$0x190]  }
0x89: {  	v4 =	vld [tilespmem:$0x1A0]  }
0x8a: {  	v5 =	vld [tilespmem:$0x1B0]  }
0x8b: {  	v6 =	vld [tilespmem:$0x1C0]  }
0x8c: {  	v7 =	vld [tilespmem:$0x1D0]  }
0x8d: {  	v8 =	vld [tilespmem:$0x1E0];
	vm0 =	vge.s32 v2, v0;
	vm1 =	vlt.s32 v2, v1;
	v2 =	vsub.s32 v2, v0  }
0x8e: {  	vm12 =	vge.s32 v3, v0;
	vm2 =	vlt.s32 v3, v1;
	v3 =	vsub.s32 v3, v0  }
0x8f: {  	vm14 =	vge.s32 v4, v0;
	vm15 =	vlt.s32 v4, v1;
	vm4 =	vge.s32 v5, v0  }
0x90: {  	vm5 =	vlt.s32 v5, v1;
	v4 =	vsub.s32 v4, v0;
	v5 =	vsub.s32 v5, v0  }
0x91: {  	vm6 =	vge.s32 v6, v0;
	vm7 =	vlt.s32 v6, v1;
	vm8 =	vge.s32 v7, v0  }
0x92: {  	v9 =	vld [tilespmem:$0x1F0];
	vm3 =	vlt.s32 v7, v1;
	vm10 =	vge.s32 v8, v0;
	vm0 =	vmand vm0, vm1  }
0x93: {  	vm11 =	vlt.s32 v8, v1;
	vm13 =	vmand vm12, vm2;
	v2 =	vnsel vm0, $0x6200, v2  }
0x94: {  	vm1 =	vmand vm4, vm5;
	vm9 =	vmand vm8, vm3;
	v3 =	vnsel vm13, $0x6200, v3;
	[tilespmem:$0x280] =	vst v2  }
0x95: {  	vm12 =	vmand vm10, vm11;
	vm0 =	vmand vm14, vm15;
	v5 =	vnsel vm1, $0x6200, v5;
	[tilespmem:$0x290] =	vst v3  }
0x96: {  	v4 =	vnsel vm0, $0x6200, v4;
	vm0 =	vmand vm6, vm7;
	v2 =	vsub.s32 v6, v0;
	[tilespmem:$0x2B0] =	vst v5  }
0x97: {  	vm13 =	vge.s32 v9, v0;
	v3 =	vsub.s32 v7, v0;
	[tilespmem:$0x2A0] =	vst v4;
	v2 =	vnsel vm0, $0x6200, v2  }
0x98: {  	vm14 =	vlt.s32 v9, v1;
	v3 =	vnsel vm9, $0x6200, v3;
	[tilespmem:$0x2C0] =	vst v2;
	v2 =	vsub.s32 v8, v0  }
0x99: {  	vm15 =	vmand vm13, vm14;
	[tilespmem:$0x2D0] =	vst v3;
	v3 =	vsub.s32 v9, v0;
	v2 =	vnsel vm12, $0x6200, v2  }
0x9a: {  	[tilespmem:$0x2E0] =	vst v2;
	v2 =	vnsel vm15, $0x6200, v3  }
0x9b: {  	[tilespmem:$0x2F0] =	vst v2  }
0x9c: {  	[tilespmem:s2], [sflag:$0x4] =	stream.indirect.gather [hbm4b:s5+s28], $0x40, s29, s28, $0xb8;
	[tilespmem:$0x1CB40] =	vst v63  }
.Ltmp2:
0x9d: {  	_ = 	snop;
	(pc) =	sbr.rel @p0 .LBB2_4-.Ltmp2, $4  }
0x9e: {  	_ =	swait.ge [sflag:s0], $0x2000  }
0x9f: {  	[sflag:s0] =	ssyncset.done $0x0  }
0xa0: {  	[sflag:s0] =	ssyncadd.s32 $0xFFFFE000  }
0xa1: {  	[spmem:s3] =	stream.indirect.scatter.add.f32 [tilespmem:s2], [sflag:$0x6], $0x40, s7, s28, $0xb8;
	[tilespmem:$0x1CB40] =	vst v63  }
0xa2: {  	s12 =	sadd.s32 s11, s20  }
0xa3: {  	s12 =	sadd.s32 $0x60, s12  }
0xa4: {  	[tilespmem:s29], [sflag:$0x2] =	stream.linear.gather [hbm4b:s12+s4], $0x100, $0x38;
	[tilespmem:$0x1CB40] =	vst v63  }
0xa5: {  	_ =	swait.ge [sflag:s8], $0x2000  }
0xa6: {  	[sflag:s8] =	ssyncset.done $0x0  }
0xa7: {  	[sflag:s8] =	ssyncadd.s32 $0xFFFFE000  }
0xa8: {  	_ =	swait.ge [sflag:s26], $0x100  }
0xa9: {  	[sflag:s26] =	ssyncset.done $0x0  }
0xaa: {  	[sflag:s26] =	ssyncadd.s32 $0xFFFFFF00  }
0xab: {  	v2 =	vld [tilespmem:$0x80]  }
0xac: {  	v3 =	vld [tilespmem:$0x90]  }
0xad: {  	v4 =	vld [tilespmem:$0xA0]  }
0xae: {  	v5 =	vld [tilespmem:$0xB0]  }
0xaf: {  	v6 =	vld [tilespmem:$0xC0]  }
0xb0: {  	v7 =	vld [tilespmem:$0xD0]  }
0xb1: {  	v8 =	vld [tilespmem:$0xE0];
	vm0 =	vge.s32 v2, v0;
	vm1 =	vlt.s32 v2, v1;
	v2 =	vsub.s32 v2, v0  }
0xb2: {  	vm12 =	vge.s32 v3, v0;
	vm2 =	vlt.s32 v3, v1;
	v3 =	vsub.s32 v3, v0  }
0xb3: {  	vm14 =	vge.s32 v4, v0;
	vm15 =	vlt.s32 v4, v1;
	vm4 =	vge.s32 v5, v0  }
0xb4: {  	vm5 =	vlt.s32 v5, v1;
	v4 =	vsub.s32 v4, v0;
	v5 =	vsub.s32 v5, v0  }
0xb5: {  	vm6 =	vge.s32 v6, v0;
	vm7 =	vlt.s32 v6, v1;
	vm8 =	vge.s32 v7, v0  }
0xb6: {  	v9 =	vld [tilespmem:$0xF0];
	vm3 =	vlt.s32 v7, v1;
	vm10 =	vge.s32 v8, v0;
	vm0 =	vmand vm0, vm1  }
0xb7: {  	vm11 =	vlt.s32 v8, v1;
	vm13 =	vmand vm12, vm2;
	v2 =	vnsel vm0, $0x6200, v2  }
0xb8: {  	vm1 =	vmand vm4, vm5;
	vm9 =	vmand vm8, vm3;
	v3 =	vnsel vm13, $0x6200, v3;
	[tilespmem:$0x200] =	vst v2  }
0xb9: {  	vm12 =	vmand vm10, vm11;
	vm0 =	vmand vm14, vm15;
	v5 =	vnsel vm1, $0x6200, v5;
	[tilespmem:$0x210] =	vst v3  }
0xba: {  	v4 =	vnsel vm0, $0x6200, v4;
	vm0 =	vmand vm6, vm7;
	v2 =	vsub.s32 v6, v0;
	[tilespmem:$0x230] =	vst v5  }
0xbb: {  	vm13 =	vge.s32 v9, v0;
	v3 =	vsub.s32 v7, v0;
	[tilespmem:$0x220] =	vst v4;
	v2 =	vnsel vm0, $0x6200, v2  }
.Ltmp3:
0xbc: {  	vm14 =	vlt.s32 v9, v1;
	v3 =	vnsel vm9, $0x6200, v3;
	[tilespmem:$0x240] =	vst v2;
	v2 =	vsub.s32 v8, v0;
	(pc) =	sbr.rel .LBB2_2-.Ltmp3, $4  }
0xbd: {  	vm15 =	vmand vm13, vm14;
	[tilespmem:$0x250] =	vst v3;
	v3 =	vsub.s32 v9, v0;
	v2 =	vnsel vm12, $0x6200, v2  }
0xbe: {  	[tilespmem:$0x260] =	vst v2;
	v2 =	vnsel vm15, $0x6200, v3  }
0xbf: {  	s11 =	sadd.s32 $0x40, s11;
	[tilespmem:$0x270] =	vst v2  }
0xc0: {  	[tilespmem:s24], [sflag:$0x3] =	stream.indirect.gather [hbm4b:s5+s28], $0x40, s4, s28, $0xb8;
	[tilespmem:$0x1CB40] =	vst v63  }
.LBB2_5:
0xc1: {  	_ =	sfence.sel $0x180000  }
0xc2: {  	[bflag:$0x0] =	sbarrier.arrive $0xFFFF  }
0xc3: {  	_ =	strace $0x9000004A  }
0xc4: {  	s0 =	stileid.u32;
	[bflag:$0x2] =	sbarrier.arrive $0xFFFF  }
0xc5: {  	p0 =	sne.s32 s0, $0x0;
	s0 =	rddreg [dreg:$0x3]  }
0xc6: {  	s0 =	sadd.s32 @!p0 $0x100000, s0  }
0xc7: {  	[sflag:s0] =	ssyncadd.tile.s32 @!p0 $0x1;
	_ =	shalt  }
.Lfunc_end2:
_tile_overlayer_lowered:
.L_overlay_start_2:
0xc8: {  	(tag) =	ssettag $0x2  }
0xc9: {  	s0 =	rddreg [dreg:$0x0];
	s2 =	stileid.u32  }
0xca: {  	s1 =	rddreg [dreg:$0x1];
	p0 =	sne.s32 s2, $0x0  }
0xcb: {  	s3 =	rddreg [dreg:$0x2];
	[bflag:$0x3] =	sbarrier.arrive $0xFFFF;
	s2 =	simm.s32 @!p0 $0x1C07  }
0xcc: {  	[timem:s3], [sflag:s2] =	dma.local @!p0 [hbm:s0], s1  }
0xcd: {  	s0 =	simm.s32 @!p0 $0x7  }
0xce: {  	_ =	swait.ge @!p0 [sflag:s0], s1  }
0xcf: {  	s1 =	ssub.s32 @!p0 $0x0, s1;
	[sflag:s0] =	ssyncset.done @!p0 $0x0  }
0xd0: {  	[sflag:s0] =	ssyncadd.s32 @!p0 s1  }
0xd1: {  	[bflag:$0x3] =	sbarrier.arrive $0xFFFF  }
0xd2: {  	_ =	shalt  }

// kernel: kernel.7.cloned.1.call-start
scs
__scs_entry_jumppad:
0x0: {  	(pc) =	sbr.rel $0x88, $3  }
0x1: {  	(tag) =	ssettag $0x0;
	lr =	simm.s32 $0x1  }
0x2: {  	[smem:$0x3F87] =	sst lr;
	_ =	strace $0xD0000000  }
0x3: {  	_ = 	snop  }
0x4: {  	_ = 	snop  }
0x5: {  	_ = 	snop  }
0x6: {  	_ = 	snop  }
0x7: {  	_ = 	snop  }
__scs_overlays_trampoline_lowered:
0x8: {  	[smem:$0x3F96] =	sst s0  }
0x9: {  	[smem:$0x3F97] =	sst s1  }
0xa: {  	[smem:$0x3F98] =	sst s2  }
0xb: {  	[smem:$0x3F99] =	sst s3  }
0xc: {  	[smem:$0x3F9A] =	sst s4  }
0xd: {  	[smem:$0x3F9B] =	sst s5  }
0xe: {  	[smem:$0x3F9C] =	sst s6  }
0xf: {  	[smem:$0x3F9D] =	sst s7  }
0x10: {  	[smem:$0x3F9E] =	sst s8  }
0x11: {  	[smem:$0x3F9F] =	sst s9;
	s0 =	simm.s32 @!p0 $0x0  }
0x12: {  	s1 =	sld [smem:$0x3F85];
	s0 =	simm.s32 @p0 $0x1  }
0x13: {  	[smem:$0x3FA0] =	sst s0;
	s0 =	simm.s32 @!p1 $0x0  }
0x14: {  	s2 =	sld [smem:$0x3F84];
	s0 =	simm.s32 @p1 $0x1  }
0x15: {  	[smem:$0x3FA1] =	sst s0;
	s0 =	simm.s32 @!p2 $0x0  }
0x16: {  	s3 =	sld [smem:$0x3FDB];
	s0 =	simm.s32 @p2 $0x1  }
0x17: {  	s4 =	simm.s32 $0x1BF5;
	[smem:$0x3FA3] =	sst s0  }
0x18: {  	s0 =	sld [smem:$0x3F86];
	_ =	swait.ge [sflag:s4], $0x0  }
0x19: {  	s7 =	sld [smem:$0x3F87]  }
0x1a: {  	s8 =	sadd.s32 $0xFFFFE003, lr  }
0x1b: {  	s9 =	sadd.s32 $0xFFFFFEF7, lr;
	s5 =	simm.s32 $0xFFFFFFFF;
	p2 =	slt.u32 s8, $0xFFFFF086  }
0x1c: {  	p1 =	slt.u32 s9, $0xF7A;
	s5 =	simm.s32 @!p2 $0x0  }
0x1d: {  	s5 =	simm.s32 @p1 $0x1;
	p0 =	seq.s32 s7, s2  }
0x1e: {  	s7 =	smul.u32 @!p0 $0xF7A, s2;
	p2 =	seq.s32 @!p0 s5, $0x0  }
0x1f: {  	s9 =	smul.u32 $0xF7A, s1;
	s8 =	simm.s32 @!p0 $0x1BF5;
	p2 =	por !p2, p0  }
0x20: {  	[sflag:s8] =	ssyncset.s32 @!p0 $0xFFFFF086;
	s6 =	sadd.s32 @!p0 s3, s7;
	s7 =	simm.s32 @!p0 $0x108  }
0x21: {  	s3 =	sadd.s32 s3, s9;
	s6 =	sadd.s32 @!p0 $0x88, s6;
	s7 =	simm.s32 @p2 $0x1082  }
0x22: {  	[simem:s7], [sflag:s8] =	dma.local @!p0 [hbm:s6], $0xF7A  }
0x23: {  	s9 =	sor.u32 $0xD0000000, s2;
	s6 =	simm.s32 $0x108;
	_ =	swait.ge @!p0 [sflag:s8], $0x0  }
0x24: {  	s3 =	sadd.s32 $0x88, s3;
	s6 =	simm.s32 @!p1 $0x1082;
	[sflag:s4] =	ssyncset.s32 $0xFFFFF086  }
0x25: {  	[simem:s6], [sflag:s4] =	dma.local [hbm:s3], $0xF7A  }
0x26: {  	[smem:$0x3F87] =	sst s1;
	(tag) =	ssettag s2;
	_ =	strace s9  }
0x27: {  	s1 =	sld [smem:$0x3F97]  }
0x28: {  	s2 =	sld [smem:$0x3F98]  }
0x29: {  	s4 =	sld [smem:$0x3F9A]  }
0x2a: {  	p0 =	seq.s32 s5, $0x0;
	s5 =	sld [smem:$0x3F9B]  }
0x2b: {  	s6 =	sld [smem:$0x3F9C]  }
0x2c: {  	s7 =	sld [smem:$0x3F9D]  }
0x2d: {  	s3 =	simm.s32 $0x108;
	s8 =	sld [smem:$0x3F9E]  }
0x2e: {  	s3 =	simm.s32 @!p0 $0x1082;
	s9 =	sld [smem:$0x3F9F]  }
0x2f: {  	lr =	sadd.s32 s0, s3;
	s0 =	sld [smem:$0x3F96]  }
0x30: {  	s3 =	sld [smem:$0x3F99]  }
0x31: {  	[smem:$0x3FA2] =	sst s10  }
0x32: {  	s10 =	sld [smem:$0x3FA0];
	_ =	sdelay $0x3  }
0x33: {  	p0 =	seq.s32 s10, $0x1;
	s10 =	sld [smem:$0x3FA2];
	_ =	sdelay $0x3  }
0x34: {  	[smem:$0x3FA2] =	sst s10  }
0x35: {  	s10 =	sld [smem:$0x3FA1];
	_ =	sdelay $0x3  }
0x36: {  	p1 =	seq.s32 s10, $0x1;
	s10 =	sld [smem:$0x3FA2];
	_ =	sdelay $0x3  }
0x37: {  	[smem:$0x3FA2] =	sst s10  }
0x38: {  	s10 =	sld [smem:$0x3FA3]  }
0x39: {  	_ = 	snop;
	(pc) =	sbr.ind lr, $3  }
0x3a: {  	_ = 	snop  }
0x3b: {  	_ = 	snop  }
0x3c: {  	p2 =	seq.s32 s10, $0x1;
	s10 =	sld [smem:$0x3FA2]  }
0x3d: {  	_ =	shalt  }
0x3e: {  	_ =	shalt  }
0x3f: {  	_ =	shalt  }
0x40: {  	_ =	shalt  }
0x41: {  	_ =	shalt  }
0x42: {  	_ =	shalt  }
0x43: {  	_ =	shalt  }
0x44: {  	_ =	shalt  }
0x45: {  	_ =	shalt  }
0x46: {  	_ =	shalt  }
0x47: {  	_ =	shalt  }
0x48: {  	_ =	shalt  }
0x49: {  	_ =	shalt  }
0x4a: {  	_ =	shalt  }
0x4b: {  	_ =	shalt  }
0x4c: {  	_ =	shalt  }
0x4d: {  	_ =	shalt  }
0x4e: {  	_ =	shalt  }
0x4f: {  	_ =	shalt  }
0x50: {  	_ =	shalt  }
0x51: {  	_ =	shalt  }
0x52: {  	_ =	shalt  }
0x53: {  	_ =	shalt  }
0x54: {  	_ =	shalt  }
0x55: {  	_ =	shalt  }
0x56: {  	_ =	shalt  }
0x57: {  	_ =	shalt  }
0x58: {  	_ =	shalt  }
0x59: {  	_ =	shalt  }
0x5a: {  	_ =	shalt  }
0x5b: {  	_ =	shalt  }
0x5c: {  	_ =	shalt  }
0x5d: {  	_ =	shalt  }
0x5e: {  	_ =	shalt  }
0x5f: {  	_ =	shalt  }
0x60: {  	_ =	shalt  }
0x61: {  	_ =	shalt  }
0x62: {  	_ =	shalt  }
0x63: {  	_ =	shalt  }
0x64: {  	_ =	shalt  }
0x65: {  	_ =	shalt  }
0x66: {  	_ =	shalt  }
0x67: {  	_ =	shalt  }
0x68: {  	_ =	shalt  }
0x69: {  	_ =	shalt  }
0x6a: {  	_ =	shalt  }
0x6b: {  	_ =	shalt  }
0x6c: {  	_ =	shalt  }
0x6d: {  	_ =	shalt  }
0x6e: {  	_ =	shalt  }
0x6f: {  	_ =	shalt  }
0x70: {  	_ =	shalt  }
0x71: {  	_ =	shalt  }
0x72: {  	_ =	shalt  }
0x73: {  	_ =	shalt  }
0x74: {  	_ =	shalt  }
0x75: {  	_ =	shalt  }
0x76: {  	_ =	shalt  }
0x77: {  	_ =	shalt  }
0x78: {  	_ =	shalt  }
0x79: {  	_ =	shalt  }
0x7a: {  	_ =	shalt  }
0x7b: {  	_ =	shalt  }
0x7c: {  	_ =	shalt  }
0x7d: {  	_ =	shalt  }
0x7e: {  	_ =	shalt  }
0x7f: {  	_ =	shalt  }
0x80: {  	_ =	shalt  }
0x81: {  	_ =	shalt  }
0x82: {  	_ =	shalt  }
0x83: {  	_ =	shalt  }
0x84: {  	_ =	shalt  }
0x85: {  	_ =	shalt  }
0x86: {  	_ =	shalt  }
0x87: {  	_ =	shalt  }
.Lfunc_end0:
.L_simem_size_0:
called_computation_lowered:
.L_overlay_start_0:
0x88: {  	s2 =	sld [smem:$0x3FD9]  }
0x89: {  	s3 =	sld [smem:$0x3FFE];
	_ =	sdelay $0x1  }
0x8a: {  	s1 =	srdreg.scid  }
0x8b: {  	s0 =	sand.u32 $0x1, s1  }
0x8c: {  	s14 =	sshll.u32 s0, $0xA;
	s2 =	sadd.s32 s3, s2  }
0x8d: {  	s2 =	sadd.s32 s2, s14  }
0x8e: {  	[smem:$0x3FAE] =	sst s2  }
0x8f: {  	_ = 	snop  }
0x90: {  	s2 =	sld [smem:$0x3FD0];
	_ =	sdelay $0x2  }
0x91: {  	s15 =	simm.s32 $0xA;
	s4 =	simm.s32 $0x10  }
0x92: {  	[smem:s4], [sflag:s15] =	dma.local [hbm:s2], $0x1  }
0x93: {  	_ =	swait.eq [sflag:s15], $0x1  }
0x94: {  	[sflag:s15] =	ssyncset.done $0x0  }
0x95: {  	[sflag:s15] =	ssyncadd.s32 $0xFFFFFFFF  }
0x96: {  	s16 =	sld [smem:$0x10];
	(tm) =	ssettm $0x1  }
0x97: {  	s17 =	sld [smem:$0x3FFB];
	_ =	sdelay $0x3  }
0x98: {  	_ =	strace s17  }
0x99: {  	s3 =	sld [smem:$0x3FFC];
	_ =	sdelay $0x3  }
0x9a: {  	_ =	strace s3  }
0x9b: {  	s3 =	sld [smem:$0x3FFD];
	_ =	sdelay $0x3  }
0x9c: {  	_ =	strace s3  }
0x9d: {  	_ =	strace $0x8FFFFFFF  }
0x9e: {  	s18 =	sld [smem:$0x3FDB];
	_ =	sdelay $0x1  }
0x9f: {  	s19 =	simm.s32 $_scs_section_size  }
0xa0: {  	s5 =	simm.s32 $_size__tile_overlayer_lowered;
	s6 =	simm.s32 $_tile_overlayer_lowered  }
0xa1: {  	s22 =	simm.s32 $0x1BFF;
	s21 =	sshll.u32 s6, $0x1;
	s3 =	sadd.s32 s19, s18  }
0xa2: {  	s7 =	simm.s32 $0x0;
	s20 =	sshll.u32 s5, $0x1;
	s5 =	sadd.s32 s21, s3  }
0xa3: {  	[timem:s7], [sflag:s22] =	dma.local [hbm:s5], s20  }
0xa4: {  	_ =	swait.ge [sflag:s22], s20  }
0xa5: {  	s4 =	ssub.s32 $0x0, s20;
	[sflag:s22] =	ssyncset.done $0x0  }
0xa6: {  	[sflag:s22] =	ssyncadd.s32 s4;
	_ =	sdelay $0x1  }
0xa7: {  	s23 =	simm.s32 $0x1B8B  }
0xa8: {  	_ =	swait.ge [sflag:s23], $0x1  }
0xa9: {  	[sflag:s23] =	ssyncset.done $0x0  }
0xaa: {  	s25 =	simm.s32 $0x1B8E;
	s24 =	sld [smem:$0x3FFE];
	[sflag:s23] =	ssyncadd.s32 $0xFFFFFFFF  }
0xab: {  	s26 =	simm.s32 $execute0_lowered;
	[smem:$0x3FD2] =	sst s25  }
0xac: {  	s5 =	sshll.u32 s26, $0x1;
	_ =	strace $0x80000046;
	[dreg:$0x1] =	wrdreg $0xFFFFFFFF  }
0xad: {  	s28 =	simm.s32 $_size_execute0_lowered;
	s3 =	sadd.s32 s3, s5;
	[dreg:$0x0] =	wrdreg $0x0  }
0xae: {  	s5 =	sshll.u32 s28, $0x1;
	[dreg:$0x2] =	wrdreg s3  }
0xaf: {  	[dreg:$0x3] =	wrdreg s5  }
0xb0: {  	[dreg:$0x4] =	wrdreg $0xC0  }
0xb1: {  	_ =	task [dreg:s7], $0x5FFFF  }
0xb2: {  	[dreg:$0x1] =	wrdreg $0xFFFFFFFF  }
0xb3: {  	[dreg:$0x0] =	wrdreg $0x60  }
0xb4: {  	[dreg:$0x2] =	wrdreg s24  }
0xb5: {  	[dreg:$0x3] =	wrdreg s16  }
0xb6: {  	[dreg:$0x4] =	wrdreg $0x43000  }
0xb7: {  	[dreg:$0x5] =	wrdreg $0x9  }
0xb8: {  	_ =	task.clear_ibuf [dreg:s7], $0x6FFFF;
	_ =	strace $0x90000046  }
0xb9: {  	s29 =	simm.s32 $0x9;
	_ =	strace $0x80000048  }
0xba: {  	_ =	swait.ge [sflag:s29], $0x1  }
0xbb: {  	[sflag:s29] =	ssyncadd.s32 $0xFFFFFFFF  }
0xbc: {  	_ =	strace $0x90000048  }
0xbd: {  	_ =	sfence  }
0xbe: {  	s30 =	sld [smem:$0x0];
	_ =	sdelay $0x2  }
0xbf: {  	s31 =	sshll.u32 s1, $0xD;
	s1 =	sshrl.u32 s1, $0x2  }
0xc0: {  	s3 =	sand.u32 $0x4000, s31;
	s1 =	sadd.s32 s1, s30  }
0xc1: {  	s0 =	sor.u32 s3, s0;
	s1 =	sshll.u32 s1, $0x11  }
0xc2: {  	s0 =	sor.u32 s1, s0  }
0xc3: {  	s0 =	sadd.s32 $0x8F2B, s0  }
0xc4: {  	[sflag:s0] =	ssyncadd.remote.s32 $0x1  }
0xc5: {  	_ =	sfence.sel $0xFFFF  }
0xc6: {  	[dreg:$0x0] =	wrdreg $0xFFFFFFFF;
	(pc) =	sbr.abs _section_cstart, $3  }
0xc7: {  	[dreg:$0x1] =	wrdreg $0xFFFFFFFF  }
0xc8: {  	_ =	task.clear_ibuf [dreg:s7], $0x2FFFF;
	_ =	strace $0x9FFFFFFF  }
0xc9: {  	(tm) =	ssettm $0x7FFFFFFF  }
tec
execute0_lowered:
.L_overlay_start_1:
0x0: {  	(tag) =	ssettag $0x1  }
0x1: {  	s0 =	rddreg [dreg:$0x0];
	s5 =	stileid.u32  }
0x2: {  	s1 =	srdreg.scid;
	s3 =	rddreg [dreg:$0x2];
	s4 =	simm.s32 $0x0  }
0x3: {  	s24 =	simm.s32 $0x300;
	s28 =	simm.s32 $0x80;
	s2 =	smul.u32 $0x3100, s5  }
0x4: {  	s29 =	simm.s32 $0x100;
	s30 =	simm.s32 $0x3;
	s6 =	smul.u32 $0x620, s5  }
0x5: {  	s31 =	simm.s32 $0x200;
	s1 =	sand.u32 $0x1, s1;
	s7 =	smul.u32 $0x62000, s5  }
0x6: {  	[smem:$0x7FF] =	sst s4;
	s5 =	sadd.s32 $0x3E00, s0;
	s8 =	smul.u32 $0x6200, s1  }
0x7: {  	_ =	strace $0x80000047;
	s1 =	ssub.s32 $0x2, s1;
	s2 =	sadd.s32 s2, s0  }
0x8: {  	s7 =	sshrl.u32 s7, $0x2;
	s9 =	sshrl.u32 s1, $0x1;
	s6 =	sadd.s32 s6, s8  }
0x9: {  	s1 =	ssub.s32 s1, s9;
	s13 =	sadd.s32 $0x6200, s8;
	s20 =	sadd.s32 $0x65E00, s2  }
0xa: {  	s21 =	sadd.s32 $0x65E20, s2;
	s2 =	simm.s32 $0x2300;
	s6 =	sshll.u32 s6, $0x3  }
0xb: {  	v0 =	vmov s8;
	s8 =	simm.s32 $0x5;
	s0 =	sadd.s32 s6, s0;
	s6 =	sadd.s32 s7, s3  }
0xc: {  	s23 =	smax.u32 s1, $0x1;
	s1 =	simm.s32 $0x2;
	s7 =	sadd.s32 $0x1C00, s6  }
0xd: {  	s25 =	sadd.s32 $0x3800, s6;
	s26 =	sadd.s32 $0x5400, s6;
	s9 =	sadd.s32 $0x7000, s6  }
0xe: {  	s10 =	sadd.s32 $0x8C00, s6;
	s11 =	sadd.s32 $0xA800, s6;
	[dreg:$0x4] =	wrdreg s7  }
0xf: {  	s12 =	sadd.s32 $0xC400, s6;
	s14 =	sadd.s32 $0xE000, s6;
	[dreg:$0x5] =	wrdreg s25  }
0x10: {  	s15 =	sadd.s32 $0xFC00, s6;
	s16 =	sadd.s32 $0x11800, s6;
	[dreg:$0x6] =	wrdreg s26  }
.Ltmp0:
0x11: {  	s17 =	sadd.s32 $0x13400, s6;
	[dreg:$0x7] =	wrdreg s9;
	(pc) =	sbr.rel .LBB2_1-.Ltmp0, $4  }
0x12: {  	s18 =	sadd.s32 $0x15000, s6;
	s19 =	sadd.s32 $0x16C00, s6;
	[dreg:$0x8] =	wrdreg s10  }
0x13: {  	s22 =	sadd.s32 $0x24F400, s0;
	s0 =	simm.s32 $0x4;
	[dreg:$0x9] =	wrdreg s11  }
0x14: {  	[dreg:$0xa] =	wrdreg s12;
	s25 =	simm.s32 $0x7;
	s26 =	simm.s32 $0x1  }
0x15: {  	v1 =	vmov s13;
	s7 =	simm.s32 $0x280;
	s9 =	simm.s32 $0x6;
	s10 =	simm.s32 $0x0  }
.LBB2_4:
0x16: {  	_ =	swait.ge [sflag:s8], $0x2000  }
0x17: {  	[sflag:s8] =	ssyncset.done $0x0  }
0x18: {  	[sflag:s8] =	ssyncadd.s32 $0xFFFFE000  }
0x19: {  	s11 =	stileid.u32;
	_ =	swait.ge [sflag:s9], $0x2000  }
0x1a: {  	s12 =	sshrl.u32 s6, $0x3;
	s10 =	sadd.s32 $0x1, s10;
	[sflag:s9] =	ssyncset.done $0x0  }
0x1b: {  	s11 =	sshll.u32 s11, $0x6;
	p0 =	sne.s32 s10, s23;
	[sflag:s9] =	ssyncadd.s32 $0xFFFFE000  }
.Ltmp1:
0x1c: {  	s11 =	sor.u32 $0x1C07, s11;
	[bflag:$0x0] =	sbarrier.arrive $0xFFFF;
	(pc) =	sbr.rel @!p0 .LBB2_5-.Ltmp1, $4  }
0x1d: {  	[hbm:s22], [sflag:s11] =	dma.local [spmem:s12], $0x3100  }
0x1e: {  	_ =	swait.ge [sflag:s25], $0x3100  }
0x1f: {  	[sflag:s25] =	ssyncset.done $0x0  }
0x20: {  	[sflag:s25] =	ssyncadd.s32 $0xFFFFCF00  }
.LBB2_1:
0x21: {  	s11 =	rddreg [dreg:$0x1]  }
0x22: {  	[tilespmem:s24], [sflag:$0x7] =	stream.linear.gather [hbm4b:s11+s4], $0x1C00, $0x38;
	[tilespmem:$0x1CB40] =	vst v63  }
0x23: {  	_ =	swait.ge [sflag:s25], $0x1C00  }
0x24: {  	[sflag:s25] =	ssyncset.done $0x0  }
0x25: {  	[sflag:s25] =	ssyncadd.s32 $0xFFFFE400  }
0x26: {  	[spmem:s6] =	stream.linear.scatter [tilespmem:s24], [sflag:$0x7], $0x1C00, $0x38;
	[tilespmem:$0x1CB40] =	vst v63  }
0x27: {  	_ =	swait.ge [sflag:s25], $0x1C00  }
0x28: {  	[sflag:s25] =	ssyncset.done $0x0  }
0x29: {  	s13 =	rddreg [dreg:$0x4];
	[sflag:s25] =	ssyncadd.s32 $0xFFFFE400  }
0x2a: {  	[spmem:s13] =	stream.linear.scatter [tilespmem:s24], [sflag:$0x7], $0x1C00, $0x38;
	[tilespmem:$0x1CB40] =	vst v63  }
0x2b: {  	_ =	swait.ge [sflag:s25], $0x1C00  }
0x2c: {  	[sflag:s25] =	ssyncset.done $0x0  }
0x2d: {  	s12 =	rddreg [dreg:$0x5];
	[sflag:s25] =	ssyncadd.s32 $0xFFFFE400  }
0x2e: {  	[spmem:s12] =	stream.linear.scatter [tilespmem:s24], [sflag:$0x7], $0x1C00, $0x38;
	[tilespmem:$0x1CB40] =	vst v63  }
0x2f: {  	_ =	swait.ge [sflag:s25], $0x1C00  }
0x30: {  	[sflag:s25] =	ssyncset.done $0x0  }
0x31: {  	s13 =	rddreg [dreg:$0x6];
	[sflag:s25] =	ssyncadd.s32 $0xFFFFE400  }
0x32: {  	[spmem:s13] =	stream.linear.scatter [tilespmem:s24], [sflag:$0x7], $0x1C00, $0x38;
	[tilespmem:$0x1CB40] =	vst v63  }
0x33: {  	_ =	swait.ge [sflag:s25], $0x1C00  }
0x34: {  	[sflag:s25] =	ssyncset.done $0x0  }
0x35: {  	s12 =	rddreg [dreg:$0x7];
	[sflag:s25] =	ssyncadd.s32 $0xFFFFE400  }
0x36: {  	[spmem:s12] =	stream.linear.scatter [tilespmem:s24], [sflag:$0x7], $0x1C00, $0x38;
	[tilespmem:$0x1CB40] =	vst v63  }
0x37: {  	_ =	swait.ge [sflag:s25], $0x1C00  }
0x38: {  	[sflag:s25] =	ssyncset.done $0x0  }
0x39: {  	s13 =	rddreg [dreg:$0x8];
	[sflag:s25] =	ssyncadd.s32 $0xFFFFE400  }
0x3a: {  	[spmem:s13] =	stream.linear.scatter [tilespmem:s24], [sflag:$0x7], $0x1C00, $0x38;
	[tilespmem:$0x1CB40] =	vst v63  }
0x3b: {  	_ =	swait.ge [sflag:s25], $0x1C00  }
0x3c: {  	[sflag:s25] =	ssyncset.done $0x0  }
0x3d: {  	s12 =	rddreg [dreg:$0x9];
	[sflag:s25] =	ssyncadd.s32 $0xFFFFE400  }
0x3e: {  	[spmem:s12] =	stream.linear.scatter [tilespmem:s24], [sflag:$0x7], $0x1C00, $0x38;
	[tilespmem:$0x1CB40] =	vst v63  }
0x3f: {  	_ =	swait.ge [sflag:s25], $0x1C00  }
0x40: {  	[sflag:s25] =	ssyncset.done $0x0  }
0x41: {  	s13 =	rddreg [dreg:$0xa];
	[sflag:s25] =	ssyncadd.s32 $0xFFFFE400  }
0x42: {  	[spmem:s13] =	stream.linear.scatter [tilespmem:s24], [sflag:$0x7], $0x1C00, $0x38;
	[tilespmem:$0x1CB40] =	vst v63  }
0x43: {  	_ =	swait.ge [sflag:s25], $0x1C00  }
0x44: {  	[sflag:s25] =	ssyncset.done $0x0  }
0x45: {  	[sflag:s25] =	ssyncadd.s32 $0xFFFFE400  }
0x46: {  	[spmem:s14] =	stream.linear.scatter [tilespmem:s24], [sflag:$0x7], $0x1C00, $0x38;
	[tilespmem:$0x1CB40] =	vst v63  }
0x47: {  	_ =	swait.ge [sflag:s25], $0x1C00  }
0x48: {  	[sflag:s25] =	ssyncset.done $0x0  }
0x49: {  	[sflag:s25] =	ssyncadd.s32 $0xFFFFE400  }
0x4a: {  	[spmem:s15] =	stream.linear.scatter [tilespmem:s24], [sflag:$0x7], $0x1C00, $0x38;
	[tilespmem:$0x1CB40] =	vst v63  }
0x4b: {  	_ =	swait.ge [sflag:s25], $0x1C00  }
0x4c: {  	[sflag:s25] =	ssyncset.done $0x0  }
0x4d: {  	[sflag:s25] =	ssyncadd.s32 $0xFFFFE400  }
0x4e: {  	[spmem:s16] =	stream.linear.scatter [tilespmem:s24], [sflag:$0x7], $0x1C00, $0x38;
	[tilespmem:$0x1CB40] =	vst v63  }
0x4f: {  	_ =	swait.ge [sflag:s25], $0x1C00  }
0x50: {  	[sflag:s25] =	ssyncset.done $0x0  }
0x51: {  	[sflag:s25] =	ssyncadd.s32 $0xFFFFE400  }
0x52: {  	[spmem:s17] =	stream.linear.scatter [tilespmem:s24], [sflag:$0x7], $0x1C00, $0x38;
	[tilespmem:$0x1CB40] =	vst v63  }
0x53: {  	_ =	swait.ge [sflag:s25], $0x1C00  }
0x54: {  	[sflag:s25] =	ssyncset.done $0x0  }
0x55: {  	[sflag:s25] =	ssyncadd.s32 $0xFFFFE400  }
0x56: {  	[spmem:s18] =	stream.linear.scatter [tilespmem:s24], [sflag:$0x7], $0x1C00, $0x38;
	[tilespmem:$0x1CB40] =	vst v63  }
0x57: {  	_ =	swait.ge [sflag:s25], $0x1C00  }
0x58: {  	[sflag:s25] =	ssyncset.done $0x0  }
0x59: {  	[sflag:s25] =	ssyncadd.s32 $0xFFFFE400  }
0x5a: {  	[spmem:s19] =	stream.linear.scatter [tilespmem:s24], [sflag:$0x7], $0x1C00, $0x38;
	[tilespmem:$0x1CB40] =	vst v63  }
0x5b: {  	_ =	swait.ge [sflag:s25], $0x1C00  }
0x5c: {  	[sflag:s25] =	ssyncset.done $0x0  }
0x5d: {  	[sflag:s25] =	ssyncadd.s32 $0xFFFFE400  }
0x5e: {  	[bflag:$0x0] =	sbarrier.arrive $0xFFFF  }
0x5f: {  	[tilespmem:s4], [sflag:$0x1] =	stream.linear.gather [hbm4b:s20+s4], $0x100, $0x38;
	[tilespmem:$0x1CB40] =	vst v63  }
0x60: {  	_ =	swait.ge [sflag:s26], $0x100  }
0x61: {  	[sflag:s26] =	ssyncset.done $0x0  }
0x62: {  	[sflag:s26] =	ssyncadd.s32 $0xFFFFFF00  }
0x63: {  	v2 =	vld [tilespmem:$0x80]  }
0x64: {  	v3 =	vld [tilespmem:$0x90]  }
0x65: {  	v4 =	vld [tilespmem:$0xA0]  }
0x66: {  	v5 =	vld [tilespmem:$0xB0]  }
0x67: {  	v6 =	vld [tilespmem:$0xC0]  }
0x68: {  	v7 =	vld [tilespmem:$0xD0]  }
0x69: {  	v8 =	vld [tilespmem:$0xE0];
	vm0 =	vge.s32 v2, v0;
	vm1 =	vlt.s32 v2, v1;
	v2 =	vsub.s32 v2, v0  }
0x6a: {  	vm12 =	vge.s32 v3, v0;
	vm2 =	vlt.s32 v3, v1;
	v3 =	vsub.s32 v3, v0  }
0x6b: {  	vm14 =	vge.s32 v4, v0;
	vm15 =	vlt.s32 v4, v1;
	vm4 =	vge.s32 v5, v0  }
0x6c: {  	vm5 =	vlt.s32 v5, v1;
	v4 =	vsub.s32 v4, v0;
	v5 =	vsub.s32 v5, v0  }
0x6d: {  	vm6 =	vge.s32 v6, v0;
	vm7 =	vlt.s32 v6, v1;
	vm8 =	vge.s32 v7, v0  }
0x6e: {  	v9 =	vld [tilespmem:$0xF0];
	vm3 =	vlt.s32 v7, v1;
	vm10 =	vge.s32 v8, v0;
	vm0 =	vmand vm0, vm1  }
0x6f: {  	vm11 =	vlt.s32 v8, v1;
	vm13 =	vmand vm12, vm2;
	v2 =	vnsel vm0, $0x6200, v2  }
0x70: {  	vm1 =	vmand vm4, vm5;
	vm9 =	vmand vm8, vm3;
	v3 =	vnsel vm13, $0x6200, v3;
	[tilespmem:$0x200] =	vst v2  }
0x71: {  	vm12 =	vmand vm10, vm11;
	vm0 =	vmand vm14, vm15;
	v5 =	vnsel vm1, $0x6200, v5;
	[tilespmem:$0x210] =	vst v3  }
0x72: {  	v4 =	vnsel vm0, $0x6200, v4;
	vm0 =	vmand vm6, vm7;
	v2 =	vsub.s32 v6, v0;
	[tilespmem:$0x230] =	vst v5  }
0x73: {  	vm13 =	vge.s32 v9, v0;
	v3 =	vsub.s32 v7, v0;
	[tilespmem:$0x220] =	vst v4;
	v2 =	vnsel vm0, $0x6200, v2  }
0x74: {  	vm14 =	vlt.s32 v9, v1;
	v3 =	vnsel vm9, $0x6200, v3;
	[tilespmem:$0x240] =	vst v2;
	v2 =	vsub.s32 v8, v0  }
0x75: {  	vm15 =	vmand vm13, vm14;
	[tilespmem:$0x250] =	vst v3;
	v3 =	vsub.s32 v9, v0;
	v2 =	vnsel vm12, $0x6200, v2  }
0x76: {  	[tilespmem:$0x260] =	vst v2;
	v2 =	vnsel vm15, $0x6200, v3  }
0x77: {  	[tilespmem:$0x270] =	vst v2  }
0x78: {  	[tilespmem:s24], [sflag:$0x3] =	stream.indirect.gather [hbm4b:s5+s28], $0x40, s4, s28, $0xb8;
	[tilespmem:$0x1CB40] =	vst v63  }
0x79: {  	s11 =	simm.s32 $0x0  }
0x7a: {  	[tilespmem:s29], [sflag:$0x2] =	stream.linear.gather [hbm4b:s21+s4], $0x100, $0x38;
	[tilespmem:$0x1CB40] =	vst v63  }
.LBB2_2:
0x7b: {  	_ =	swait.ge [sflag:s30], $0x2000  }
0x7c: {  	p0 =	seq.s32 s11, $0x30C0;
	[sflag:s30] =	ssyncset.done $0x0  }
0x7d: {  	s12 =	sadd.s32 @!p0 s11, s20;
	[sflag:s30] =	ssyncadd.s32 $0xFFFFE000  }
0x7e: {  	[spmem:s3] =	stream.indirect.scatter.add.f32 [tilespmem:s24], [sflag:$0x5], $0x40, s31, s28, $0xb8;
	[tilespmem:$0x1CB40] =	vst v63  }
0x7f: {  	s13 =	simm.s32 @!p0 $0x0;
	s12 =	sadd.s32 @!p0 $0x40, s12  }
0x80: {  	[tilespmem:s13], [sflag:$0x1] =	stream.linear.gather @!p0 [hbm4b:s12+s13], $0x100, $0x38;
	[tilespmem:$0x1CB40] =	vst v63  }
0x81: {  	_ =	swait.ge [sflag:s1], $0x100  }
0x82: {  	p1 =	seq.s32 s11, $0x0;
	[sflag:s1] =	ssyncset.done $0x0  }
0x83: {  	s12 =	simm.s32 @!p1 $0x6;
	[sflag:s1] =	ssyncadd.s32 $0xFFFFFF00  }
0x84: {  	_ =	swait.ge @!p1 [sflag:s12], $0x2000  }
0x85: {  	[sflag:s12] =	ssyncset.done @!p1 $0x0  }
0x86: {  	[sflag:s12] =	ssyncadd.s32 @!p1 $0xFFFFE000  }
0x87: {  	v2 =	vld [tilespmem:$0x180]  }
0x88: {  	v3 =	vld [tilespmem:$0x190]  }
0x89: {  	v4 =	vld [tilespmem:$0x1A0]  }
0x8a: {  	v5 =	vld [tilespmem:$0x1B0]  }
0x8b: {  	v6 =	vld [tilespmem:$0x1C0]  }
0x8c: {  	v7 =	vld [tilespmem:$0x1D0]  }
0x8d: {  	v8 =	vld [tilespmem:$0x1E0];
	vm0 =	vge.s32 v2, v0;
	vm1 =	vlt.s32 v2, v1;
	v2 =	vsub.s32 v2, v0  }
0x8e: {  	vm12 =	vge.s32 v3, v0;
	vm2 =	vlt.s32 v3, v1;
	v3 =	vsub.s32 v3, v0  }
0x8f: {  	vm14 =	vge.s32 v4, v0;
	vm15 =	vlt.s32 v4, v1;
	vm4 =	vge.s32 v5, v0  }
0x90: {  	vm5 =	vlt.s32 v5, v1;
	v4 =	vsub.s32 v4, v0;
	v5 =	vsub.s32 v5, v0  }
0x91: {  	vm6 =	vge.s32 v6, v0;
	vm7 =	vlt.s32 v6, v1;
	vm8 =	vge.s32 v7, v0  }
0x92: {  	v9 =	vld [tilespmem:$0x1F0];
	vm3 =	vlt.s32 v7, v1;
	vm10 =	vge.s32 v8, v0;
	vm0 =	vmand vm0, vm1  }
0x93: {  	vm11 =	vlt.s32 v8, v1;
	vm13 =	vmand vm12, vm2;
	v2 =	vnsel vm0, $0x6200, v2  }
0x94: {  	vm1 =	vmand vm4, vm5;
	vm9 =	vmand vm8, vm3;
	v3 =	vnsel vm13, $0x6200, v3;
	[tilespmem:$0x280] =	vst v2  }
0x95: {  	vm12 =	vmand vm10, vm11;
	vm0 =	vmand vm14, vm15;
	v5 =	vnsel vm1, $0x6200, v5;
	[tilespmem:$0x290] =	vst v3  }
0x96: {  	v4 =	vnsel vm0, $0x6200, v4;
	vm0 =	vmand vm6, vm7;
	v2 =	vsub.s32 v6, v0;
	[tilespmem:$0x2B0] =	vst v5  }
0x97: {  	vm13 =	vge.s32 v9, v0;
	v3 =	vsub.s32 v7, v0;
	[tilespmem:$0x2A0] =	vst v4;
	v2 =	vnsel vm0, $0x6200, v2  }
0x98: {  	vm14 =	vlt.s32 v9, v1;
	v3 =	vnsel vm9, $0x6200, v3;
	[tilespmem:$0x2C0] =	vst v2;
	v2 =	vsub.s32 v8, v0  }
0x99: {  	vm15 =	vmand vm13, vm14;
	[tilespmem:$0x2D0] =	vst v3;
	v3 =	vsub.s32 v9, v0;
	v2 =	vnsel vm12, $0x6200, v2  }
0x9a: {  	[tilespmem:$0x2E0] =	vst v2;
	v2 =	vnsel vm15, $0x6200, v3  }
0x9b: {  	[tilespmem:$0x2F0] =	vst v2  }
0x9c: {  	[tilespmem:s2], [sflag:$0x4] =	stream.indirect.gather [hbm4b:s5+s28], $0x40, s29, s28, $0xb8;
	[tilespmem:$0x1CB40] =	vst v63  }
.Ltmp2:
0x9d: {  	_ = 	snop;
	(pc) =	sbr.rel @p0 .LBB2_4-.Ltmp2, $4  }
0x9e: {  	_ =	swait.ge [sflag:s0], $0x2000  }
0x9f: {  	[sflag:s0] =	ssyncset.done $0x0  }
0xa0: {  	[sflag:s0] =	ssyncadd.s32 $0xFFFFE000  }
0xa1: {  	[spmem:s3] =	stream.indirect.scatter.add.f32 [tilespmem:s2], [sflag:$0x6], $0x40, s7, s28, $0xb8;
	[tilespmem:$0x1CB40] =	vst v63  }
0xa2: {  	s12 =	sadd.s32 s11, s20  }
0xa3: {  	s12 =	sadd.s32 $0x60, s12  }
0xa4: {  	[tilespmem:s29], [sflag:$0x2] =	stream.linear.gather [hbm4b:s12+s4], $0x100, $0x38;
	[tilespmem:$0x1CB40] =	vst v63  }
0xa5: {  	_ =	swait.ge [sflag:s8], $0x2000  }
0xa6: {  	[sflag:s8] =	ssyncset.done $0x0  }
0xa7: {  	[sflag:s8] =	ssyncadd.s32 $0xFFFFE000  }
0xa8: {  	_ =	swait.ge [sflag:s26], $0x100  }
0xa9: {  	[sflag:s26] =	ssyncset.done $0x0  }
0xaa: {  	[sflag:s26] =	ssyncadd.s32 $0xFFFFFF00  }
0xab: {  	v2 =	vld [tilespmem:$0x80]  }
0xac: {  	v3 =	vld [tilespmem:$0x90]  }
0xad: {  	v4 =	vld [tilespmem:$0xA0]  }
0xae: {  	v5 =	vld [tilespmem:$0xB0]  }
0xaf: {  	v6 =	vld [tilespmem:$0xC0]  }
0xb0: {  	v7 =	vld [tilespmem:$0xD0]  }
0xb1: {  	v8 =	vld [tilespmem:$0xE0];
	vm0 =	vge.s32 v2, v0;
	vm1 =	vlt.s32 v2, v1;
	v2 =	vsub.s32 v2, v0  }
0xb2: {  	vm12 =	vge.s32 v3, v0;
	vm2 =	vlt.s32 v3, v1;
	v3 =	vsub.s32 v3, v0  }
0xb3: {  	vm14 =	vge.s32 v4, v0;
	vm15 =	vlt.s32 v4, v1;
	vm4 =	vge.s32 v5, v0  }
0xb4: {  	vm5 =	vlt.s32 v5, v1;
	v4 =	vsub.s32 v4, v0;
	v5 =	vsub.s32 v5, v0  }
0xb5: {  	vm6 =	vge.s32 v6, v0;
	vm7 =	vlt.s32 v6, v1;
	vm8 =	vge.s32 v7, v0  }
0xb6: {  	v9 =	vld [tilespmem:$0xF0];
	vm3 =	vlt.s32 v7, v1;
	vm10 =	vge.s32 v8, v0;
	vm0 =	vmand vm0, vm1  }
0xb7: {  	vm11 =	vlt.s32 v8, v1;
	vm13 =	vmand vm12, vm2;
	v2 =	vnsel vm0, $0x6200, v2  }
0xb8: {  	vm1 =	vmand vm4, vm5;
	vm9 =	vmand vm8, vm3;
	v3 =	vnsel vm13, $0x6200, v3;
	[tilespmem:$0x200] =	vst v2  }
0xb9: {  	vm12 =	vmand vm10, vm11;
	vm0 =	vmand vm14, vm15;
	v5 =	vnsel vm1, $0x6200, v5;
	[tilespmem:$0x210] =	vst v3  }
0xba: {  	v4 =	vnsel vm0, $0x6200, v4;
	vm0 =	vmand vm6, vm7;
	v2 =	vsub.s32 v6, v0;
	[tilespmem:$0x230] =	vst v5  }
0xbb: {  	vm13 =	vge.s32 v9, v0;
	v3 =	vsub.s32 v7, v0;
	[tilespmem:$0x220] =	vst v4;
	v2 =	vnsel vm0, $0x6200, v2  }
.Ltmp3:
0xbc: {  	vm14 =	vlt.s32 v9, v1;
	v3 =	vnsel vm9, $0x6200, v3;
	[tilespmem:$0x240] =	vst v2;
	v2 =	vsub.s32 v8, v0;
	(pc) =	sbr.rel .LBB2_2-.Ltmp3, $4  }
0xbd: {  	vm15 =	vmand vm13, vm14;
	[tilespmem:$0x250] =	vst v3;
	v3 =	vsub.s32 v9, v0;
	v2 =	vnsel vm12, $0x6200, v2  }
0xbe: {  	[tilespmem:$0x260] =	vst v2;
	v2 =	vnsel vm15, $0x6200, v3  }
0xbf: {  	s11 =	sadd.s32 $0x40, s11;
	[tilespmem:$0x270] =	vst v2  }
0xc0: {  	[tilespmem:s24], [sflag:$0x3] =	stream.indirect.gather [hbm4b:s5+s28], $0x40, s4, s28, $0xb8;
	[tilespmem:$0x1CB40] =	vst v63  }
.LBB2_5:
0xc1: {  	_ =	sfence.sel $0x180000  }
0xc2: {  	[bflag:$0x0] =	sbarrier.arrive $0xFFFF  }
0xc3: {  	_ =	strace $0x90000047  }
0xc4: {  	s0 =	stileid.u32;
	[bflag:$0x2] =	sbarrier.arrive $0xFFFF  }
0xc5: {  	p0 =	sne.s32 s0, $0x0;
	s0 =	rddreg [dreg:$0x3]  }
0xc6: {  	s0 =	sadd.s32 @!p0 $0x100000, s0  }
0xc7: {  	[sflag:s0] =	ssyncadd.tile.s32 @!p0 $0x1;
	_ =	shalt  }
.Lfunc_end2:
_tile_overlayer_lowered:
.L_overlay_start_2:
0xc8: {  	(tag) =	ssettag $0x2  }
0xc9: {  	s0 =	rddreg [dreg:$0x0];
	s2 =	stileid.u32  }
0xca: {  	s1 =	rddreg [dreg:$0x1];
	p0 =	sne.s32 s2, $0x0  }
0xcb: {  	s3 =	rddreg [dreg:$0x2];
	[bflag:$0x3] =	sbarrier.arrive $0xFFFF;
	s2 =	simm.s32 @!p0 $0x1C07  }
0xcc: {  	[timem:s3], [sflag:s2] =	dma.local @!p0 [hbm:s0], s1  }
0xcd: {  	s0 =	simm.s32 @!p0 $0x7  }
0xce: {  	_ =	swait.ge @!p0 [sflag:s0], s1  }
0xcf: {  	s1 =	ssub.s32 @!p0 $0x0, s1;
	[sflag:s0] =	ssyncset.done @!p0 $0x0  }
0xd0: {  	[sflag:s0] =	ssyncadd.s32 @!p0 s1  }
0xd1: {  	[bflag:$0x3] =	sbarrier.arrive $0xFFFF  }
0xd2: {  	_ =	shalt  }

</sc_bundles>
